<compile_context>
chip_gen: v7x
topology: tpu7x:2x2x1
jax: 0.10.2.dev20260603
libtpu: 0.0.44.dev20260713+nightly
codegen_flags: <defaults>
</compile_context>

<pallas_src>
import functools

import jax
import jax.numpy as jnp
from jax import lax
from jax.experimental import pallas as pl
from jax.experimental.pallas import tpu as pltpu
from jax.experimental.pallas import tpu_sc as plsc

D = 32
NW = 32
CHUNK = 128
LANES = 16
NBUF = 4
SEQ = 26
BATCH = 16384
IB = BATCH // CHUNK
TC_BK = 2048


def _tc_sum_transpose(t1t, t2t):
    v = t1t.shape[1]
    sub = TC_BK // 4
    nsteps = (v + TC_BK - 1) // TC_BK

    def body(a_ref, b_ref, o_ref):
        s = a_ref[...] + b_ref[...]
        o_ref[...] = jnp.concatenate(
            [s[:, u * sub:(u + 1) * sub].T for u in range(4)], axis=1)

    return pl.pallas_call(
        body,
        grid=(nsteps,),
        in_specs=[
            pl.BlockSpec((D, TC_BK), lambda i: (0, i)),
            pl.BlockSpec((D, TC_BK), lambda i: (0, i)),
        ],
        out_specs=pl.BlockSpec((sub, 4 * D), lambda i: (i, 0)),
        out_shape=jax.ShapeDtypeStruct((nsteps * sub, 4 * D), jnp.float32),
        compiler_params=pltpu.CompilerParams(
            dimension_semantics=("arbitrary",)),
    )(t1t, t2t)


def _make_sc_kernel(nchunk):
    mesh = plsc.VectorSubcoreMesh(core_axis_name="c", subcore_axis_name="s")
    nrounds = nchunk // NBUF

    @functools.partial(
        pl.kernel,
        mesh=mesh,
        compiler_params=pltpu.CompilerParams(
            use_tc_tiling_on_sc=False, needs_layout_passes=False),
        out_type=jax.ShapeDtypeStruct((SEQ, D // 8, IB, 8 * CHUNK), jnp.float32),
        scratch_types=[
            pltpu.VMEM((nchunk, CHUNK), jnp.int32),
            pltpu.VMEM((NBUF, CHUNK, D), jnp.float32),
            pltpu.VMEM((NBUF, D // 8 * 8 * CHUNK), jnp.float32),
        ] + [pltpu.SemaphoreType.DMA] * (2 * NBUF),
    )
    def sc_kernel(x_hbm, tab_hbm, out_hbm, idx_v, a_v, c_v, *sems):
        sga = sems[0:NBUF]
        so = sems[NBUF:2 * NBUF]

        wid = lax.axis_index("s") * 2 + lax.axis_index("c")
        pltpu.sync_copy(x_hbm.at[wid], idx_v)
        kbase = wid * nchunk

        iot = lax.iota(jnp.int32, LANES)
        rowvs = [iot + (g * LANES) for g in range(CHUNK // LANES)]

        def issue_gather(n, s):
            pltpu.async_copy(tab_hbm.at[idx_v.at[n]], a_v.at[s], sga[s])

        def issue_out(n, s):
            k = kbase + n
            j = k // IB
            ib = k % IB
            for q in range(D // 8):
                pltpu.async_copy(
                    c_v.at[s, pl.ds(q * 8 * CHUNK, 8 * CHUNK)],
                    out_hbm.at[j, q, ib], so[s])

        def wait_out(s):
            for q in range(D // 8):
                pltpu.make_async_copy(
                    c_v.at[s, pl.ds(q * 8 * CHUNK, 8 * CHUNK)],
                    out_hbm.at[0, q, 0], so[s]).wait()

        for s in range(NBUF):
            issue_gather(s, s)

        def round_body(g, carry):
            for s in range(NBUF):
                n = g * NBUF + s
                pltpu.make_async_copy(
                    tab_hbm.at[idx_v.at[n]], a_v.at[s], sga[s]).wait()

                def col_body(c0, c2):
                    colv = (c0 + iot) & (D - 1)
                    cpart = ((colv >> 3) << 10) + ((colv & 7) << 7)
                    for gr in range(CHUNK // LANES):
                        av = plsc.load_gather(a_v.at[s], [rowvs[gr], colv])
                        plsc.store_scatter(
                            c_v.at[s], [cpart + rowvs[gr]], av)
                    return c2

                lax.fori_loop(0, D, col_body, 0)

                @pl.when(g < nrounds - 1)
                def _():
                    issue_gather(n + NBUF, s)

                @pl.when(g > 0)
                def _():
                    wait_out(s)

                issue_out(n, s)
            return carry

        lax.fori_loop(0, nrounds, round_body, 0)
        for s in range(NBUF):
            wait_out(s)

    return sc_kernel


def kernel(x, table_1, table_2):
    rows, seq = x.shape
    flat = rows * seq
    per_w = flat // NW
    nchunk = per_w // CHUNK
    sub = TC_BK // 4
    w = x % TC_BK
    xp = (x - w) + (w % sub) * 4 + w // sub
    xf = xp.T.reshape(NW, nchunk, CHUNK)
    summed = _tc_sum_transpose(table_1.T, table_2.T)
    out = _make_sc_kernel(nchunk)(
        xf, summed.reshape(summed.shape[0] * 4, D))
    out = out.reshape(SEQ, D // 8, IB, 8, CHUNK)
    return out.transpose(2, 4, 0, 1, 3).reshape(rows, seq, D)

# --- scband reference (transcript-rebuilt; emitter-appended) ---
"""Pipeline reference for scband-embedding-41489384079693 (READ-ONLY COPY).

The authoritative reference and input builder live on the scoring server;
editing this copy changes nothing except your own understanding.
"""

import jax, jax.numpy as jnp
import numpy as np

VOCAB = 1000000
EMBED = 32

def setup_inputs(seed: int = 0) -> dict:
    key = jax.random.key(seed)
    k1, k2, k3 = jax.random.split(key, 3)
    x = jax.random.randint(k1, (16384, 26), 0, VOCAB, dtype=jnp.int64 if jax.config.jax_enable_x64 else jnp.int32).astype(jnp.int32)
    table_1 = jax.random.normal(k2, (VOCAB, EMBED), dtype=jnp.float32)
    table_2 = jax.random.normal(k3, (VOCAB, EMBED), dtype=jnp.float32)
    return {"x": x, "table_1": table_1, "table_2": table_2}

def reference(x, table_1, table_2):
    out = jnp.take(table_1, x, axis=0)
    out = out + jnp.take(table_2, x, axis=0)
    return out

if __name__ == "__main__":
    import jax
    _d = setup_inputs()
    print(jax.jit(kernel)(*tuple(_d.values())))

</pallas_src>

<mosaic_0001>
#map = affine_map<(d0, d1) -> (0, 0, 0)>
#map1 = affine_map<(d0, d1) -> (0, 0)>
#map2 = affine_map<(d0, d1) -> (0, 0, 0, 0)>
module attributes {stable_mosaic.version = 14 : i64} {
  func.func @sc_kernel(%arg0: i32, %arg1: i32, %arg2: memref<32x104x128xi32, #tpu.memory_space<hbm>>, %arg3: memref<1001472x32xf32, #tpu.memory_space<hbm>>, %arg4: memref<26x4x128x1024xf32, #tpu.memory_space<hbm>>, %arg5: memref<104x128xi32, #tpu.memory_space<vmem>>, %arg6: memref<4x128x32xf32, #tpu.memory_space<vmem>>, %arg7: memref<4x4096xf32, #tpu.memory_space<vmem>>, %arg8: memref<!tpu.dma_semaphore, #tpu.memory_space<semaphore_mem>>, %arg9: memref<!tpu.dma_semaphore, #tpu.memory_space<semaphore_mem>>, %arg10: memref<!tpu.dma_semaphore, #tpu.memory_space<semaphore_mem>>, %arg11: memref<!tpu.dma_semaphore, #tpu.memory_space<semaphore_mem>>, %arg12: memref<!tpu.dma_semaphore, #tpu.memory_space<semaphore_mem>>, %arg13: memref<!tpu.dma_semaphore, #tpu.memory_space<semaphore_mem>>, %arg14: memref<!tpu.dma_semaphore, #tpu.memory_space<semaphore_mem>>, %arg15: memref<!tpu.dma_semaphore, #tpu.memory_space<semaphore_mem>>) attributes {dimension_semantics = [#tpu.dimension_semantics<core_parallel>, #tpu.dimension_semantics<subcore_parallel>], iteration_bounds = array<i64: 2, 16>, scalar_prefetch = 0 : i64, scratch_operands = 11 : i64, tpu.core_type = #tpu.core_type<sc_vector_subcore>, window_params = [{transform_indices = #map}, {transform_indices = #map1}, {transform_indices = #map2}]} {
    %mul3A = arith.constant 2 : i32
    %mul3A_0 = arith.muli %arg1, %mul3A : i32
    %add3A = arith.addi %mul3A_0, %arg0 : i32
    "tpu.region"() ({
      %run_scoped3A = tpu.sem_alloc : memref<!tpu.dma_semaphore, #tpu.memory_space<semaphore_mem>>
      %dma_start3A_334 = arith.constant 0 : i32
      %dma_start3A_335 = arith.constant 0 : i32
      %dma_start3A_336 = tpu.memref_slice %arg2[%add3A, %dma_start3A_334, %dma_start3A_335] : memref<32x104x128xi32, #tpu.memory_space<hbm>> -> memref<1x104x128xi32, #tpu.memory_space<hbm>>
      %dma_start3A_337 = tpu.memref_squeeze %dma_start3A_336 : memref<1x104x128xi32, #tpu.memory_space<hbm>> -> memref<104x128xi32, #tpu.memory_space<hbm>>
      %dma_start3A_338 = arith.constant 0 : i32
      %dma_start3A_339 = arith.constant 0 : i32
      %dma_start3A_340 = tpu.memref_slice %arg2[%add3A, %dma_start3A_338, %dma_start3A_339] : memref<32x104x128xi32, #tpu.memory_space<hbm>> -> memref<1x104x128xi32, #tpu.memory_space<hbm>>
      %dma_start3A_341 = tpu.memref_squeeze %dma_start3A_340 : memref<1x104x128xi32, #tpu.memory_space<hbm>> -> memref<104x128xi32, #tpu.memory_space<hbm>>
      tpu.enqueue_dma source(%dma_start3A_341 : memref<104x128xi32, #tpu.memory_space<hbm>>) target(%arg5 : memref<104x128xi32, #tpu.memory_space<vmem>>) target_semaphore(%run_scoped3A : memref<!tpu.dma_semaphore, #tpu.memory_space<semaphore_mem>>)
      %dma_wait3A_342 = arith.constant 0 : i32
      %dma_wait3A_343 = arith.constant 0 : i32
      %dma_wait3A_344 = tpu.memref_slice %arg2[%add3A, %dma_wait3A_342, %dma_wait3A_343] : memref<32x104x128xi32, #tpu.memory_space<hbm>> -> memref<1x104x128xi32, #tpu.memory_space<hbm>>
      %dma_wait3A_345 = tpu.memref_squeeze %dma_wait3A_344 : memref<1x104x128xi32, #tpu.memory_space<hbm>> -> memref<104x128xi32, #tpu.memory_space<hbm>>
      %dma_wait3A_346 = arith.constant 0 : i32
      %dma_wait3A_347 = arith.constant 0 : i32
      %dma_wait3A_348 = tpu.memref_slice %arg2[%add3A, %dma_wait3A_346, %dma_wait3A_347] : memref<32x104x128xi32, #tpu.memory_space<hbm>> -> memref<1x104x128xi32, #tpu.memory_space<hbm>>
      %dma_wait3A_349 = tpu.memref_squeeze %dma_wait3A_348 : memref<1x104x128xi32, #tpu.memory_space<hbm>> -> memref<104x128xi32, #tpu.memory_space<hbm>>
      tpu.wait_dma2 semaphore(%run_scoped3A : memref<!tpu.dma_semaphore, #tpu.memory_space<semaphore_mem>>) src(%dma_wait3A_349 : memref<104x128xi32, #tpu.memory_space<hbm>>) dst(%arg5 : memref<104x128xi32, #tpu.memory_space<vmem>>)
      tpu.yield
    }) : () -> ()
    %mul3A_1 = arith.constant 104 : i32
    %mul3A_2 = arith.muli %add3A, %mul3A_1 : i32
    %iota3A = tpu.iota {dimensions = array<i32: 0>} : vector<16xi32>
    %add3A_3 = arith.constant 0 : i32
    %add3A_4 = vector.broadcast %add3A_3 : i32 to vector<16xi32>
    %add3A_5 = arith.addi %iota3A, %add3A_4 : vector<16xi32>
    %add3A_6 = arith.constant 16 : i32
    %add3A_7 = vector.broadcast %add3A_6 : i32 to vector<16xi32>
    %add3A_8 = arith.addi %iota3A, %add3A_7 : vector<16xi32>
    %add3A_9 = arith.constant 32 : i32
    %add3A_10 = vector.broadcast %add3A_9 : i32 to vector<16xi32>
    %add3A_11 = arith.addi %iota3A, %add3A_10 : vector<16xi32>
    %add3A_12 = arith.constant 48 : i32
    %add3A_13 = vector.broadcast %add3A_12 : i32 to vector<16xi32>
    %add3A_14 = arith.addi %iota3A, %add3A_13 : vector<16xi32>
    %add3A_15 = arith.constant 64 : i32
    %add3A_16 = vector.broadcast %add3A_15 : i32 to vector<16xi32>
    %add3A_17 = arith.addi %iota3A, %add3A_16 : vector<16xi32>
    %add3A_18 = arith.constant 80 : i32
    %add3A_19 = vector.broadcast %add3A_18 : i32 to vector<16xi32>
    %add3A_20 = arith.addi %iota3A, %add3A_19 : vector<16xi32>
    %add3A_21 = arith.constant 96 : i32
    %add3A_22 = vector.broadcast %add3A_21 : i32 to vector<16xi32>
    %add3A_23 = arith.addi %iota3A, %add3A_22 : vector<16xi32>
    %add3A_24 = arith.constant 112 : i32
    %add3A_25 = vector.broadcast %add3A_24 : i32 to vector<16xi32>
    %add3A_26 = arith.addi %iota3A, %add3A_25 : vector<16xi32>
    %dma_start3A = arith.constant 0 : i32
    %dma_start3A_27 = arith.constant 0 : i32
    %dma_start3A_28 = arith.constant 0 : i32
    %dma_start3A_29 = arith.constant 0 : i32
    %dma_start3A_30 = tpu.memref_slice %arg6[%dma_start3A_27, %dma_start3A_28, %dma_start3A_29] : memref<4x128x32xf32, #tpu.memory_space<vmem>> -> memref<1x128x32xf32, #tpu.memory_space<vmem>>
    %dma_start3A_31 = tpu.memref_squeeze %dma_start3A_30 : memref<1x128x32xf32, #tpu.memory_space<vmem>> -> memref<128x32xf32, #tpu.memory_space<vmem>>
    %dma_start3A_32 = arith.constant 0 : i32
    %dma_start3A_33 = tpu.memref_slice %arg5[%dma_start3A, %dma_start3A_32] : memref<104x128xi32, #tpu.memory_space<vmem>> -> memref<1x128xi32, #tpu.memory_space<vmem>>
    %dma_start3A_34 = tpu.memref_squeeze %dma_start3A_33 : memref<1x128xi32, #tpu.memory_space<vmem>> -> memref<128xi32, #tpu.memory_space<vmem>>
    %dma_start3A_35 = arith.constant 0 : i32
    %dma_start3A_36 = arith.constant 0 : i32
    %dma_start3A_37 = tpu.memref_slice %arg3[%dma_start3A_35, %dma_start3A_36] : memref<1001472x32xf32, #tpu.memory_space<hbm>> -> memref<1001472x32xf32, #tpu.memory_space<hbm>>
    tpu.enqueue_indirect_dma source(%dma_start3A_37 : memref<1001472x32xf32, #tpu.memory_space<hbm>>) target(%dma_start3A_31 : memref<128x32xf32, #tpu.memory_space<vmem>>) offsets(%dma_start3A_34 : memref<128xi32, #tpu.memory_space<vmem>>) semaphore(%arg8 : memref<!tpu.dma_semaphore, #tpu.memory_space<semaphore_mem>>)
    %dma_start3A_38 = arith.constant 1 : i32
    %dma_start3A_39 = arith.constant 1 : i32
    %dma_start3A_40 = arith.constant 0 : i32
    %dma_start3A_41 = arith.constant 0 : i32
    %dma_start3A_42 = tpu.memref_slice %arg6[%dma_start3A_39, %dma_start3A_40, %dma_start3A_41] : memref<4x128x32xf32, #tpu.memory_space<vmem>> -> memref<1x128x32xf32, #tpu.memory_space<vmem>>
    %dma_start3A_43 = tpu.memref_squeeze %dma_start3A_42 : memref<1x128x32xf32, #tpu.memory_space<vmem>> -> memref<128x32xf32, #tpu.memory_space<vmem>>
    %dma_start3A_44 = arith.constant 0 : i32
    %dma_start3A_45 = tpu.memref_slice %arg5[%dma_start3A_38, %dma_start3A_44] : memref<104x128xi32, #tpu.memory_space<vmem>> -> memref<1x128xi32, #tpu.memory_space<vmem>>
    %dma_start3A_46 = tpu.memref_squeeze %dma_start3A_45 : memref<1x128xi32, #tpu.memory_space<vmem>> -> memref<128xi32, #tpu.memory_space<vmem>>
    %dma_start3A_47 = arith.constant 0 : i32
    %dma_start3A_48 = arith.constant 0 : i32
    %dma_start3A_49 = tpu.memref_slice %arg3[%dma_start3A_47, %dma_start3A_48] : memref<1001472x32xf32, #tpu.memory_space<hbm>> -> memref<1001472x32xf32, #tpu.memory_space<hbm>>
    tpu.enqueue_indirect_dma source(%dma_start3A_49 : memref<1001472x32xf32, #tpu.memory_space<hbm>>) target(%dma_start3A_43 : memref<128x32xf32, #tpu.memory_space<vmem>>) offsets(%dma_start3A_46 : memref<128xi32, #tpu.memory_space<vmem>>) semaphore(%arg9 : memref<!tpu.dma_semaphore, #tpu.memory_space<semaphore_mem>>)
    %dma_start3A_50 = arith.constant 2 : i32
    %dma_start3A_51 = arith.constant 2 : i32
    %dma_start3A_52 = arith.constant 0 : i32
    %dma_start3A_53 = arith.constant 0 : i32
    %dma_start3A_54 = tpu.memref_slice %arg6[%dma_start3A_51, %dma_start3A_52, %dma_start3A_53] : memref<4x128x32xf32, #tpu.memory_space<vmem>> -> memref<1x128x32xf32, #tpu.memory_space<vmem>>
    %dma_start3A_55 = tpu.memref_squeeze %dma_start3A_54 : memref<1x128x32xf32, #tpu.memory_space<vmem>> -> memref<128x32xf32, #tpu.memory_space<vmem>>
    %dma_start3A_56 = arith.constant 0 : i32
    %dma_start3A_57 = tpu.memref_slice %arg5[%dma_start3A_50, %dma_start3A_56] : memref<104x128xi32, #tpu.memory_space<vmem>> -> memref<1x128xi32, #tpu.memory_space<vmem>>
    %dma_start3A_58 = tpu.memref_squeeze %dma_start3A_57 : memref<1x128xi32, #tpu.memory_space<vmem>> -> memref<128xi32, #tpu.memory_space<vmem>>
    %dma_start3A_59 = arith.constant 0 : i32
    %dma_start3A_60 = arith.constant 0 : i32
    %dma_start3A_61 = tpu.memref_slice %arg3[%dma_start3A_59, %dma_start3A_60] : memref<1001472x32xf32, #tpu.memory_space<hbm>> -> memref<1001472x32xf32, #tpu.memory_space<hbm>>
    tpu.enqueue_indirect_dma source(%dma_start3A_61 : memref<1001472x32xf32, #tpu.memory_space<hbm>>) target(%dma_start3A_55 : memref<128x32xf32, #tpu.memory_space<vmem>>) offsets(%dma_start3A_58 : memref<128xi32, #tpu.memory_space<vmem>>) semaphore(%arg10 : memref<!tpu.dma_semaphore, #tpu.memory_space<semaphore_mem>>)
    %dma_start3A_62 = arith.constant 3 : i32
    %dma_start3A_63 = arith.constant 3 : i32
    %dma_start3A_64 = arith.constant 0 : i32
    %dma_start3A_65 = arith.constant 0 : i32
    %dma_start3A_66 = tpu.memref_slice %arg6[%dma_start3A_63, %dma_start3A_64, %dma_start3A_65] : memref<4x128x32xf32, #tpu.memory_space<vmem>> -> memref<1x128x32xf32, #tpu.memory_space<vmem>>
    %dma_start3A_67 = tpu.memref_squeeze %dma_start3A_66 : memref<1x128x32xf32, #tpu.memory_space<vmem>> -> memref<128x32xf32, #tpu.memory_space<vmem>>
    %dma_start3A_68 = arith.constant 0 : i32
    %dma_start3A_69 = tpu.memref_slice %arg5[%dma_start3A_62, %dma_start3A_68] : memref<104x128xi32, #tpu.memory_space<vmem>> -> memref<1x128xi32, #tpu.memory_space<vmem>>
    %dma_start3A_70 = tpu.memref_squeeze %dma_start3A_69 : memref<1x128xi32, #tpu.memory_space<vmem>> -> memref<128xi32, #tpu.memory_space<vmem>>
    %dma_start3A_71 = arith.constant 0 : i32
    %dma_start3A_72 = arith.constant 0 : i32
    %dma_start3A_73 = tpu.memref_slice %arg3[%dma_start3A_71, %dma_start3A_72] : memref<1001472x32xf32, #tpu.memory_space<hbm>> -> memref<1001472x32xf32, #tpu.memory_space<hbm>>
    tpu.enqueue_indirect_dma source(%dma_start3A_73 : memref<1001472x32xf32, #tpu.memory_space<hbm>>) target(%dma_start3A_67 : memref<128x32xf32, #tpu.memory_space<vmem>>) offsets(%dma_start3A_70 : memref<128xi32, #tpu.memory_space<vmem>>) semaphore(%arg11 : memref<!tpu.dma_semaphore, #tpu.memory_space<semaphore_mem>>)
    %scan3A = arith.constant 0 : i32
    %scan3A_74 = arith.constant 0 : i32
    %scan3A_75 = arith.constant 26 : i32
    %scan3A_76 = arith.addi %scan3A_74, %scan3A_75 : i32
    %scan3A_77 = arith.constant 1 : i32
    scf.for %scan3A_334 = %scan3A_74 to %scan3A_76 step %scan3A_77  : i32 {
      %mul3A_335 = arith.constant 4 : i32
      %mul3A_336 = arith.muli %scan3A_334, %mul3A_335 : i32
      %add3A_337 = arith.constant 0 : i32
      %add3A_338 = arith.addi %mul3A_336, %add3A_337 : i32
      %dma_wait3A_339 = arith.constant 0 : i32
      %dma_wait3A_340 = arith.constant 0 : i32
      %dma_wait3A_341 = arith.constant 0 : i32
      %dma_wait3A_342 = tpu.memref_slice %arg6[%dma_wait3A_339, %dma_wait3A_340, %dma_wait3A_341] : memref<4x128x32xf32, #tpu.memory_space<vmem>> -> memref<1x128x32xf32, #tpu.memory_space<vmem>>
      %dma_wait3A_343 = tpu.memref_squeeze %dma_wait3A_342 : memref<1x128x32xf32, #tpu.memory_space<vmem>> -> memref<128x32xf32, #tpu.memory_space<vmem>>
      %dma_wait3A_344 = arith.constant 0 : i32
      %dma_wait3A_345 = tpu.memref_slice %arg5[%add3A_338, %dma_wait3A_344] : memref<104x128xi32, #tpu.memory_space<vmem>> -> memref<1x128xi32, #tpu.memory_space<vmem>>
      %dma_wait3A_346 = tpu.memref_squeeze %dma_wait3A_345 : memref<1x128xi32, #tpu.memory_space<vmem>> -> memref<128xi32, #tpu.memory_space<vmem>>
      %dma_wait3A_347 = arith.constant 0 : i32
      %dma_wait3A_348 = arith.constant 0 : i32
      %dma_wait3A_349 = tpu.memref_slice %arg3[%dma_wait3A_347, %dma_wait3A_348] : memref<1001472x32xf32, #tpu.memory_space<hbm>> -> memref<1001472x32xf32, #tpu.memory_space<hbm>>
      tpu.wait_indirect_dma semaphore(%arg8 : memref<!tpu.dma_semaphore, #tpu.memory_space<semaphore_mem>>) src(%dma_wait3A_349 : memref<1001472x32xf32, #tpu.memory_space<hbm>>) dst(%dma_wait3A_343 : memref<128x32xf32, #tpu.memory_space<vmem>>)
      %scan3A_350 = arith.constant 0 : i32
      %scan3A_351 = arith.constant 0 : i32
      %scan3A_352 = arith.constant 32 : i32
      %scan3A_353 = arith.addi %scan3A_351, %scan3A_352 : i32
      %scan3A_354 = arith.constant 1 : i32
      scf.for %scan3A_834 = %scan3A_351 to %scan3A_353 step %scan3A_354  : i32 {
        %add3A_835 = vector.broadcast %scan3A_834 : i32 to vector<16xi32>
        %add3A_836 = arith.addi %add3A_835, %iota3A : vector<16xi32>
        %and3A_837 = arith.constant 31 : i32
        %and3A_838 = vector.broadcast %and3A_837 : i32 to vector<16xi32>
        %and3A_839 = arith.andi %add3A_836, %and3A_838 : vector<16xi32>
        %shift_right_arithmetic3A = arith.constant 3 : i32
        %shift_right_arithmetic3A_840 = vector.broadcast %shift_right_arithmetic3A : i32 to vector<16xi32>
        %shift_right_arithmetic3A_841 = arith.shrsi %and3A_839, %shift_right_arithmetic3A_840 : vector<16xi32>
        %shift_left3A = arith.constant 10 : i32
        %shift_left3A_842 = vector.broadcast %shift_left3A : i32 to vector<16xi32>
        %shift_left3A_843 = arith.shli %shift_right_arithmetic3A_841, %shift_left3A_842 : vector<16xi32>
        %and3A_844 = arith.constant 7 : i32
        %and3A_845 = vector.broadcast %and3A_844 : i32 to vector<16xi32>
        %and3A_846 = arith.andi %and3A_839, %and3A_845 : vector<16xi32>
        %shift_left3A_847 = arith.constant 7 : i32
        %shift_left3A_848 = vector.broadcast %shift_left3A_847 : i32 to vector<16xi32>
        %shift_left3A_849 = arith.shli %and3A_846, %shift_left3A_848 : vector<16xi32>
        %add3A_850 = arith.addi %shift_left3A_843, %shift_left3A_849 : vector<16xi32>
        %gather3A = arith.constant 0 : i32
        %gather3A_851 = arith.constant 0 : i32
        %gather3A_852 = arith.constant 0 : i32
        %gather3A_853 = tpu.memref_slice %arg6[%gather3A, %gather3A_851, %gather3A_852] : memref<4x128x32xf32, #tpu.memory_space<vmem>> -> memref<1x128x32xf32, #tpu.memory_space<vmem>>
        %gather3A_854 = tpu.memref_squeeze %gather3A_853 : memref<1x128x32xf32, #tpu.memory_space<vmem>> -> memref<128x32xf32, #tpu.memory_space<vmem>>
        %gather3A_855 = tpu.vector_load_idx %gather3A_854[%add3A_5, %and3A_839] : memref<128x32xf32, #tpu.memory_space<vmem>>[vector<16xi32>, vector<16xi32>], vector<16xf32>,
        %add3A_856 = arith.addi %add3A_850, %add3A_5 : vector<16xi32>
        %scatter3A = arith.constant 0 : i32
        %scatter3A_857 = arith.constant 0 : i32
        %scatter3A_858 = tpu.memref_slice %arg7[%scatter3A, %scatter3A_857] : memref<4x4096xf32, #tpu.memory_space<vmem>> -> memref<1x4096xf32, #tpu.memory_space<vmem>>
        %scatter3A_859 = tpu.memref_squeeze %scatter3A_858 : memref<1x4096xf32, #tpu.memory_space<vmem>> -> memref<4096xf32, #tpu.memory_space<vmem>>
        tpu.vector_store_idx %scatter3A_859[%add3A_856], %gather3A_855 : memref<4096xf32, #tpu.memory_space<vmem>>[vector<16xi32>], vector<16xf32>,
        %gather3A_860 = arith.constant 0 : i32
        %gather3A_861 = arith.constant 0 : i32
        %gather3A_862 = arith.constant 0 : i32
        %gather3A_863 = tpu.memref_slice %arg6[%gather3A_860, %gather3A_861, %gather3A_862] : memref<4x128x32xf32, #tpu.memory_space<vmem>> -> memref<1x128x32xf32, #tpu.memory_space<vmem>>
        %gather3A_864 = tpu.memref_squeeze %gather3A_863 : memref<1x128x32xf32, #tpu.memory_space<vmem>> -> memref<128x32xf32, #tpu.memory_space<vmem>>
        %gather3A_865 = tpu.vector_load_idx %gather3A_864[%add3A_8, %and3A_839] : memref<128x32xf32, #tpu.memory_space<vmem>>[vector<16xi32>, vector<16xi32>], vector<16xf32>,
        %add3A_866 = arith.addi %add3A_850, %add3A_8 : vector<16xi32>
        %scatter3A_867 = arith.constant 0 : i32
        %scatter3A_868 = arith.constant 0 : i32
        %scatter3A_869 = tpu.memref_slice %arg7[%scatter3A_867, %scatter3A_868] : memref<4x4096xf32, #tpu.memory_space<vmem>> -> memref<1x4096xf32, #tpu.memory_space<vmem>>
        %scatter3A_870 = tpu.memref_squeeze %scatter3A_869 : memref<1x4096xf32, #tpu.memory_space<vmem>> -> memref<4096xf32, #tpu.memory_space<vmem>>
        tpu.vector_store_idx %scatter3A_870[%add3A_866], %gather3A_865 : memref<4096xf32, #tpu.memory_space<vmem>>[vector<16xi32>], vector<16xf32>,
        %gather3A_871 = arith.constant 0 : i32
        %gather3A_872 = arith.constant 0 : i32
        %gather3A_873 = arith.constant 0 : i32
        %gather3A_874 = tpu.memref_slice %arg6[%gather3A_871, %gather3A_872, %gather3A_873] : memref<4x128x32xf32, #tpu.memory_space<vmem>> -> memref<1x128x32xf32, #tpu.memory_space<vmem>>
        %gather3A_875 = tpu.memref_squeeze %gather3A_874 : memref<1x128x32xf32, #tpu.memory_space<vmem>> -> memref<128x32xf32, #tpu.memory_space<vmem>>
        %gather3A_876 = tpu.vector_load_idx %gather3A_875[%add3A_11, %and3A_839] : memref<128x32xf32, #tpu.memory_space<vmem>>[vector<16xi32>, vector<16xi32>], vector<16xf32>,
        %add3A_877 = arith.addi %add3A_850, %add3A_11 : vector<16xi32>
        %scatter3A_878 = arith.constant 0 : i32
        %scatter3A_879 = arith.constant 0 : i32
        %scatter3A_880 = tpu.memref_slice %arg7[%scatter3A_878, %scatter3A_879] : memref<4x4096xf32, #tpu.memory_space<vmem>> -> memref<1x4096xf32, #tpu.memory_space<vmem>>
        %scatter3A_881 = tpu.memref_squeeze %scatter3A_880 : memref<1x4096xf32, #tpu.memory_space<vmem>> -> memref<4096xf32, #tpu.memory_space<vmem>>
        tpu.vector_store_idx %scatter3A_881[%add3A_877], %gather3A_876 : memref<4096xf32, #tpu.memory_space<vmem>>[vector<16xi32>], vector<16xf32>,
        %gather3A_882 = arith.constant 0 : i32
        %gather3A_883 = arith.constant 0 : i32
        %gather3A_884 = arith.constant 0 : i32
        %gather3A_885 = tpu.memref_slice %arg6[%gather3A_882, %gather3A_883, %gather3A_884] : memref<4x128x32xf32, #tpu.memory_space<vmem>> -> memref<1x128x32xf32, #tpu.memory_space<vmem>>
        %gather3A_886 = tpu.memref_squeeze %gather3A_885 : memref<1x128x32xf32, #tpu.memory_space<vmem>> -> memref<128x32xf32, #tpu.memory_space<vmem>>
        %gather3A_887 = tpu.vector_load_idx %gather3A_886[%add3A_14, %and3A_839] : memref<128x32xf32, #tpu.memory_space<vmem>>[vector<16xi32>, vector<16xi32>], vector<16xf32>,
        %add3A_888 = arith.addi %add3A_850, %add3A_14 : vector<16xi32>
        %scatter3A_889 = arith.constant 0 : i32
        %scatter3A_890 = arith.constant 0 : i32
        %scatter3A_891 = tpu.memref_slice %arg7[%scatter3A_889, %scatter3A_890] : memref<4x4096xf32, #tpu.memory_space<vmem>> -> memref<1x4096xf32, #tpu.memory_space<vmem>>
        %scatter3A_892 = tpu.memref_squeeze %scatter3A_891 : memref<1x4096xf32, #tpu.memory_space<vmem>> -> memref<4096xf32, #tpu.memory_space<vmem>>
        tpu.vector_store_idx %scatter3A_892[%add3A_888], %gather3A_887 : memref<4096xf32, #tpu.memory_space<vmem>>[vector<16xi32>], vector<16xf32>,
        %gather3A_893 = arith.constant 0 : i32
        %gather3A_894 = arith.constant 0 : i32
        %gather3A_895 = arith.constant 0 : i32
        %gather3A_896 = tpu.memref_slice %arg6[%gather3A_893, %gather3A_894, %gather3A_895] : memref<4x128x32xf32, #tpu.memory_space<vmem>> -> memref<1x128x32xf32, #tpu.memory_space<vmem>>
        %gather3A_897 = tpu.memref_squeeze %gather3A_896 : memref<1x128x32xf32, #tpu.memory_space<vmem>> -> memref<128x32xf32, #tpu.memory_space<vmem>>
        %gather3A_898 = tpu.vector_load_idx %gather3A_897[%add3A_17, %and3A_839] : memref<128x32xf32, #tpu.memory_space<vmem>>[vector<16xi32>, vector<16xi32>], vector<16xf32>,
        %add3A_899 = arith.addi %add3A_850, %add3A_17 : vector<16xi32>
        %scatter3A_900 = arith.constant 0 : i32
        %scatter3A_901 = arith.constant 0 : i32
        %scatter3A_902 = tpu.memref_slice %arg7[%scatter3A_900, %scatter3A_901] : memref<4x4096xf32, #tpu.memory_space<vmem>> -> memref<1x4096xf32, #tpu.memory_space<vmem>>
        %scatter3A_903 = tpu.memref_squeeze %scatter3A_902 : memref<1x4096xf32, #tpu.memory_space<vmem>> -> memref<4096xf32, #tpu.memory_space<vmem>>
        tpu.vector_store_idx %scatter3A_903[%add3A_899], %gather3A_898 : memref<4096xf32, #tpu.memory_space<vmem>>[vector<16xi32>], vector<16xf32>,
        %gather3A_904 = arith.constant 0 : i32
        %gather3A_905 = arith.constant 0 : i32
        %gather3A_906 = arith.constant 0 : i32
        %gather3A_907 = tpu.memref_slice %arg6[%gather3A_904, %gather3A_905, %gather3A_906] : memref<4x128x32xf32, #tpu.memory_space<vmem>> -> memref<1x128x32xf32, #tpu.memory_space<vmem>>
        %gather3A_908 = tpu.memref_squeeze %gather3A_907 : memref<1x128x32xf32, #tpu.memory_space<vmem>> -> memref<128x32xf32, #tpu.memory_space<vmem>>
        %gather3A_909 = tpu.vector_load_idx %gather3A_908[%add3A_20, %and3A_839] : memref<128x32xf32, #tpu.memory_space<vmem>>[vector<16xi32>, vector<16xi32>], vector<16xf32>,
        %add3A_910 = arith.addi %add3A_850, %add3A_20 : vector<16xi32>
        %scatter3A_911 = arith.constant 0 : i32
        %scatter3A_912 = arith.constant 0 : i32
        %scatter3A_913 = tpu.memref_slice %arg7[%scatter3A_911, %scatter3A_912] : memref<4x4096xf32, #tpu.memory_space<vmem>> -> memref<1x4096xf32, #tpu.memory_space<vmem>>
        %scatter3A_914 = tpu.memref_squeeze %scatter3A_913 : memref<1x4096xf32, #tpu.memory_space<vmem>> -> memref<4096xf32, #tpu.memory_space<vmem>>
        tpu.vector_store_idx %scatter3A_914[%add3A_910], %gather3A_909 : memref<4096xf32, #tpu.memory_space<vmem>>[vector<16xi32>], vector<16xf32>,
        %gather3A_915 = arith.constant 0 : i32
        %gather3A_916 = arith.constant 0 : i32
        %gather3A_917 = arith.constant 0 : i32
        %gather3A_918 = tpu.memref_slice %arg6[%gather3A_915, %gather3A_916, %gather3A_917] : memref<4x128x32xf32, #tpu.memory_space<vmem>> -> memref<1x128x32xf32, #tpu.memory_space<vmem>>
        %gather3A_919 = tpu.memref_squeeze %gather3A_918 : memref<1x128x32xf32, #tpu.memory_space<vmem>> -> memref<128x32xf32, #tpu.memory_space<vmem>>
        %gather3A_920 = tpu.vector_load_idx %gather3A_919[%add3A_23, %and3A_839] : memref<128x32xf32, #tpu.memory_space<vmem>>[vector<16xi32>, vector<16xi32>], vector<16xf32>,
        %add3A_921 = arith.addi %add3A_850, %add3A_23 : vector<16xi32>
        %scatter3A_922 = arith.constant 0 : i32
        %scatter3A_923 = arith.constant 0 : i32
        %scatter3A_924 = tpu.memref_slice %arg7[%scatter3A_922, %scatter3A_923] : memref<4x4096xf32, #tpu.memory_space<vmem>> -> memref<1x4096xf32, #tpu.memory_space<vmem>>
        %scatter3A_925 = tpu.memref_squeeze %scatter3A_924 : memref<1x4096xf32, #tpu.memory_space<vmem>> -> memref<4096xf32, #tpu.memory_space<vmem>>
        tpu.vector_store_idx %scatter3A_925[%add3A_921], %gather3A_920 : memref<4096xf32, #tpu.memory_space<vmem>>[vector<16xi32>], vector<16xf32>,
        %gather3A_926 = arith.constant 0 : i32
        %gather3A_927 = arith.constant 0 : i32
        %gather3A_928 = arith.constant 0 : i32
        %gather3A_929 = tpu.memref_slice %arg6[%gather3A_926, %gather3A_927, %gather3A_928] : memref<4x128x32xf32, #tpu.memory_space<vmem>> -> memref<1x128x32xf32, #tpu.memory_space<vmem>>
        %gather3A_930 = tpu.memref_squeeze %gather3A_929 : memref<1x128x32xf32, #tpu.memory_space<vmem>> -> memref<128x32xf32, #tpu.memory_space<vmem>>
        %gather3A_931 = tpu.vector_load_idx %gather3A_930[%add3A_26, %and3A_839] : memref<128x32xf32, #tpu.memory_space<vmem>>[vector<16xi32>, vector<16xi32>], vector<16xf32>,
        %add3A_932 = arith.addi %add3A_850, %add3A_26 : vector<16xi32>
        %scatter3A_933 = arith.constant 0 : i32
        %scatter3A_934 = arith.constant 0 : i32
        %scatter3A_935 = tpu.memref_slice %arg7[%scatter3A_933, %scatter3A_934] : memref<4x4096xf32, #tpu.memory_space<vmem>> -> memref<1x4096xf32, #tpu.memory_space<vmem>>
        %scatter3A_936 = tpu.memref_squeeze %scatter3A_935 : memref<1x4096xf32, #tpu.memory_space<vmem>> -> memref<4096xf32, #tpu.memory_space<vmem>>
        tpu.vector_store_idx %scatter3A_936[%add3A_932], %gather3A_931 : memref<4096xf32, #tpu.memory_space<vmem>>[vector<16xi32>], vector<16xf32>,
      }
      %scan3A_355 = arith.constant 32 : i32
      %lt3A = arith.constant 25 : i32
      %lt3A_356 = arith.cmpi slt, %scan3A_334, %lt3A : i32
      %convert_element_type3A = arith.extui %lt3A_356 : i1 to i32
      %cond3A = arith.constant 0 : i32
      %cond3A_357 = arith.cmpi ne, %convert_element_type3A, %cond3A : i32
      scf.if %cond3A_357 {
        %add3A_834 = arith.constant 4 : i32
        %add3A_835 = arith.addi %add3A_338, %add3A_834 : i32
        %dma_start3A_836 = arith.constant 0 : i32
        %dma_start3A_837 = arith.constant 0 : i32
        %dma_start3A_838 = arith.constant 0 : i32
        %dma_start3A_839 = tpu.memref_slice %arg6[%dma_start3A_836, %dma_start3A_837, %dma_start3A_838] : memref<4x128x32xf32, #tpu.memory_space<vmem>> -> memref<1x128x32xf32, #tpu.memory_space<vmem>>
        %dma_start3A_840 = tpu.memref_squeeze %dma_start3A_839 : memref<1x128x32xf32, #tpu.memory_space<vmem>> -> memref<128x32xf32, #tpu.memory_space<vmem>>
        %dma_start3A_841 = arith.constant 0 : i32
        %dma_start3A_842 = tpu.memref_slice %arg5[%add3A_835, %dma_start3A_841] : memref<104x128xi32, #tpu.memory_space<vmem>> -> memref<1x128xi32, #tpu.memory_space<vmem>>
        %dma_start3A_843 = tpu.memref_squeeze %dma_start3A_842 : memref<1x128xi32, #tpu.memory_space<vmem>> -> memref<128xi32, #tpu.memory_space<vmem>>
        %dma_start3A_844 = arith.constant 0 : i32
        %dma_start3A_845 = arith.constant 0 : i32
        %dma_start3A_846 = tpu.memref_slice %arg3[%dma_start3A_844, %dma_start3A_845] : memref<1001472x32xf32, #tpu.memory_space<hbm>> -> memref<1001472x32xf32, #tpu.memory_space<hbm>>
        tpu.enqueue_indirect_dma source(%dma_start3A_846 : memref<1001472x32xf32, #tpu.memory_space<hbm>>) target(%dma_start3A_840 : memref<128x32xf32, #tpu.memory_space<vmem>>) offsets(%dma_start3A_843 : memref<128xi32, #tpu.memory_space<vmem>>) semaphore(%arg8 : memref<!tpu.dma_semaphore, #tpu.memory_space<semaphore_mem>>)
      } else {
      }
      %gt3A = arith.constant 0 : i32
      %gt3A_358 = arith.cmpi sgt, %scan3A_334, %gt3A : i32
      %convert_element_type3A_359 = arith.extui %gt3A_358 : i1 to i32
      %cond3A_360 = arith.constant 0 : i32
      %cond3A_361 = arith.cmpi ne, %convert_element_type3A_359, %cond3A_360 : i32
      scf.if %cond3A_361 {
        %dma_wait3A_834 = arith.constant 0 : i32
        %dma_wait3A_835 = arith.constant 0 : i32
        %dma_wait3A_836 = arith.constant 0 : i32
        %dma_wait3A_837 = arith.constant 0 : i32
        %dma_wait3A_838 = arith.constant 0 : i32
        %dma_wait3A_839 = tpu.memref_slice %arg7[%dma_wait3A_834, %dma_wait3A_838] : memref<4x4096xf32, #tpu.memory_space<vmem>> -> memref<1x1024xf32, #tpu.memory_space<vmem>>
        %dma_wait3A_840 = tpu.memref_squeeze %dma_wait3A_839 : memref<1x1024xf32, #tpu.memory_space<vmem>> -> memref<1024xf32, #tpu.memory_space<vmem>>
        %dma_wait3A_841 = arith.constant 0 : i32
        %dma_wait3A_842 = tpu.memref_slice %arg4[%dma_wait3A_835, %dma_wait3A_836, %dma_wait3A_837, %dma_wait3A_841] : memref<26x4x128x1024xf32, #tpu.memory_space<hbm>> -> memref<1x1x1x1024xf32, #tpu.memory_space<hbm>>
        %dma_wait3A_843 = tpu.memref_squeeze %dma_wait3A_842 : memref<1x1x1x1024xf32, #tpu.memory_space<hbm>> -> memref<1024xf32, #tpu.memory_space<hbm>>
        %dma_wait3A_844 = arith.constant 0 : i32
        %dma_wait3A_845 = tpu.memref_slice %arg4[%dma_wait3A_835, %dma_wait3A_836, %dma_wait3A_837, %dma_wait3A_844] : memref<26x4x128x1024xf32, #tpu.memory_space<hbm>> -> memref<1x1x1x1024xf32, #tpu.memory_space<hbm>>
        %dma_wait3A_846 = tpu.memref_squeeze %dma_wait3A_845 : memref<1x1x1x1024xf32, #tpu.memory_space<hbm>> -> memref<1024xf32, #tpu.memory_space<hbm>>
        %dma_wait3A_847 = arith.constant 0 : i32
        %dma_wait3A_848 = tpu.memref_slice %arg7[%dma_wait3A_834, %dma_wait3A_847] : memref<4x4096xf32, #tpu.memory_space<vmem>> -> memref<1x1024xf32, #tpu.memory_space<vmem>>
        %dma_wait3A_849 = tpu.memref_squeeze %dma_wait3A_848 : memref<1x1024xf32, #tpu.memory_space<vmem>> -> memref<1024xf32, #tpu.memory_space<vmem>>
        tpu.wait_dma2 semaphore(%arg12 : memref<!tpu.dma_semaphore, #tpu.memory_space<semaphore_mem>>) src(%dma_wait3A_849 : memref<1024xf32, #tpu.memory_space<vmem>>) dst(%dma_wait3A_846 : memref<1024xf32, #tpu.memory_space<hbm>>)
        %dma_wait3A_850 = arith.constant 0 : i32
        %dma_wait3A_851 = arith.constant 0 : i32
        %dma_wait3A_852 = arith.constant 1 : i32
        %dma_wait3A_853 = arith.constant 0 : i32
        %dma_wait3A_854 = arith.constant 1024 : i32
        %dma_wait3A_855 = tpu.memref_slice %arg7[%dma_wait3A_850, %dma_wait3A_854] : memref<4x4096xf32, #tpu.memory_space<vmem>> -> memref<1x1024xf32, #tpu.memory_space<vmem>>
        %dma_wait3A_856 = tpu.memref_squeeze %dma_wait3A_855 : memref<1x1024xf32, #tpu.memory_space<vmem>> -> memref<1024xf32, #tpu.memory_space<vmem>>
        %dma_wait3A_857 = arith.constant 0 : i32
        %dma_wait3A_858 = tpu.memref_slice %arg4[%dma_wait3A_851, %dma_wait3A_852, %dma_wait3A_853, %dma_wait3A_857] : memref<26x4x128x1024xf32, #tpu.memory_space<hbm>> -> memref<1x1x1x1024xf32, #tpu.memory_space<hbm>>
        %dma_wait3A_859 = tpu.memref_squeeze %dma_wait3A_858 : memref<1x1x1x1024xf32, #tpu.memory_space<hbm>> -> memref<1024xf32, #tpu.memory_space<hbm>>
        %dma_wait3A_860 = arith.constant 0 : i32
        %dma_wait3A_861 = tpu.memref_slice %arg4[%dma_wait3A_851, %dma_wait3A_852, %dma_wait3A_853, %dma_wait3A_860] : memref<26x4x128x1024xf32, #tpu.memory_space<hbm>> -> memref<1x1x1x1024xf32, #tpu.memory_space<hbm>>
        %dma_wait3A_862 = tpu.memref_squeeze %dma_wait3A_861 : memref<1x1x1x1024xf32, #tpu.memory_space<hbm>> -> memref<1024xf32, #tpu.memory_space<hbm>>
        %dma_wait3A_863 = arith.constant 1024 : i32
        %dma_wait3A_864 = tpu.memref_slice %arg7[%dma_wait3A_850, %dma_wait3A_863] : memref<4x4096xf32, #tpu.memory_space<vmem>> -> memref<1x1024xf32, #tpu.memory_space<vmem>>
        %dma_wait3A_865 = tpu.memref_squeeze %dma_wait3A_864 : memref<1x1024xf32, #tpu.memory_space<vmem>> -> memref<1024xf32, #tpu.memory_space<vmem>>
        tpu.wait_dma2 semaphore(%arg12 : memref<!tpu.dma_semaphore, #tpu.memory_space<semaphore_mem>>) src(%dma_wait3A_865 : memref<1024xf32, #tpu.memory_space<vmem>>) dst(%dma_wait3A_862 : memref<1024xf32, #tpu.memory_space<hbm>>)
        %dma_wait3A_866 = arith.constant 0 : i32
        %dma_wait3A_867 = arith.constant 0 : i32
        %dma_wait3A_868 = arith.constant 2 : i32
        %dma_wait3A_869 = arith.constant 0 : i32
        %dma_wait3A_870 = arith.constant 2048 : i32
        %dma_wait3A_871 = tpu.memref_slice %arg7[%dma_wait3A_866, %dma_wait3A_870] : memref<4x4096xf32, #tpu.memory_space<vmem>> -> memref<1x1024xf32, #tpu.memory_space<vmem>>
        %dma_wait3A_872 = tpu.memref_squeeze %dma_wait3A_871 : memref<1x1024xf32, #tpu.memory_space<vmem>> -> memref<1024xf32, #tpu.memory_space<vmem>>
        %dma_wait3A_873 = arith.constant 0 : i32
        %dma_wait3A_874 = tpu.memref_slice %arg4[%dma_wait3A_867, %dma_wait3A_868, %dma_wait3A_869, %dma_wait3A_873] : memref<26x4x128x1024xf32, #tpu.memory_space<hbm>> -> memref<1x1x1x1024xf32, #tpu.memory_space<hbm>>
        %dma_wait3A_875 = tpu.memref_squeeze %dma_wait3A_874 : memref<1x1x1x1024xf32, #tpu.memory_space<hbm>> -> memref<1024xf32, #tpu.memory_space<hbm>>
        %dma_wait3A_876 = arith.constant 0 : i32
        %dma_wait3A_877 = tpu.memref_slice %arg4[%dma_wait3A_867, %dma_wait3A_868, %dma_wait3A_869, %dma_wait3A_876] : memref<26x4x128x1024xf32, #tpu.memory_space<hbm>> -> memref<1x1x1x1024xf32, #tpu.memory_space<hbm>>
        %dma_wait3A_878 = tpu.memref_squeeze %dma_wait3A_877 : memref<1x1x1x1024xf32, #tpu.memory_space<hbm>> -> memref<1024xf32, #tpu.memory_space<hbm>>
        %dma_wait3A_879 = arith.constant 2048 : i32
        %dma_wait3A_880 = tpu.memref_slice %arg7[%dma_wait3A_866, %dma_wait3A_879] : memref<4x4096xf32, #tpu.memory_space<vmem>> -> memref<1x1024xf32, #tpu.memory_space<vmem>>
        %dma_wait3A_881 = tpu.memref_squeeze %dma_wait3A_880 : memref<1x1024xf32, #tpu.memory_space<vmem>> -> memref<1024xf32, #tpu.memory_space<vmem>>
        tpu.wait_dma2 semaphore(%arg12 : memref<!tpu.dma_semaphore, #tpu.memory_space<semaphore_mem>>) src(%dma_wait3A_881 : memref<1024xf32, #tpu.memory_space<vmem>>) dst(%dma_wait3A_878 : memref<1024xf32, #tpu.memory_space<hbm>>)
        %dma_wait3A_882 = arith.constant 0 : i32
        %dma_wait3A_883 = arith.constant 0 : i32
        %dma_wait3A_884 = arith.constant 3 : i32
        %dma_wait3A_885 = arith.constant 0 : i32
        %dma_wait3A_886 = arith.constant 3072 : i32
        %dma_wait3A_887 = tpu.memref_slice %arg7[%dma_wait3A_882, %dma_wait3A_886] : memref<4x4096xf32, #tpu.memory_space<vmem>> -> memref<1x1024xf32, #tpu.memory_space<vmem>>
        %dma_wait3A_888 = tpu.memref_squeeze %dma_wait3A_887 : memref<1x1024xf32, #tpu.memory_space<vmem>> -> memref<1024xf32, #tpu.memory_space<vmem>>
        %dma_wait3A_889 = arith.constant 0 : i32
        %dma_wait3A_890 = tpu.memref_slice %arg4[%dma_wait3A_883, %dma_wait3A_884, %dma_wait3A_885, %dma_wait3A_889] : memref<26x4x128x1024xf32, #tpu.memory_space<hbm>> -> memref<1x1x1x1024xf32, #tpu.memory_space<hbm>>
        %dma_wait3A_891 = tpu.memref_squeeze %dma_wait3A_890 : memref<1x1x1x1024xf32, #tpu.memory_space<hbm>> -> memref<1024xf32, #tpu.memory_space<hbm>>
        %dma_wait3A_892 = arith.constant 0 : i32
        %dma_wait3A_893 = tpu.memref_slice %arg4[%dma_wait3A_883, %dma_wait3A_884, %dma_wait3A_885, %dma_wait3A_892] : memref<26x4x128x1024xf32, #tpu.memory_space<hbm>> -> memref<1x1x1x1024xf32, #tpu.memory_space<hbm>>
        %dma_wait3A_894 = tpu.memref_squeeze %dma_wait3A_893 : memref<1x1x1x1024xf32, #tpu.memory_space<hbm>> -> memref<1024xf32, #tpu.memory_space<hbm>>
        %dma_wait3A_895 = arith.constant 3072 : i32
        %dma_wait3A_896 = tpu.memref_slice %arg7[%dma_wait3A_882, %dma_wait3A_895] : memref<4x4096xf32, #tpu.memory_space<vmem>> -> memref<1x1024xf32, #tpu.memory_space<vmem>>
        %dma_wait3A_897 = tpu.memref_squeeze %dma_wait3A_896 : memref<1x1024xf32, #tpu.memory_space<vmem>> -> memref<1024xf32, #tpu.memory_space<vmem>>
        tpu.wait_dma2 semaphore(%arg12 : memref<!tpu.dma_semaphore, #tpu.memory_space<semaphore_mem>>) src(%dma_wait3A_897 : memref<1024xf32, #tpu.memory_space<vmem>>) dst(%dma_wait3A_894 : memref<1024xf32, #tpu.memory_space<hbm>>)
      } else {
      }
      %add3A_362 = arith.addi %mul3A_2, %add3A_338 : i32
      %jit3A = arith.constant 128 : i32
      %div3A = arith.divsi %add3A_362, %jit3A : i32
      %sign3A = arith.constant 0 : i32
      %sign3A_363 = arith.cmpi sgt, %add3A_362, %sign3A : i32
      %sign3A_364 = arith.extui %sign3A_363 : i1 to i32
      %sign3A_365 = arith.constant 0 : i32
      %sign3A_366 = arith.cmpi slt, %add3A_362, %sign3A_365 : i32
      %sign3A_367 = arith.extui %sign3A_366 : i1 to i32
      %sign3A_368 = arith.subi %sign3A_364, %sign3A_367 : i32
      %sign3A_369 = arith.constant 0 : i32
      %sign3A_370 = arith.cmpi sgt, %jit3A, %sign3A_369 : i32
      %sign3A_371 = arith.extui %sign3A_370 : i1 to i32
      %sign3A_372 = arith.constant 0 : i32
      %sign3A_373 = arith.cmpi slt, %jit3A, %sign3A_372 : i32
      %sign3A_374 = arith.extui %sign3A_373 : i1 to i32
      %sign3A_375 = arith.subi %sign3A_371, %sign3A_374 : i32
      %ne3A = arith.cmpi ne, %sign3A_368, %sign3A_375 : i32
      %rem3A = arith.remsi %add3A_362, %jit3A : i32
      %ne3A_376 = arith.constant 0 : i32
      %ne3A_377 = arith.cmpi ne, %rem3A, %ne3A_376 : i32
      %and3A = arith.andi %ne3A, %ne3A_377 : i1
      %sub3A = arith.constant 1 : i32
      %sub3A_378 = arith.subi %div3A, %sub3A : i32
      %select_n3A = arith.select %and3A, %sub3A_378, %div3A : i32
      %jit3A_379 = arith.constant 128 : i32
      %eq3A = arith.constant 0 : i32
      %eq3A_380 = arith.cmpi eq, %jit3A_379, %eq3A : i32
      %jit3A_381 = arith.constant 1 : i32
      %select_n3A_382 = arith.select %eq3A_380, %jit3A_381, %jit3A_379 : i32
      %rem3A_383 = arith.remsi %add3A_362, %select_n3A_382 : i32
      %ne3A_384 = arith.constant 0 : i32
      %ne3A_385 = arith.cmpi ne, %rem3A_383, %ne3A_384 : i32
      %lt3A_386 = arith.constant 0 : i32
      %lt3A_387 = arith.cmpi slt, %rem3A_383, %lt3A_386 : i32
      %lt3A_388 = arith.constant 0 : i32
      %lt3A_389 = arith.cmpi slt, %select_n3A_382, %lt3A_388 : i32
      %ne3A_390 = arith.xori %lt3A_387, %lt3A_389 : i1
      %and3A_391 = arith.andi %ne3A_390, %ne3A_385 : i1
      %add3A_392 = arith.addi %rem3A_383, %select_n3A_382 : i32
      %select_n3A_393 = arith.select %and3A_391, %add3A_392, %rem3A_383 : i32
      %dma_start3A_394 = arith.constant 0 : i32
      %dma_start3A_395 = arith.constant 0 : i32
      %dma_start3A_396 = arith.constant 0 : i32
      %dma_start3A_397 = tpu.memref_slice %arg7[%dma_start3A_394, %dma_start3A_396] : memref<4x4096xf32, #tpu.memory_space<vmem>> -> memref<1x1024xf32, #tpu.memory_space<vmem>>
      %dma_start3A_398 = tpu.memref_squeeze %dma_start3A_397 : memref<1x1024xf32, #tpu.memory_space<vmem>> -> memref<1024xf32, #tpu.memory_space<vmem>>
      %dma_start3A_399 = arith.constant 0 : i32
      %dma_start3A_400 = tpu.memref_slice %arg4[%select_n3A, %dma_start3A_395, %select_n3A_393, %dma_start3A_399] : memref<26x4x128x1024xf32, #tpu.memory_space<hbm>> -> memref<1x1x1x1024xf32, #tpu.memory_space<hbm>>
      %dma_start3A_401 = tpu.memref_squeeze %dma_start3A_400 : memref<1x1x1x1024xf32, #tpu.memory_space<hbm>> -> memref<1024xf32, #tpu.memory_space<hbm>>
      %dma_start3A_402 = arith.constant 0 : i32
      %dma_start3A_403 = tpu.memref_slice %arg4[%select_n3A, %dma_start3A_395, %select_n3A_393, %dma_start3A_402] : memref<26x4x128x1024xf32, #tpu.memory_space<hbm>> -> memref<1x1x1x1024xf32, #tpu.memory_space<hbm>>
      %dma_start3A_404 = tpu.memref_squeeze %dma_start3A_403 : memref<1x1x1x1024xf32, #tpu.memory_space<hbm>> -> memref<1024xf32, #tpu.memory_space<hbm>>
      %dma_start3A_405 = arith.constant 0 : i32
      %dma_start3A_406 = tpu.memref_slice %arg7[%dma_start3A_394, %dma_start3A_405] : memref<4x4096xf32, #tpu.memory_space<vmem>> -> memref<1x1024xf32, #tpu.memory_space<vmem>>
      %dma_start3A_407 = tpu.memref_squeeze %dma_start3A_406 : memref<1x1024xf32, #tpu.memory_space<vmem>> -> memref<1024xf32, #tpu.memory_space<vmem>>
      tpu.enqueue_dma source(%dma_start3A_407 : memref<1024xf32, #tpu.memory_space<vmem>>) target(%dma_start3A_404 : memref<1024xf32, #tpu.memory_space<hbm>>) target_semaphore(%arg12 : memref<!tpu.dma_semaphore, #tpu.memory_space<semaphore_mem>>)
      %dma_start3A_408 = arith.constant 0 : i32
      %dma_start3A_409 = arith.constant 1 : i32
      %dma_start3A_410 = arith.constant 1024 : i32
      %dma_start3A_411 = tpu.memref_slice %arg7[%dma_start3A_408, %dma_start3A_410] : memref<4x4096xf32, #tpu.memory_space<vmem>> -> memref<1x1024xf32, #tpu.memory_space<vmem>>
      %dma_start3A_412 = tpu.memref_squeeze %dma_start3A_411 : memref<1x1024xf32, #tpu.memory_space<vmem>> -> memref<1024xf32, #tpu.memory_space<vmem>>
      %dma_start3A_413 = arith.constant 0 : i32
      %dma_start3A_414 = tpu.memref_slice %arg4[%select_n3A, %dma_start3A_409, %select_n3A_393, %dma_start3A_413] : memref<26x4x128x1024xf32, #tpu.memory_space<hbm>> -> memref<1x1x1x1024xf32, #tpu.memory_space<hbm>>
      %dma_start3A_415 = tpu.memref_squeeze %dma_start3A_414 : memref<1x1x1x1024xf32, #tpu.memory_space<hbm>> -> memref<1024xf32, #tpu.memory_space<hbm>>
      %dma_start3A_416 = arith.constant 0 : i32
      %dma_start3A_417 = tpu.memref_slice %arg4[%select_n3A, %dma_start3A_409, %select_n3A_393, %dma_start3A_416] : memref<26x4x128x1024xf32, #tpu.memory_space<hbm>> -> memref<1x1x1x1024xf32, #tpu.memory_space<hbm>>
      %dma_start3A_418 = tpu.memref_squeeze %dma_start3A_417 : memref<1x1x1x1024xf32, #tpu.memory_space<hbm>> -> memref<1024xf32, #tpu.memory_space<hbm>>
      %dma_start3A_419 = arith.constant 1024 : i32
      %dma_start3A_420 = tpu.memref_slice %arg7[%dma_start3A_408, %dma_start3A_419] : memref<4x4096xf32, #tpu.memory_space<vmem>> -> memref<1x1024xf32, #tpu.memory_space<vmem>>
      %dma_start3A_421 = tpu.memref_squeeze %dma_start3A_420 : memref<1x1024xf32, #tpu.memory_space<vmem>> -> memref<1024xf32, #tpu.memory_space<vmem>>
      tpu.enqueue_dma source(%dma_start3A_421 : memref<1024xf32, #tpu.memory_space<vmem>>) target(%dma_start3A_418 : memref<1024xf32, #tpu.memory_space<hbm>>) target_semaphore(%arg12 : memref<!tpu.dma_semaphore, #tpu.memory_space<semaphore_mem>>)
      %dma_start3A_422 = arith.constant 0 : i32
      %dma_start3A_423 = arith.constant 2 : i32
      %dma_start3A_424 = arith.constant 2048 : i32
      %dma_start3A_425 = tpu.memref_slice %arg7[%dma_start3A_422, %dma_start3A_424] : memref<4x4096xf32, #tpu.memory_space<vmem>> -> memref<1x1024xf32, #tpu.memory_space<vmem>>
      %dma_start3A_426 = tpu.memref_squeeze %dma_start3A_425 : memref<1x1024xf32, #tpu.memory_space<vmem>> -> memref<1024xf32, #tpu.memory_space<vmem>>
      %dma_start3A_427 = arith.constant 0 : i32
      %dma_start3A_428 = tpu.memref_slice %arg4[%select_n3A, %dma_start3A_423, %select_n3A_393, %dma_start3A_427] : memref<26x4x128x1024xf32, #tpu.memory_space<hbm>> -> memref<1x1x1x1024xf32, #tpu.memory_space<hbm>>
      %dma_start3A_429 = tpu.memref_squeeze %dma_start3A_428 : memref<1x1x1x1024xf32, #tpu.memory_space<hbm>> -> memref<1024xf32, #tpu.memory_space<hbm>>
      %dma_start3A_430 = arith.constant 0 : i32
      %dma_start3A_431 = tpu.memref_slice %arg4[%select_n3A, %dma_start3A_423, %select_n3A_393, %dma_start3A_430] : memref<26x4x128x1024xf32, #tpu.memory_space<hbm>> -> memref<1x1x1x1024xf32, #tpu.memory_space<hbm>>
      %dma_start3A_432 = tpu.memref_squeeze %dma_start3A_431 : memref<1x1x1x1024xf32, #tpu.memory_space<hbm>> -> memref<1024xf32, #tpu.memory_space<hbm>>
      %dma_start3A_433 = arith.constant 2048 : i32
      %dma_start3A_434 = tpu.memref_slice %arg7[%dma_start3A_422, %dma_start3A_433] : memref<4x4096xf32, #tpu.memory_space<vmem>> -> memref<1x1024xf32, #tpu.memory_space<vmem>>
      %dma_start3A_435 = tpu.memref_squeeze %dma_start3A_434 : memref<1x1024xf32, #tpu.memory_space<vmem>> -> memref<1024xf32, #tpu.memory_space<vmem>>
      tpu.enqueue_dma source(%dma_start3A_435 : memref<1024xf32, #tpu.memory_space<vmem>>) target(%dma_start3A_432 : memref<1024xf32, #tpu.memory_space<hbm>>) target_semaphore(%arg12 : memref<!tpu.dma_semaphore, #tpu.memory_space<semaphore_mem>>)
      %dma_start3A_436 = arith.constant 0 : i32
      %dma_start3A_437 = arith.constant 3 : i32
      %dma_start3A_438 = arith.constant 3072 : i32
      %dma_start3A_439 = tpu.memref_slice %arg7[%dma_start3A_436, %dma_start3A_438] : memref<4x4096xf32, #tpu.memory_space<vmem>> -> memref<1x1024xf32, #tpu.memory_space<vmem>>
      %dma_start3A_440 = tpu.memref_squeeze %dma_start3A_439 : memref<1x1024xf32, #tpu.memory_space<vmem>> -> memref<1024xf32, #tpu.memory_space<vmem>>
      %dma_start3A_441 = arith.constant 0 : i32
      %dma_start3A_442 = tpu.memref_slice %arg4[%select_n3A, %dma_start3A_437, %select_n3A_393, %dma_start3A_441] : memref<26x4x128x1024xf32, #tpu.memory_space<hbm>> -> memref<1x1x1x1024xf32, #tpu.memory_space<hbm>>
      %dma_start3A_443 = tpu.memref_squeeze %dma_start3A_442 : memref<1x1x1x1024xf32, #tpu.memory_space<hbm>> -> memref<1024xf32, #tpu.memory_space<hbm>>
      %dma_start3A_444 = arith.constant 0 : i32
      %dma_start3A_445 = tpu.memref_slice %arg4[%select_n3A, %dma_start3A_437, %select_n3A_393, %dma_start3A_444] : memref<26x4x128x1024xf32, #tpu.memory_space<hbm>> -> memref<1x1x1x1024xf32, #tpu.memory_space<hbm>>
      %dma_start3A_446 = tpu.memref_squeeze %dma_start3A_445 : memref<1x1x1x1024xf32, #tpu.memory_space<hbm>> -> memref<1024xf32, #tpu.memory_space<hbm>>
      %dma_start3A_447 = arith.constant 3072 : i32
      %dma_start3A_448 = tpu.memref_slice %arg7[%dma_start3A_436, %dma_start3A_447] : memref<4x4096xf32, #tpu.memory_space<vmem>> -> memref<1x1024xf32, #tpu.memory_space<vmem>>
      %dma_start3A_449 = tpu.memref_squeeze %dma_start3A_448 : memref<1x1024xf32, #tpu.memory_space<vmem>> -> memref<1024xf32, #tpu.memory_space<vmem>>
      tpu.enqueue_dma source(%dma_start3A_449 : memref<1024xf32, #tpu.memory_space<vmem>>) target(%dma_start3A_446 : memref<1024xf32, #tpu.memory_space<hbm>>) target_semaphore(%arg12 : memref<!tpu.dma_semaphore, #tpu.memory_space<semaphore_mem>>)
      %mul3A_450 = arith.constant 4 : i32
      %mul3A_451 = arith.muli %scan3A_334, %mul3A_450 : i32
      %add3A_452 = arith.constant 1 : i32
      %add3A_453 = arith.addi %mul3A_451, %add3A_452 : i32
      %dma_wait3A_454 = arith.constant 1 : i32
      %dma_wait3A_455 = arith.constant 0 : i32
      %dma_wait3A_456 = arith.constant 0 : i32
      %dma_wait3A_457 = tpu.memref_slice %arg6[%dma_wait3A_454, %dma_wait3A_455, %dma_wait3A_456] : memref<4x128x32xf32, #tpu.memory_space<vmem>> -> memref<1x128x32xf32, #tpu.memory_space<vmem>>
      %dma_wait3A_458 = tpu.memref_squeeze %dma_wait3A_457 : memref<1x128x32xf32, #tpu.memory_space<vmem>> -> memref<128x32xf32, #tpu.memory_space<vmem>>
      %dma_wait3A_459 = arith.constant 0 : i32
      %dma_wait3A_460 = tpu.memref_slice %arg5[%add3A_453, %dma_wait3A_459] : memref<104x128xi32, #tpu.memory_space<vmem>> -> memref<1x128xi32, #tpu.memory_space<vmem>>
      %dma_wait3A_461 = tpu.memref_squeeze %dma_wait3A_460 : memref<1x128xi32, #tpu.memory_space<vmem>> -> memref<128xi32, #tpu.memory_space<vmem>>
      %dma_wait3A_462 = arith.constant 0 : i32
      %dma_wait3A_463 = arith.constant 0 : i32
      %dma_wait3A_464 = tpu.memref_slice %arg3[%dma_wait3A_462, %dma_wait3A_463] : memref<1001472x32xf32, #tpu.memory_space<hbm>> -> memref<1001472x32xf32, #tpu.memory_space<hbm>>
      tpu.wait_indirect_dma semaphore(%arg9 : memref<!tpu.dma_semaphore, #tpu.memory_space<semaphore_mem>>) src(%dma_wait3A_464 : memref<1001472x32xf32, #tpu.memory_space<hbm>>) dst(%dma_wait3A_458 : memref<128x32xf32, #tpu.memory_space<vmem>>)
      %scan3A_465 = arith.constant 0 : i32
      %scan3A_466 = arith.constant 0 : i32
      %scan3A_467 = arith.constant 32 : i32
      %scan3A_468 = arith.addi %scan3A_466, %scan3A_467 : i32
      %scan3A_469 = arith.constant 1 : i32
      scf.for %scan3A_834 = %scan3A_466 to %scan3A_468 step %scan3A_469  : i32 {
        %add3A_835 = vector.broadcast %scan3A_834 : i32 to vector<16xi32>
        %add3A_836 = arith.addi %add3A_835, %iota3A : vector<16xi32>
        %and3A_837 = arith.constant 31 : i32
        %and3A_838 = vector.broadcast %and3A_837 : i32 to vector<16xi32>
        %and3A_839 = arith.andi %add3A_836, %and3A_838 : vector<16xi32>
        %shift_right_arithmetic3A = arith.constant 3 : i32
        %shift_right_arithmetic3A_840 = vector.broadcast %shift_right_arithmetic3A : i32 to vector<16xi32>
        %shift_right_arithmetic3A_841 = arith.shrsi %and3A_839, %shift_right_arithmetic3A_840 : vector<16xi32>
        %shift_left3A = arith.constant 10 : i32
        %shift_left3A_842 = vector.broadcast %shift_left3A : i32 to vector<16xi32>
        %shift_left3A_843 = arith.shli %shift_right_arithmetic3A_841, %shift_left3A_842 : vector<16xi32>
        %and3A_844 = arith.constant 7 : i32
        %and3A_845 = vector.broadcast %and3A_844 : i32 to vector<16xi32>
        %and3A_846 = arith.andi %and3A_839, %and3A_845 : vector<16xi32>
        %shift_left3A_847 = arith.constant 7 : i32
        %shift_left3A_848 = vector.broadcast %shift_left3A_847 : i32 to vector<16xi32>
        %shift_left3A_849 = arith.shli %and3A_846, %shift_left3A_848 : vector<16xi32>
        %add3A_850 = arith.addi %shift_left3A_843, %shift_left3A_849 : vector<16xi32>
        %gather3A = arith.constant 1 : i32
        %gather3A_851 = arith.constant 0 : i32
        %gather3A_852 = arith.constant 0 : i32
        %gather3A_853 = tpu.memref_slice %arg6[%gather3A, %gather3A_851, %gather3A_852] : memref<4x128x32xf32, #tpu.memory_space<vmem>> -> memref<1x128x32xf32, #tpu.memory_space<vmem>>
        %gather3A_854 = tpu.memref_squeeze %gather3A_853 : memref<1x128x32xf32, #tpu.memory_space<vmem>> -> memref<128x32xf32, #tpu.memory_space<vmem>>
        %gather3A_855 = tpu.vector_load_idx %gather3A_854[%add3A_5, %and3A_839] : memref<128x32xf32, #tpu.memory_space<vmem>>[vector<16xi32>, vector<16xi32>], vector<16xf32>,
        %add3A_856 = arith.addi %add3A_850, %add3A_5 : vector<16xi32>
        %scatter3A = arith.constant 1 : i32
        %scatter3A_857 = arith.constant 0 : i32
        %scatter3A_858 = tpu.memref_slice %arg7[%scatter3A, %scatter3A_857] : memref<4x4096xf32, #tpu.memory_space<vmem>> -> memref<1x4096xf32, #tpu.memory_space<vmem>>
        %scatter3A_859 = tpu.memref_squeeze %scatter3A_858 : memref<1x4096xf32, #tpu.memory_space<vmem>> -> memref<4096xf32, #tpu.memory_space<vmem>>
        tpu.vector_store_idx %scatter3A_859[%add3A_856], %gather3A_855 : memref<4096xf32, #tpu.memory_space<vmem>>[vector<16xi32>], vector<16xf32>,
        %gather3A_860 = arith.constant 1 : i32
        %gather3A_861 = arith.constant 0 : i32
        %gather3A_862 = arith.constant 0 : i32
        %gather3A_863 = tpu.memref_slice %arg6[%gather3A_860, %gather3A_861, %gather3A_862] : memref<4x128x32xf32, #tpu.memory_space<vmem>> -> memref<1x128x32xf32, #tpu.memory_space<vmem>>
        %gather3A_864 = tpu.memref_squeeze %gather3A_863 : memref<1x128x32xf32, #tpu.memory_space<vmem>> -> memref<128x32xf32, #tpu.memory_space<vmem>>
        %gather3A_865 = tpu.vector_load_idx %gather3A_864[%add3A_8, %and3A_839] : memref<128x32xf32, #tpu.memory_space<vmem>>[vector<16xi32>, vector<16xi32>], vector<16xf32>,
        %add3A_866 = arith.addi %add3A_850, %add3A_8 : vector<16xi32>
        %scatter3A_867 = arith.constant 1 : i32
        %scatter3A_868 = arith.constant 0 : i32
        %scatter3A_869 = tpu.memref_slice %arg7[%scatter3A_867, %scatter3A_868] : memref<4x4096xf32, #tpu.memory_space<vmem>> -> memref<1x4096xf32, #tpu.memory_space<vmem>>
        %scatter3A_870 = tpu.memref_squeeze %scatter3A_869 : memref<1x4096xf32, #tpu.memory_space<vmem>> -> memref<4096xf32, #tpu.memory_space<vmem>>
        tpu.vector_store_idx %scatter3A_870[%add3A_866], %gather3A_865 : memref<4096xf32, #tpu.memory_space<vmem>>[vector<16xi32>], vector<16xf32>,
        %gather3A_871 = arith.constant 1 : i32
        %gather3A_872 = arith.constant 0 : i32
        %gather3A_873 = arith.constant 0 : i32
        %gather3A_874 = tpu.memref_slice %arg6[%gather3A_871, %gather3A_872, %gather3A_873] : memref<4x128x32xf32, #tpu.memory_space<vmem>> -> memref<1x128x32xf32, #tpu.memory_space<vmem>>
        %gather3A_875 = tpu.memref_squeeze %gather3A_874 : memref<1x128x32xf32, #tpu.memory_space<vmem>> -> memref<128x32xf32, #tpu.memory_space<vmem>>
        %gather3A_876 = tpu.vector_load_idx %gather3A_875[%add3A_11, %and3A_839] : memref<128x32xf32, #tpu.memory_space<vmem>>[vector<16xi32>, vector<16xi32>], vector<16xf32>,
        %add3A_877 = arith.addi %add3A_850, %add3A_11 : vector<16xi32>
        %scatter3A_878 = arith.constant 1 : i32
        %scatter3A_879 = arith.constant 0 : i32
        %scatter3A_880 = tpu.memref_slice %arg7[%scatter3A_878, %scatter3A_879] : memref<4x4096xf32, #tpu.memory_space<vmem>> -> memref<1x4096xf32, #tpu.memory_space<vmem>>
        %scatter3A_881 = tpu.memref_squeeze %scatter3A_880 : memref<1x4096xf32, #tpu.memory_space<vmem>> -> memref<4096xf32, #tpu.memory_space<vmem>>
        tpu.vector_store_idx %scatter3A_881[%add3A_877], %gather3A_876 : memref<4096xf32, #tpu.memory_space<vmem>>[vector<16xi32>], vector<16xf32>,
        %gather3A_882 = arith.constant 1 : i32
        %gather3A_883 = arith.constant 0 : i32
        %gather3A_884 = arith.constant 0 : i32
        %gather3A_885 = tpu.memref_slice %arg6[%gather3A_882, %gather3A_883, %gather3A_884] : memref<4x128x32xf32, #tpu.memory_space<vmem>> -> memref<1x128x32xf32, #tpu.memory_space<vmem>>
        %gather3A_886 = tpu.memref_squeeze %gather3A_885 : memref<1x128x32xf32, #tpu.memory_space<vmem>> -> memref<128x32xf32, #tpu.memory_space<vmem>>
        %gather3A_887 = tpu.vector_load_idx %gather3A_886[%add3A_14, %and3A_839] : memref<128x32xf32, #tpu.memory_space<vmem>>[vector<16xi32>, vector<16xi32>], vector<16xf32>,
        %add3A_888 = arith.addi %add3A_850, %add3A_14 : vector<16xi32>
        %scatter3A_889 = arith.constant 1 : i32
        %scatter3A_890 = arith.constant 0 : i32
        %scatter3A_891 = tpu.memref_slice %arg7[%scatter3A_889, %scatter3A_890] : memref<4x4096xf32, #tpu.memory_space<vmem>> -> memref<1x4096xf32, #tpu.memory_space<vmem>>
        %scatter3A_892 = tpu.memref_squeeze %scatter3A_891 : memref<1x4096xf32, #tpu.memory_space<vmem>> -> memref<4096xf32, #tpu.memory_space<vmem>>
        tpu.vector_store_idx %scatter3A_892[%add3A_888], %gather3A_887 : memref<4096xf32, #tpu.memory_space<vmem>>[vector<16xi32>], vector<16xf32>,
        %gather3A_893 = arith.constant 1 : i32
        %gather3A_894 = arith.constant 0 : i32
        %gather3A_895 = arith.constant 0 : i32
        %gather3A_896 = tpu.memref_slice %arg6[%gather3A_893, %gather3A_894, %gather3A_895] : memref<4x128x32xf32, #tpu.memory_space<vmem>> -> memref<1x128x32xf32, #tpu.memory_space<vmem>>
        %gather3A_897 = tpu.memref_squeeze %gather3A_896 : memref<1x128x32xf32, #tpu.memory_space<vmem>> -> memref<128x32xf32, #tpu.memory_space<vmem>>
        %gather3A_898 = tpu.vector_load_idx %gather3A_897[%add3A_17, %and3A_839] : memref<128x32xf32, #tpu.memory_space<vmem>>[vector<16xi32>, vector<16xi32>], vector<16xf32>,
        %add3A_899 = arith.addi %add3A_850, %add3A_17 : vector<16xi32>
        %scatter3A_900 = arith.constant 1 : i32
        %scatter3A_901 = arith.constant 0 : i32
        %scatter3A_902 = tpu.memref_slice %arg7[%scatter3A_900, %scatter3A_901] : memref<4x4096xf32, #tpu.memory_space<vmem>> -> memref<1x4096xf32, #tpu.memory_space<vmem>>
        %scatter3A_903 = tpu.memref_squeeze %scatter3A_902 : memref<1x4096xf32, #tpu.memory_space<vmem>> -> memref<4096xf32, #tpu.memory_space<vmem>>
        tpu.vector_store_idx %scatter3A_903[%add3A_899], %gather3A_898 : memref<4096xf32, #tpu.memory_space<vmem>>[vector<16xi32>], vector<16xf32>,
        %gather3A_904 = arith.constant 1 : i32
        %gather3A_905 = arith.constant 0 : i32
        %gather3A_906 = arith.constant 0 : i32
        %gather3A_907 = tpu.memref_slice %arg6[%gather3A_904, %gather3A_905, %gather3A_906] : memref<4x128x32xf32, #tpu.memory_space<vmem>> -> memref<1x128x32xf32, #tpu.memory_space<vmem>>
        %gather3A_908 = tpu.memref_squeeze %gather3A_907 : memref<1x128x32xf32, #tpu.memory_space<vmem>> -> memref<128x32xf32, #tpu.memory_space<vmem>>
        %gather3A_909 = tpu.vector_load_idx %gather3A_908[%add3A_20, %and3A_839] : memref<128x32xf32, #tpu.memory_space<vmem>>[vector<16xi32>, vector<16xi32>], vector<16xf32>,
        %add3A_910 = arith.addi %add3A_850, %add3A_20 : vector<16xi32>
        %scatter3A_911 = arith.constant 1 : i32
        %scatter3A_912 = arith.constant 0 : i32
        %scatter3A_913 = tpu.memref_slice %arg7[%scatter3A_911, %scatter3A_912] : memref<4x4096xf32, #tpu.memory_space<vmem>> -> memref<1x4096xf32, #tpu.memory_space<vmem>>
        %scatter3A_914 = tpu.memref_squeeze %scatter3A_913 : memref<1x4096xf32, #tpu.memory_space<vmem>> -> memref<4096xf32, #tpu.memory_space<vmem>>
        tpu.vector_store_idx %scatter3A_914[%add3A_910], %gather3A_909 : memref<4096xf32, #tpu.memory_space<vmem>>[vector<16xi32>], vector<16xf32>,
        %gather3A_915 = arith.constant 1 : i32
        %gather3A_916 = arith.constant 0 : i32
        %gather3A_917 = arith.constant 0 : i32
        %gather3A_918 = tpu.memref_slice %arg6[%gather3A_915, %gather3A_916, %gather3A_917] : memref<4x128x32xf32, #tpu.memory_space<vmem>> -> memref<1x128x32xf32, #tpu.memory_space<vmem>>
        %gather3A_919 = tpu.memref_squeeze %gather3A_918 : memref<1x128x32xf32, #tpu.memory_space<vmem>> -> memref<128x32xf32, #tpu.memory_space<vmem>>
        %gather3A_920 = tpu.vector_load_idx %gather3A_919[%add3A_23, %and3A_839] : memref<128x32xf32, #tpu.memory_space<vmem>>[vector<16xi32>, vector<16xi32>], vector<16xf32>,
        %add3A_921 = arith.addi %add3A_850, %add3A_23 : vector<16xi32>
        %scatter3A_922 = arith.constant 1 : i32
        %scatter3A_923 = arith.constant 0 : i32
        %scatter3A_924 = tpu.memref_slice %arg7[%scatter3A_922, %scatter3A_923] : memref<4x4096xf32, #tpu.memory_space<vmem>> -> memref<1x4096xf32, #tpu.memory_space<vmem>>
        %scatter3A_925 = tpu.memref_squeeze %scatter3A_924 : memref<1x4096xf32, #tpu.memory_space<vmem>> -> memref<4096xf32, #tpu.memory_space<vmem>>
        tpu.vector_store_idx %scatter3A_925[%add3A_921], %gather3A_920 : memref<4096xf32, #tpu.memory_space<vmem>>[vector<16xi32>], vector<16xf32>,
        %gather3A_926 = arith.constant 1 : i32
        %gather3A_927 = arith.constant 0 : i32
        %gather3A_928 = arith.constant 0 : i32
        %gather3A_929 = tpu.memref_slice %arg6[%gather3A_926, %gather3A_927, %gather3A_928] : memref<4x128x32xf32, #tpu.memory_space<vmem>> -> memref<1x128x32xf32, #tpu.memory_space<vmem>>
        %gather3A_930 = tpu.memref_squeeze %gather3A_929 : memref<1x128x32xf32, #tpu.memory_space<vmem>> -> memref<128x32xf32, #tpu.memory_space<vmem>>
        %gather3A_931 = tpu.vector_load_idx %gather3A_930[%add3A_26, %and3A_839] : memref<128x32xf32, #tpu.memory_space<vmem>>[vector<16xi32>, vector<16xi32>], vector<16xf32>,
        %add3A_932 = arith.addi %add3A_850, %add3A_26 : vector<16xi32>
        %scatter3A_933 = arith.constant 1 : i32
        %scatter3A_934 = arith.constant 0 : i32
        %scatter3A_935 = tpu.memref_slice %arg7[%scatter3A_933, %scatter3A_934] : memref<4x4096xf32, #tpu.memory_space<vmem>> -> memref<1x4096xf32, #tpu.memory_space<vmem>>
        %scatter3A_936 = tpu.memref_squeeze %scatter3A_935 : memref<1x4096xf32, #tpu.memory_space<vmem>> -> memref<4096xf32, #tpu.memory_space<vmem>>
        tpu.vector_store_idx %scatter3A_936[%add3A_932], %gather3A_931 : memref<4096xf32, #tpu.memory_space<vmem>>[vector<16xi32>], vector<16xf32>,
      }
      %scan3A_470 = arith.constant 32 : i32
      %lt3A_471 = arith.constant 25 : i32
      %lt3A_472 = arith.cmpi slt, %scan3A_334, %lt3A_471 : i32
      %convert_element_type3A_473 = arith.extui %lt3A_472 : i1 to i32
      %cond3A_474 = arith.constant 0 : i32
      %cond3A_475 = arith.cmpi ne, %convert_element_type3A_473, %cond3A_474 : i32
      scf.if %cond3A_475 {
        %add3A_834 = arith.constant 4 : i32
        %add3A_835 = arith.addi %add3A_453, %add3A_834 : i32
        %dma_start3A_836 = arith.constant 1 : i32
        %dma_start3A_837 = arith.constant 0 : i32
        %dma_start3A_838 = arith.constant 0 : i32
        %dma_start3A_839 = tpu.memref_slice %arg6[%dma_start3A_836, %dma_start3A_837, %dma_start3A_838] : memref<4x128x32xf32, #tpu.memory_space<vmem>> -> memref<1x128x32xf32, #tpu.memory_space<vmem>>
        %dma_start3A_840 = tpu.memref_squeeze %dma_start3A_839 : memref<1x128x32xf32, #tpu.memory_space<vmem>> -> memref<128x32xf32, #tpu.memory_space<vmem>>
        %dma_start3A_841 = arith.constant 0 : i32
        %dma_start3A_842 = tpu.memref_slice %arg5[%add3A_835, %dma_start3A_841] : memref<104x128xi32, #tpu.memory_space<vmem>> -> memref<1x128xi32, #tpu.memory_space<vmem>>
        %dma_start3A_843 = tpu.memref_squeeze %dma_start3A_842 : memref<1x128xi32, #tpu.memory_space<vmem>> -> memref<128xi32, #tpu.memory_space<vmem>>
        %dma_start3A_844 = arith.constant 0 : i32
        %dma_start3A_845 = arith.constant 0 : i32
        %dma_start3A_846 = tpu.memref_slice %arg3[%dma_start3A_844, %dma_start3A_845] : memref<1001472x32xf32, #tpu.memory_space<hbm>> -> memref<1001472x32xf32, #tpu.memory_space<hbm>>
        tpu.enqueue_indirect_dma source(%dma_start3A_846 : memref<1001472x32xf32, #tpu.memory_space<hbm>>) target(%dma_start3A_840 : memref<128x32xf32, #tpu.memory_space<vmem>>) offsets(%dma_start3A_843 : memref<128xi32, #tpu.memory_space<vmem>>) semaphore(%arg9 : memref<!tpu.dma_semaphore, #tpu.memory_space<semaphore_mem>>)
      } else {
      }
      %gt3A_476 = arith.constant 0 : i32
      %gt3A_477 = arith.cmpi sgt, %scan3A_334, %gt3A_476 : i32
      %convert_element_type3A_478 = arith.extui %gt3A_477 : i1 to i32
      %cond3A_479 = arith.constant 0 : i32
      %cond3A_480 = arith.cmpi ne, %convert_element_type3A_478, %cond3A_479 : i32
      scf.if %cond3A_480 {
        %dma_wait3A_834 = arith.constant 1 : i32
        %dma_wait3A_835 = arith.constant 0 : i32
        %dma_wait3A_836 = arith.constant 0 : i32
        %dma_wait3A_837 = arith.constant 0 : i32
        %dma_wait3A_838 = arith.constant 0 : i32
        %dma_wait3A_839 = tpu.memref_slice %arg7[%dma_wait3A_834, %dma_wait3A_838] : memref<4x4096xf32, #tpu.memory_space<vmem>> -> memref<1x1024xf32, #tpu.memory_space<vmem>>
        %dma_wait3A_840 = tpu.memref_squeeze %dma_wait3A_839 : memref<1x1024xf32, #tpu.memory_space<vmem>> -> memref<1024xf32, #tpu.memory_space<vmem>>
        %dma_wait3A_841 = arith.constant 0 : i32
        %dma_wait3A_842 = tpu.memref_slice %arg4[%dma_wait3A_835, %dma_wait3A_836, %dma_wait3A_837, %dma_wait3A_841] : memref<26x4x128x1024xf32, #tpu.memory_space<hbm>> -> memref<1x1x1x1024xf32, #tpu.memory_space<hbm>>
        %dma_wait3A_843 = tpu.memref_squeeze %dma_wait3A_842 : memref<1x1x1x1024xf32, #tpu.memory_space<hbm>> -> memref<1024xf32, #tpu.memory_space<hbm>>
        %dma_wait3A_844 = arith.constant 0 : i32
        %dma_wait3A_845 = tpu.memref_slice %arg4[%dma_wait3A_835, %dma_wait3A_836, %dma_wait3A_837, %dma_wait3A_844] : memref<26x4x128x1024xf32, #tpu.memory_space<hbm>> -> memref<1x1x1x1024xf32, #tpu.memory_space<hbm>>
        %dma_wait3A_846 = tpu.memref_squeeze %dma_wait3A_845 : memref<1x1x1x1024xf32, #tpu.memory_space<hbm>> -> memref<1024xf32, #tpu.memory_space<hbm>>
        %dma_wait3A_847 = arith.constant 0 : i32
        %dma_wait3A_848 = tpu.memref_slice %arg7[%dma_wait3A_834, %dma_wait3A_847] : memref<4x4096xf32, #tpu.memory_space<vmem>> -> memref<1x1024xf32, #tpu.memory_space<vmem>>
        %dma_wait3A_849 = tpu.memref_squeeze %dma_wait3A_848 : memref<1x1024xf32, #tpu.memory_space<vmem>> -> memref<1024xf32, #tpu.memory_space<vmem>>
        tpu.wait_dma2 semaphore(%arg13 : memref<!tpu.dma_semaphore, #tpu.memory_space<semaphore_mem>>) src(%dma_wait3A_849 : memref<1024xf32, #tpu.memory_space<vmem>>) dst(%dma_wait3A_846 : memref<1024xf32, #tpu.memory_space<hbm>>)
        %dma_wait3A_850 = arith.constant 1 : i32
        %dma_wait3A_851 = arith.constant 0 : i32
        %dma_wait3A_852 = arith.constant 1 : i32
        %dma_wait3A_853 = arith.constant 0 : i32
        %dma_wait3A_854 = arith.constant 1024 : i32
        %dma_wait3A_855 = tpu.memref_slice %arg7[%dma_wait3A_850, %dma_wait3A_854] : memref<4x4096xf32, #tpu.memory_space<vmem>> -> memref<1x1024xf32, #tpu.memory_space<vmem>>
        %dma_wait3A_856 = tpu.memref_squeeze %dma_wait3A_855 : memref<1x1024xf32, #tpu.memory_space<vmem>> -> memref<1024xf32, #tpu.memory_space<vmem>>
        %dma_wait3A_857 = arith.constant 0 : i32
        %dma_wait3A_858 = tpu.memref_slice %arg4[%dma_wait3A_851, %dma_wait3A_852, %dma_wait3A_853, %dma_wait3A_857] : memref<26x4x128x1024xf32, #tpu.memory_space<hbm>> -> memref<1x1x1x1024xf32, #tpu.memory_space<hbm>>
        %dma_wait3A_859 = tpu.memref_squeeze %dma_wait3A_858 : memref<1x1x1x1024xf32, #tpu.memory_space<hbm>> -> memref<1024xf32, #tpu.memory_space<hbm>>
        %dma_wait3A_860 = arith.constant 0 : i32
        %dma_wait3A_861 = tpu.memref_slice %arg4[%dma_wait3A_851, %dma_wait3A_852, %dma_wait3A_853, %dma_wait3A_860] : memref<26x4x128x1024xf32, #tpu.memory_space<hbm>> -> memref<1x1x1x1024xf32, #tpu.memory_space<hbm>>
        %dma_wait3A_862 = tpu.memref_squeeze %dma_wait3A_861 : memref<1x1x1x1024xf32, #tpu.memory_space<hbm>> -> memref<1024xf32, #tpu.memory_space<hbm>>
        %dma_wait3A_863 = arith.constant 1024 : i32
        %dma_wait3A_864 = tpu.memref_slice %arg7[%dma_wait3A_850, %dma_wait3A_863] : memref<4x4096xf32, #tpu.memory_space<vmem>> -> memref<1x1024xf32, #tpu.memory_space<vmem>>
        %dma_wait3A_865 = tpu.memref_squeeze %dma_wait3A_864 : memref<1x1024xf32, #tpu.memory_space<vmem>> -> memref<1024xf32, #tpu.memory_space<vmem>>
        tpu.wait_dma2 semaphore(%arg13 : memref<!tpu.dma_semaphore, #tpu.memory_space<semaphore_mem>>) src(%dma_wait3A_865 : memref<1024xf32, #tpu.memory_space<vmem>>) dst(%dma_wait3A_862 : memref<1024xf32, #tpu.memory_space<hbm>>)
        %dma_wait3A_866 = arith.constant 1 : i32
        %dma_wait3A_867 = arith.constant 0 : i32
        %dma_wait3A_868 = arith.constant 2 : i32
        %dma_wait3A_869 = arith.constant 0 : i32
        %dma_wait3A_870 = arith.constant 2048 : i32
        %dma_wait3A_871 = tpu.memref_slice %arg7[%dma_wait3A_866, %dma_wait3A_870] : memref<4x4096xf32, #tpu.memory_space<vmem>> -> memref<1x1024xf32, #tpu.memory_space<vmem>>
        %dma_wait3A_872 = tpu.memref_squeeze %dma_wait3A_871 : memref<1x1024xf32, #tpu.memory_space<vmem>> -> memref<1024xf32, #tpu.memory_space<vmem>>
        %dma_wait3A_873 = arith.constant 0 : i32
        %dma_wait3A_874 = tpu.memref_slice %arg4[%dma_wait3A_867, %dma_wait3A_868, %dma_wait3A_869, %dma_wait3A_873] : memref<26x4x128x1024xf32, #tpu.memory_space<hbm>> -> memref<1x1x1x1024xf32, #tpu.memory_space<hbm>>
        %dma_wait3A_875 = tpu.memref_squeeze %dma_wait3A_874 : memref<1x1x1x1024xf32, #tpu.memory_space<hbm>> -> memref<1024xf32, #tpu.memory_space<hbm>>
        %dma_wait3A_876 = arith.constant 0 : i32
        %dma_wait3A_877 = tpu.memref_slice %arg4[%dma_wait3A_867, %dma_wait3A_868, %dma_wait3A_869, %dma_wait3A_876] : memref<26x4x128x1024xf32, #tpu.memory_space<hbm>> -> memref<1x1x1x1024xf32, #tpu.memory_space<hbm>>
        %dma_wait3A_878 = tpu.memref_squeeze %dma_wait3A_877 : memref<1x1x1x1024xf32, #tpu.memory_space<hbm>> -> memref<1024xf32, #tpu.memory_space<hbm>>
        %dma_wait3A_879 = arith.constant 2048 : i32
        %dma_wait3A_880 = tpu.memref_slice %arg7[%dma_wait3A_866, %dma_wait3A_879] : memref<4x4096xf32, #tpu.memory_space<vmem>> -> memref<1x1024xf32, #tpu.memory_space<vmem>>
        %dma_wait3A_881 = tpu.memref_squeeze %dma_wait3A_880 : memref<1x1024xf32, #tpu.memory_space<vmem>> -> memref<1024xf32, #tpu.memory_space<vmem>>
        tpu.wait_dma2 semaphore(%arg13 : memref<!tpu.dma_semaphore, #tpu.memory_space<semaphore_mem>>) src(%dma_wait3A_881 : memref<1024xf32, #tpu.memory_space<vmem>>) dst(%dma_wait3A_878 : memref<1024xf32, #tpu.memory_space<hbm>>)
        %dma_wait3A_882 = arith.constant 1 : i32
        %dma_wait3A_883 = arith.constant 0 : i32
        %dma_wait3A_884 = arith.constant 3 : i32
        %dma_wait3A_885 = arith.constant 0 : i32
        %dma_wait3A_886 = arith.constant 3072 : i32
        %dma_wait3A_887 = tpu.memref_slice %arg7[%dma_wait3A_882, %dma_wait3A_886] : memref<4x4096xf32, #tpu.memory_space<vmem>> -> memref<1x1024xf32, #tpu.memory_space<vmem>>
        %dma_wait3A_888 = tpu.memref_squeeze %dma_wait3A_887 : memref<1x1024xf32, #tpu.memory_space<vmem>> -> memref<1024xf32, #tpu.memory_space<vmem>>
        %dma_wait3A_889 = arith.constant 0 : i32
        %dma_wait3A_890 = tpu.memref_slice %arg4[%dma_wait3A_883, %dma_wait3A_884, %dma_wait3A_885, %dma_wait3A_889] : memref<26x4x128x1024xf32, #tpu.memory_space<hbm>> -> memref<1x1x1x1024xf32, #tpu.memory_space<hbm>>
        %dma_wait3A_891 = tpu.memref_squeeze %dma_wait3A_890 : memref<1x1x1x1024xf32, #tpu.memory_space<hbm>> -> memref<1024xf32, #tpu.memory_space<hbm>>
        %dma_wait3A_892 = arith.constant 0 : i32
        %dma_wait3A_893 = tpu.memref_slice %arg4[%dma_wait3A_883, %dma_wait3A_884, %dma_wait3A_885, %dma_wait3A_892] : memref<26x4x128x1024xf32, #tpu.memory_space<hbm>> -> memref<1x1x1x1024xf32, #tpu.memory_space<hbm>>
        %dma_wait3A_894 = tpu.memref_squeeze %dma_wait3A_893 : memref<1x1x1x1024xf32, #tpu.memory_space<hbm>> -> memref<1024xf32, #tpu.memory_space<hbm>>
        %dma_wait3A_895 = arith.constant 3072 : i32
        %dma_wait3A_896 = tpu.memref_slice %arg7[%dma_wait3A_882, %dma_wait3A_895] : memref<4x4096xf32, #tpu.memory_space<vmem>> -> memref<1x1024xf32, #tpu.memory_space<vmem>>
        %dma_wait3A_897 = tpu.memref_squeeze %dma_wait3A_896 : memref<1x1024xf32, #tpu.memory_space<vmem>> -> memref<1024xf32, #tpu.memory_space<vmem>>
        tpu.wait_dma2 semaphore(%arg13 : memref<!tpu.dma_semaphore, #tpu.memory_space<semaphore_mem>>) src(%dma_wait3A_897 : memref<1024xf32, #tpu.memory_space<vmem>>) dst(%dma_wait3A_894 : memref<1024xf32, #tpu.memory_space<hbm>>)
      } else {
      }
      %add3A_481 = arith.addi %mul3A_2, %add3A_453 : i32
      %jit3A_482 = arith.constant 128 : i32
      %div3A_483 = arith.divsi %add3A_481, %jit3A_482 : i32
      %sign3A_484 = arith.constant 0 : i32
      %sign3A_485 = arith.cmpi sgt, %add3A_481, %sign3A_484 : i32
      %sign3A_486 = arith.extui %sign3A_485 : i1 to i32
      %sign3A_487 = arith.constant 0 : i32
      %sign3A_488 = arith.cmpi slt, %add3A_481, %sign3A_487 : i32
      %sign3A_489 = arith.extui %sign3A_488 : i1 to i32
      %sign3A_490 = arith.subi %sign3A_486, %sign3A_489 : i32
      %sign3A_491 = arith.constant 0 : i32
      %sign3A_492 = arith.cmpi sgt, %jit3A_482, %sign3A_491 : i32
      %sign3A_493 = arith.extui %sign3A_492 : i1 to i32
      %sign3A_494 = arith.constant 0 : i32
      %sign3A_495 = arith.cmpi slt, %jit3A_482, %sign3A_494 : i32
      %sign3A_496 = arith.extui %sign3A_495 : i1 to i32
      %sign3A_497 = arith.subi %sign3A_493, %sign3A_496 : i32
      %ne3A_498 = arith.cmpi ne, %sign3A_490, %sign3A_497 : i32
      %rem3A_499 = arith.remsi %add3A_481, %jit3A_482 : i32
      %ne3A_500 = arith.constant 0 : i32
      %ne3A_501 = arith.cmpi ne, %rem3A_499, %ne3A_500 : i32
      %and3A_502 = arith.andi %ne3A_498, %ne3A_501 : i1
      %sub3A_503 = arith.constant 1 : i32
      %sub3A_504 = arith.subi %div3A_483, %sub3A_503 : i32
      %select_n3A_505 = arith.select %and3A_502, %sub3A_504, %div3A_483 : i32
      %jit3A_506 = arith.constant 128 : i32
      %eq3A_507 = arith.constant 0 : i32
      %eq3A_508 = arith.cmpi eq, %jit3A_506, %eq3A_507 : i32
      %jit3A_509 = arith.constant 1 : i32
      %select_n3A_510 = arith.select %eq3A_508, %jit3A_509, %jit3A_506 : i32
      %rem3A_511 = arith.remsi %add3A_481, %select_n3A_510 : i32
      %ne3A_512 = arith.constant 0 : i32
      %ne3A_513 = arith.cmpi ne, %rem3A_511, %ne3A_512 : i32
      %lt3A_514 = arith.constant 0 : i32
      %lt3A_515 = arith.cmpi slt, %rem3A_511, %lt3A_514 : i32
      %lt3A_516 = arith.constant 0 : i32
      %lt3A_517 = arith.cmpi slt, %select_n3A_510, %lt3A_516 : i32
      %ne3A_518 = arith.xori %lt3A_515, %lt3A_517 : i1
      %and3A_519 = arith.andi %ne3A_518, %ne3A_513 : i1
      %add3A_520 = arith.addi %rem3A_511, %select_n3A_510 : i32
      %select_n3A_521 = arith.select %and3A_519, %add3A_520, %rem3A_511 : i32
      %dma_start3A_522 = arith.constant 1 : i32
      %dma_start3A_523 = arith.constant 0 : i32
      %dma_start3A_524 = arith.constant 0 : i32
      %dma_start3A_525 = tpu.memref_slice %arg7[%dma_start3A_522, %dma_start3A_524] : memref<4x4096xf32, #tpu.memory_space<vmem>> -> memref<1x1024xf32, #tpu.memory_space<vmem>>
      %dma_start3A_526 = tpu.memref_squeeze %dma_start3A_525 : memref<1x1024xf32, #tpu.memory_space<vmem>> -> memref<1024xf32, #tpu.memory_space<vmem>>
      %dma_start3A_527 = arith.constant 0 : i32
      %dma_start3A_528 = tpu.memref_slice %arg4[%select_n3A_505, %dma_start3A_523, %select_n3A_521, %dma_start3A_527] : memref<26x4x128x1024xf32, #tpu.memory_space<hbm>> -> memref<1x1x1x1024xf32, #tpu.memory_space<hbm>>
      %dma_start3A_529 = tpu.memref_squeeze %dma_start3A_528 : memref<1x1x1x1024xf32, #tpu.memory_space<hbm>> -> memref<1024xf32, #tpu.memory_space<hbm>>
      %dma_start3A_530 = arith.constant 0 : i32
      %dma_start3A_531 = tpu.memref_slice %arg4[%select_n3A_505, %dma_start3A_523, %select_n3A_521, %dma_start3A_530] : memref<26x4x128x1024xf32, #tpu.memory_space<hbm>> -> memref<1x1x1x1024xf32, #tpu.memory_space<hbm>>
      %dma_start3A_532 = tpu.memref_squeeze %dma_start3A_531 : memref<1x1x1x1024xf32, #tpu.memory_space<hbm>> -> memref<1024xf32, #tpu.memory_space<hbm>>
      %dma_start3A_533 = arith.constant 0 : i32
      %dma_start3A_534 = tpu.memref_slice %arg7[%dma_start3A_522, %dma_start3A_533] : memref<4x4096xf32, #tpu.memory_space<vmem>> -> memref<1x1024xf32, #tpu.memory_space<vmem>>
      %dma_start3A_535 = tpu.memref_squeeze %dma_start3A_534 : memref<1x1024xf32, #tpu.memory_space<vmem>> -> memref<1024xf32, #tpu.memory_space<vmem>>
      tpu.enqueue_dma source(%dma_start3A_535 : memref<1024xf32, #tpu.memory_space<vmem>>) target(%dma_start3A_532 : memref<1024xf32, #tpu.memory_space<hbm>>) target_semaphore(%arg13 : memref<!tpu.dma_semaphore, #tpu.memory_space<semaphore_mem>>)
      %dma_start3A_536 = arith.constant 1 : i32
      %dma_start3A_537 = arith.constant 1 : i32
      %dma_start3A_538 = arith.constant 1024 : i32
      %dma_start3A_539 = tpu.memref_slice %arg7[%dma_start3A_536, %dma_start3A_538] : memref<4x4096xf32, #tpu.memory_space<vmem>> -> memref<1x1024xf32, #tpu.memory_space<vmem>>
      %dma_start3A_540 = tpu.memref_squeeze %dma_start3A_539 : memref<1x1024xf32, #tpu.memory_space<vmem>> -> memref<1024xf32, #tpu.memory_space<vmem>>
      %dma_start3A_541 = arith.constant 0 : i32
      %dma_start3A_542 = tpu.memref_slice %arg4[%select_n3A_505, %dma_start3A_537, %select_n3A_521, %dma_start3A_541] : memref<26x4x128x1024xf32, #tpu.memory_space<hbm>> -> memref<1x1x1x1024xf32, #tpu.memory_space<hbm>>
      %dma_start3A_543 = tpu.memref_squeeze %dma_start3A_542 : memref<1x1x1x1024xf32, #tpu.memory_space<hbm>> -> memref<1024xf32, #tpu.memory_space<hbm>>
      %dma_start3A_544 = arith.constant 0 : i32
      %dma_start3A_545 = tpu.memref_slice %arg4[%select_n3A_505, %dma_start3A_537, %select_n3A_521, %dma_start3A_544] : memref<26x4x128x1024xf32, #tpu.memory_space<hbm>> -> memref<1x1x1x1024xf32, #tpu.memory_space<hbm>>
      %dma_start3A_546 = tpu.memref_squeeze %dma_start3A_545 : memref<1x1x1x1024xf32, #tpu.memory_space<hbm>> -> memref<1024xf32, #tpu.memory_space<hbm>>
      %dma_start3A_547 = arith.constant 1024 : i32
      %dma_start3A_548 = tpu.memref_slice %arg7[%dma_start3A_536, %dma_start3A_547] : memref<4x4096xf32, #tpu.memory_space<vmem>> -> memref<1x1024xf32, #tpu.memory_space<vmem>>
      %dma_start3A_549 = tpu.memref_squeeze %dma_start3A_548 : memref<1x1024xf32, #tpu.memory_space<vmem>> -> memref<1024xf32, #tpu.memory_space<vmem>>
      tpu.enqueue_dma source(%dma_start3A_549 : memref<1024xf32, #tpu.memory_space<vmem>>) target(%dma_start3A_546 : memref<1024xf32, #tpu.memory_space<hbm>>) target_semaphore(%arg13 : memref<!tpu.dma_semaphore, #tpu.memory_space<semaphore_mem>>)
      %dma_start3A_550 = arith.constant 1 : i32
      %dma_start3A_551 = arith.constant 2 : i32
      %dma_start3A_552 = arith.constant 2048 : i32
      %dma_start3A_553 = tpu.memref_slice %arg7[%dma_start3A_550, %dma_start3A_552] : memref<4x4096xf32, #tpu.memory_space<vmem>> -> memref<1x1024xf32, #tpu.memory_space<vmem>>
      %dma_start3A_554 = tpu.memref_squeeze %dma_start3A_553 : memref<1x1024xf32, #tpu.memory_space<vmem>> -> memref<1024xf32, #tpu.memory_space<vmem>>
      %dma_start3A_555 = arith.constant 0 : i32
      %dma_start3A_556 = tpu.memref_slice %arg4[%select_n3A_505, %dma_start3A_551, %select_n3A_521, %dma_start3A_555] : memref<26x4x128x1024xf32, #tpu.memory_space<hbm>> -> memref<1x1x1x1024xf32, #tpu.memory_space<hbm>>
      %dma_start3A_557 = tpu.memref_squeeze %dma_start3A_556 : memref<1x1x1x1024xf32, #tpu.memory_space<hbm>> -> memref<1024xf32, #tpu.memory_space<hbm>>
      %dma_start3A_558 = arith.constant 0 : i32
      %dma_start3A_559 = tpu.memref_slice %arg4[%select_n3A_505, %dma_start3A_551, %select_n3A_521, %dma_start3A_558] : memref<26x4x128x1024xf32, #tpu.memory_space<hbm>> -> memref<1x1x1x1024xf32, #tpu.memory_space<hbm>>
      %dma_start3A_560 = tpu.memref_squeeze %dma_start3A_559 : memref<1x1x1x1024xf32, #tpu.memory_space<hbm>> -> memref<1024xf32, #tpu.memory_space<hbm>>
      %dma_start3A_561 = arith.constant 2048 : i32
      %dma_start3A_562 = tpu.memref_slice %arg7[%dma_start3A_550, %dma_start3A_561] : memref<4x4096xf32, #tpu.memory_space<vmem>> -> memref<1x1024xf32, #tpu.memory_space<vmem>>
      %dma_start3A_563 = tpu.memref_squeeze %dma_start3A_562 : memref<1x1024xf32, #tpu.memory_space<vmem>> -> memref<1024xf32, #tpu.memory_space<vmem>>
      tpu.enqueue_dma source(%dma_start3A_563 : memref<1024xf32, #tpu.memory_space<vmem>>) target(%dma_start3A_560 : memref<1024xf32, #tpu.memory_space<hbm>>) target_semaphore(%arg13 : memref<!tpu.dma_semaphore, #tpu.memory_space<semaphore_mem>>)
      %dma_start3A_564 = arith.constant 1 : i32
      %dma_start3A_565 = arith.constant 3 : i32
      %dma_start3A_566 = arith.constant 3072 : i32
      %dma_start3A_567 = tpu.memref_slice %arg7[%dma_start3A_564, %dma_start3A_566] : memref<4x4096xf32, #tpu.memory_space<vmem>> -> memref<1x1024xf32, #tpu.memory_space<vmem>>
      %dma_start3A_568 = tpu.memref_squeeze %dma_start3A_567 : memref<1x1024xf32, #tpu.memory_space<vmem>> -> memref<1024xf32, #tpu.memory_space<vmem>>
      %dma_start3A_569 = arith.constant 0 : i32
      %dma_start3A_570 = tpu.memref_slice %arg4[%select_n3A_505, %dma_start3A_565, %select_n3A_521, %dma_start3A_569] : memref<26x4x128x1024xf32, #tpu.memory_space<hbm>> -> memref<1x1x1x1024xf32, #tpu.memory_space<hbm>>
      %dma_start3A_571 = tpu.memref_squeeze %dma_start3A_570 : memref<1x1x1x1024xf32, #tpu.memory_space<hbm>> -> memref<1024xf32, #tpu.memory_space<hbm>>
      %dma_start3A_572 = arith.constant 0 : i32
      %dma_start3A_573 = tpu.memref_slice %arg4[%select_n3A_505, %dma_start3A_565, %select_n3A_521, %dma_start3A_572] : memref<26x4x128x1024xf32, #tpu.memory_space<hbm>> -> memref<1x1x1x1024xf32, #tpu.memory_space<hbm>>
      %dma_start3A_574 = tpu.memref_squeeze %dma_start3A_573 : memref<1x1x1x1024xf32, #tpu.memory_space<hbm>> -> memref<1024xf32, #tpu.memory_space<hbm>>
      %dma_start3A_575 = arith.constant 3072 : i32
      %dma_start3A_576 = tpu.memref_slice %arg7[%dma_start3A_564, %dma_start3A_575] : memref<4x4096xf32, #tpu.memory_space<vmem>> -> memref<1x1024xf32, #tpu.memory_space<vmem>>
      %dma_start3A_577 = tpu.memref_squeeze %dma_start3A_576 : memref<1x1024xf32, #tpu.memory_space<vmem>> -> memref<1024xf32, #tpu.memory_space<vmem>>
      tpu.enqueue_dma source(%dma_start3A_577 : memref<1024xf32, #tpu.memory_space<vmem>>) target(%dma_start3A_574 : memref<1024xf32, #tpu.memory_space<hbm>>) target_semaphore(%arg13 : memref<!tpu.dma_semaphore, #tpu.memory_space<semaphore_mem>>)
      %mul3A_578 = arith.constant 4 : i32
      %mul3A_579 = arith.muli %scan3A_334, %mul3A_578 : i32
      %add3A_580 = arith.constant 2 : i32
      %add3A_581 = arith.addi %mul3A_579, %add3A_580 : i32
      %dma_wait3A_582 = arith.constant 2 : i32
      %dma_wait3A_583 = arith.constant 0 : i32
      %dma_wait3A_584 = arith.constant 0 : i32
      %dma_wait3A_585 = tpu.memref_slice %arg6[%dma_wait3A_582, %dma_wait3A_583, %dma_wait3A_584] : memref<4x128x32xf32, #tpu.memory_space<vmem>> -> memref<1x128x32xf32, #tpu.memory_space<vmem>>
      %dma_wait3A_586 = tpu.memref_squeeze %dma_wait3A_585 : memref<1x128x32xf32, #tpu.memory_space<vmem>> -> memref<128x32xf32, #tpu.memory_space<vmem>>
      %dma_wait3A_587 = arith.constant 0 : i32
      %dma_wait3A_588 = tpu.memref_slice %arg5[%add3A_581, %dma_wait3A_587] : memref<104x128xi32, #tpu.memory_space<vmem>> -> memref<1x128xi32, #tpu.memory_space<vmem>>
      %dma_wait3A_589 = tpu.memref_squeeze %dma_wait3A_588 : memref<1x128xi32, #tpu.memory_space<vmem>> -> memref<128xi32, #tpu.memory_space<vmem>>
      %dma_wait3A_590 = arith.constant 0 : i32
      %dma_wait3A_591 = arith.constant 0 : i32
      %dma_wait3A_592 = tpu.memref_slice %arg3[%dma_wait3A_590, %dma_wait3A_591] : memref<1001472x32xf32, #tpu.memory_space<hbm>> -> memref<1001472x32xf32, #tpu.memory_space<hbm>>
      tpu.wait_indirect_dma semaphore(%arg10 : memref<!tpu.dma_semaphore, #tpu.memory_space<semaphore_mem>>) src(%dma_wait3A_592 : memref<1001472x32xf32, #tpu.memory_space<hbm>>) dst(%dma_wait3A_586 : memref<128x32xf32, #tpu.memory_space<vmem>>)
      %scan3A_593 = arith.constant 0 : i32
      %scan3A_594 = arith.constant 0 : i32
      %scan3A_595 = arith.constant 32 : i32
      %scan3A_596 = arith.addi %scan3A_594, %scan3A_595 : i32
      %scan3A_597 = arith.constant 1 : i32
      scf.for %scan3A_834 = %scan3A_594 to %scan3A_596 step %scan3A_597  : i32 {
        %add3A_835 = vector.broadcast %scan3A_834 : i32 to vector<16xi32>
        %add3A_836 = arith.addi %add3A_835, %iota3A : vector<16xi32>
        %and3A_837 = arith.constant 31 : i32
        %and3A_838 = vector.broadcast %and3A_837 : i32 to vector<16xi32>
        %and3A_839 = arith.andi %add3A_836, %and3A_838 : vector<16xi32>
        %shift_right_arithmetic3A = arith.constant 3 : i32
        %shift_right_arithmetic3A_840 = vector.broadcast %shift_right_arithmetic3A : i32 to vector<16xi32>
        %shift_right_arithmetic3A_841 = arith.shrsi %and3A_839, %shift_right_arithmetic3A_840 : vector<16xi32>
        %shift_left3A = arith.constant 10 : i32
        %shift_left3A_842 = vector.broadcast %shift_left3A : i32 to vector<16xi32>
        %shift_left3A_843 = arith.shli %shift_right_arithmetic3A_841, %shift_left3A_842 : vector<16xi32>
        %and3A_844 = arith.constant 7 : i32
        %and3A_845 = vector.broadcast %and3A_844 : i32 to vector<16xi32>
        %and3A_846 = arith.andi %and3A_839, %and3A_845 : vector<16xi32>
        %shift_left3A_847 = arith.constant 7 : i32
        %shift_left3A_848 = vector.broadcast %shift_left3A_847 : i32 to vector<16xi32>
        %shift_left3A_849 = arith.shli %and3A_846, %shift_left3A_848 : vector<16xi32>
        %add3A_850 = arith.addi %shift_left3A_843, %shift_left3A_849 : vector<16xi32>
        %gather3A = arith.constant 2 : i32
        %gather3A_851 = arith.constant 0 : i32
        %gather3A_852 = arith.constant 0 : i32
        %gather3A_853 = tpu.memref_slice %arg6[%gather3A, %gather3A_851, %gather3A_852] : memref<4x128x32xf32, #tpu.memory_space<vmem>> -> memref<1x128x32xf32, #tpu.memory_space<vmem>>
        %gather3A_854 = tpu.memref_squeeze %gather3A_853 : memref<1x128x32xf32, #tpu.memory_space<vmem>> -> memref<128x32xf32, #tpu.memory_space<vmem>>
        %gather3A_855 = tpu.vector_load_idx %gather3A_854[%add3A_5, %and3A_839] : memref<128x32xf32, #tpu.memory_space<vmem>>[vector<16xi32>, vector<16xi32>], vector<16xf32>,
        %add3A_856 = arith.addi %add3A_850, %add3A_5 : vector<16xi32>
        %scatter3A = arith.constant 2 : i32
        %scatter3A_857 = arith.constant 0 : i32
        %scatter3A_858 = tpu.memref_slice %arg7[%scatter3A, %scatter3A_857] : memref<4x4096xf32, #tpu.memory_space<vmem>> -> memref<1x4096xf32, #tpu.memory_space<vmem>>
        %scatter3A_859 = tpu.memref_squeeze %scatter3A_858 : memref<1x4096xf32, #tpu.memory_space<vmem>> -> memref<4096xf32, #tpu.memory_space<vmem>>
        tpu.vector_store_idx %scatter3A_859[%add3A_856], %gather3A_855 : memref<4096xf32, #tpu.memory_space<vmem>>[vector<16xi32>], vector<16xf32>,
        %gather3A_860 = arith.constant 2 : i32
        %gather3A_861 = arith.constant 0 : i32
        %gather3A_862 = arith.constant 0 : i32
        %gather3A_863 = tpu.memref_slice %arg6[%gather3A_860, %gather3A_861, %gather3A_862] : memref<4x128x32xf32, #tpu.memory_space<vmem>> -> memref<1x128x32xf32, #tpu.memory_space<vmem>>
        %gather3A_864 = tpu.memref_squeeze %gather3A_863 : memref<1x128x32xf32, #tpu.memory_space<vmem>> -> memref<128x32xf32, #tpu.memory_space<vmem>>
        %gather3A_865 = tpu.vector_load_idx %gather3A_864[%add3A_8, %and3A_839] : memref<128x32xf32, #tpu.memory_space<vmem>>[vector<16xi32>, vector<16xi32>], vector<16xf32>,
        %add3A_866 = arith.addi %add3A_850, %add3A_8 : vector<16xi32>
        %scatter3A_867 = arith.constant 2 : i32
        %scatter3A_868 = arith.constant 0 : i32
        %scatter3A_869 = tpu.memref_slice %arg7[%scatter3A_867, %scatter3A_868] : memref<4x4096xf32, #tpu.memory_space<vmem>> -> memref<1x4096xf32, #tpu.memory_space<vmem>>
        %scatter3A_870 = tpu.memref_squeeze %scatter3A_869 : memref<1x4096xf32, #tpu.memory_space<vmem>> -> memref<4096xf32, #tpu.memory_space<vmem>>
        tpu.vector_store_idx %scatter3A_870[%add3A_866], %gather3A_865 : memref<4096xf32, #tpu.memory_space<vmem>>[vector<16xi32>], vector<16xf32>,
        %gather3A_871 = arith.constant 2 : i32
        %gather3A_872 = arith.constant 0 : i32
        %gather3A_873 = arith.constant 0 : i32
        %gather3A_874 = tpu.memref_slice %arg6[%gather3A_871, %gather3A_872, %gather3A_873] : memref<4x128x32xf32, #tpu.memory_space<vmem>> -> memref<1x128x32xf32, #tpu.memory_space<vmem>>
        %gather3A_875 = tpu.memref_squeeze %gather3A_874 : memref<1x128x32xf32, #tpu.memory_space<vmem>> -> memref<128x32xf32, #tpu.memory_space<vmem>>
        %gather3A_876 = tpu.vector_load_idx %gather3A_875[%add3A_11, %and3A_839] : memref<128x32xf32, #tpu.memory_space<vmem>>[vector<16xi32>, vector<16xi32>], vector<16xf32>,
        %add3A_877 = arith.addi %add3A_850, %add3A_11 : vector<16xi32>
        %scatter3A_878 = arith.constant 2 : i32
        %scatter3A_879 = arith.constant 0 : i32
        %scatter3A_880 = tpu.memref_slice %arg7[%scatter3A_878, %scatter3A_879] : memref<4x4096xf32, #tpu.memory_space<vmem>> -> memref<1x4096xf32, #tpu.memory_space<vmem>>
        %scatter3A_881 = tpu.memref_squeeze %scatter3A_880 : memref<1x4096xf32, #tpu.memory_space<vmem>> -> memref<4096xf32, #tpu.memory_space<vmem>>
        tpu.vector_store_idx %scatter3A_881[%add3A_877], %gather3A_876 : memref<4096xf32, #tpu.memory_space<vmem>>[vector<16xi32>], vector<16xf32>,
        %gather3A_882 = arith.constant 2 : i32
        %gather3A_883 = arith.constant 0 : i32
        %gather3A_884 = arith.constant 0 : i32
        %gather3A_885 = tpu.memref_slice %arg6[%gather3A_882, %gather3A_883, %gather3A_884] : memref<4x128x32xf32, #tpu.memory_space<vmem>> -> memref<1x128x32xf32, #tpu.memory_space<vmem>>
        %gather3A_886 = tpu.memref_squeeze %gather3A_885 : memref<1x128x32xf32, #tpu.memory_space<vmem>> -> memref<128x32xf32, #tpu.memory_space<vmem>>
        %gather3A_887 = tpu.vector_load_idx %gather3A_886[%add3A_14, %and3A_839] : memref<128x32xf32, #tpu.memory_space<vmem>>[vector<16xi32>, vector<16xi32>], vector<16xf32>,
        %add3A_888 = arith.addi %add3A_850, %add3A_14 : vector<16xi32>
        %scatter3A_889 = arith.constant 2 : i32
        %scatter3A_890 = arith.constant 0 : i32
        %scatter3A_891 = tpu.memref_slice %arg7[%scatter3A_889, %scatter3A_890] : memref<4x4096xf32, #tpu.memory_space<vmem>> -> memref<1x4096xf32, #tpu.memory_space<vmem>>
        %scatter3A_892 = tpu.memref_squeeze %scatter3A_891 : memref<1x4096xf32, #tpu.memory_space<vmem>> -> memref<4096xf32, #tpu.memory_space<vmem>>
        tpu.vector_store_idx %scatter3A_892[%add3A_888], %gather3A_887 : memref<4096xf32, #tpu.memory_space<vmem>>[vector<16xi32>], vector<16xf32>,
        %gather3A_893 = arith.constant 2 : i32
        %gather3A_894 = arith.constant 0 : i32
        %gather3A_895 = arith.constant 0 : i32
        %gather3A_896 = tpu.memref_slice %arg6[%gather3A_893, %gather3A_894, %gather3A_895] : memref<4x128x32xf32, #tpu.memory_space<vmem>> -> memref<1x128x32xf32, #tpu.memory_space<vmem>>
        %gather3A_897 = tpu.memref_squeeze %gather3A_896 : memref<1x128x32xf32, #tpu.memory_space<vmem>> -> memref<128x32xf32, #tpu.memory_space<vmem>>
        %gather3A_898 = tpu.vector_load_idx %gather3A_897[%add3A_17, %and3A_839] : memref<128x32xf32, #tpu.memory_space<vmem>>[vector<16xi32>, vector<16xi32>], vector<16xf32>,
        %add3A_899 = arith.addi %add3A_850, %add3A_17 : vector<16xi32>
        %scatter3A_900 = arith.constant 2 : i32
        %scatter3A_901 = arith.constant 0 : i32
        %scatter3A_902 = tpu.memref_slice %arg7[%scatter3A_900, %scatter3A_901] : memref<4x4096xf32, #tpu.memory_space<vmem>> -> memref<1x4096xf32, #tpu.memory_space<vmem>>
        %scatter3A_903 = tpu.memref_squeeze %scatter3A_902 : memref<1x4096xf32, #tpu.memory_space<vmem>> -> memref<4096xf32, #tpu.memory_space<vmem>>
        tpu.vector_store_idx %scatter3A_903[%add3A_899], %gather3A_898 : memref<4096xf32, #tpu.memory_space<vmem>>[vector<16xi32>], vector<16xf32>,
        %gather3A_904 = arith.constant 2 : i32
        %gather3A_905 = arith.constant 0 : i32
        %gather3A_906 = arith.constant 0 : i32
        %gather3A_907 = tpu.memref_slice %arg6[%gather3A_904, %gather3A_905, %gather3A_906] : memref<4x128x32xf32, #tpu.memory_space<vmem>> -> memref<1x128x32xf32, #tpu.memory_space<vmem>>
        %gather3A_908 = tpu.memref_squeeze %gather3A_907 : memref<1x128x32xf32, #tpu.memory_space<vmem>> -> memref<128x32xf32, #tpu.memory_space<vmem>>
        %gather3A_909 = tpu.vector_load_idx %gather3A_908[%add3A_20, %and3A_839] : memref<128x32xf32, #tpu.memory_space<vmem>>[vector<16xi32>, vector<16xi32>], vector<16xf32>,
        %add3A_910 = arith.addi %add3A_850, %add3A_20 : vector<16xi32>
        %scatter3A_911 = arith.constant 2 : i32
        %scatter3A_912 = arith.constant 0 : i32
        %scatter3A_913 = tpu.memref_slice %arg7[%scatter3A_911, %scatter3A_912] : memref<4x4096xf32, #tpu.memory_space<vmem>> -> memref<1x4096xf32, #tpu.memory_space<vmem>>
        %scatter3A_914 = tpu.memref_squeeze %scatter3A_913 : memref<1x4096xf32, #tpu.memory_space<vmem>> -> memref<4096xf32, #tpu.memory_space<vmem>>
        tpu.vector_store_idx %scatter3A_914[%add3A_910], %gather3A_909 : memref<4096xf32, #tpu.memory_space<vmem>>[vector<16xi32>], vector<16xf32>,
        %gather3A_915 = arith.constant 2 : i32
        %gather3A_916 = arith.constant 0 : i32
        %gather3A_917 = arith.constant 0 : i32
        %gather3A_918 = tpu.memref_slice %arg6[%gather3A_915, %gather3A_916, %gather3A_917] : memref<4x128x32xf32, #tpu.memory_space<vmem>> -> memref<1x128x32xf32, #tpu.memory_space<vmem>>
        %gather3A_919 = tpu.memref_squeeze %gather3A_918 : memref<1x128x32xf32, #tpu.memory_space<vmem>> -> memref<128x32xf32, #tpu.memory_space<vmem>>
        %gather3A_920 = tpu.vector_load_idx %gather3A_919[%add3A_23, %and3A_839] : memref<128x32xf32, #tpu.memory_space<vmem>>[vector<16xi32>, vector<16xi32>], vector<16xf32>,
        %add3A_921 = arith.addi %add3A_850, %add3A_23 : vector<16xi32>
        %scatter3A_922 = arith.constant 2 : i32
        %scatter3A_923 = arith.constant 0 : i32
        %scatter3A_924 = tpu.memref_slice %arg7[%scatter3A_922, %scatter3A_923] : memref<4x4096xf32, #tpu.memory_space<vmem>> -> memref<1x4096xf32, #tpu.memory_space<vmem>>
        %scatter3A_925 = tpu.memref_squeeze %scatter3A_924 : memref<1x4096xf32, #tpu.memory_space<vmem>> -> memref<4096xf32, #tpu.memory_space<vmem>>
        tpu.vector_store_idx %scatter3A_925[%add3A_921], %gather3A_920 : memref<4096xf32, #tpu.memory_space<vmem>>[vector<16xi32>], vector<16xf32>,
        %gather3A_926 = arith.constant 2 : i32
        %gather3A_927 = arith.constant 0 : i32
        %gather3A_928 = arith.constant 0 : i32
        %gather3A_929 = tpu.memref_slice %arg6[%gather3A_926, %gather3A_927, %gather3A_928] : memref<4x128x32xf32, #tpu.memory_space<vmem>> -> memref<1x128x32xf32, #tpu.memory_space<vmem>>
        %gather3A_930 = tpu.memref_squeeze %gather3A_929 : memref<1x128x32xf32, #tpu.memory_space<vmem>> -> memref<128x32xf32, #tpu.memory_space<vmem>>
        %gather3A_931 = tpu.vector_load_idx %gather3A_930[%add3A_26, %and3A_839] : memref<128x32xf32, #tpu.memory_space<vmem>>[vector<16xi32>, vector<16xi32>], vector<16xf32>,
        %add3A_932 = arith.addi %add3A_850, %add3A_26 : vector<16xi32>
        %scatter3A_933 = arith.constant 2 : i32
        %scatter3A_934 = arith.constant 0 : i32
        %scatter3A_935 = tpu.memref_slice %arg7[%scatter3A_933, %scatter3A_934] : memref<4x4096xf32, #tpu.memory_space<vmem>> -> memref<1x4096xf32, #tpu.memory_space<vmem>>
        %scatter3A_936 = tpu.memref_squeeze %scatter3A_935 : memref<1x4096xf32, #tpu.memory_space<vmem>> -> memref<4096xf32, #tpu.memory_space<vmem>>
        tpu.vector_store_idx %scatter3A_936[%add3A_932], %gather3A_931 : memref<4096xf32, #tpu.memory_space<vmem>>[vector<16xi32>], vector<16xf32>,
      }
      %scan3A_598 = arith.constant 32 : i32
      %lt3A_599 = arith.constant 25 : i32
      %lt3A_600 = arith.cmpi slt, %scan3A_334, %lt3A_599 : i32
      %convert_element_type3A_601 = arith.extui %lt3A_600 : i1 to i32
      %cond3A_602 = arith.constant 0 : i32
      %cond3A_603 = arith.cmpi ne, %convert_element_type3A_601, %cond3A_602 : i32
      scf.if %cond3A_603 {
        %add3A_834 = arith.constant 4 : i32
        %add3A_835 = arith.addi %add3A_581, %add3A_834 : i32
        %dma_start3A_836 = arith.constant 2 : i32
        %dma_start3A_837 = arith.constant 0 : i32
        %dma_start3A_838 = arith.constant 0 : i32
        %dma_start3A_839 = tpu.memref_slice %arg6[%dma_start3A_836, %dma_start3A_837, %dma_start3A_838] : memref<4x128x32xf32, #tpu.memory_space<vmem>> -> memref<1x128x32xf32, #tpu.memory_space<vmem>>
        %dma_start3A_840 = tpu.memref_squeeze %dma_start3A_839 : memref<1x128x32xf32, #tpu.memory_space<vmem>> -> memref<128x32xf32, #tpu.memory_space<vmem>>
        %dma_start3A_841 = arith.constant 0 : i32
        %dma_start3A_842 = tpu.memref_slice %arg5[%add3A_835, %dma_start3A_841] : memref<104x128xi32, #tpu.memory_space<vmem>> -> memref<1x128xi32, #tpu.memory_space<vmem>>
        %dma_start3A_843 = tpu.memref_squeeze %dma_start3A_842 : memref<1x128xi32, #tpu.memory_space<vmem>> -> memref<128xi32, #tpu.memory_space<vmem>>
        %dma_start3A_844 = arith.constant 0 : i32
        %dma_start3A_845 = arith.constant 0 : i32
        %dma_start3A_846 = tpu.memref_slice %arg3[%dma_start3A_844, %dma_start3A_845] : memref<1001472x32xf32, #tpu.memory_space<hbm>> -> memref<1001472x32xf32, #tpu.memory_space<hbm>>
        tpu.enqueue_indirect_dma source(%dma_start3A_846 : memref<1001472x32xf32, #tpu.memory_space<hbm>>) target(%dma_start3A_840 : memref<128x32xf32, #tpu.memory_space<vmem>>) offsets(%dma_start3A_843 : memref<128xi32, #tpu.memory_space<vmem>>) semaphore(%arg10 : memref<!tpu.dma_semaphore, #tpu.memory_space<semaphore_mem>>)
      } else {
      }
      %gt3A_604 = arith.constant 0 : i32
      %gt3A_605 = arith.cmpi sgt, %scan3A_334, %gt3A_604 : i32
      %convert_element_type3A_606 = arith.extui %gt3A_605 : i1 to i32
      %cond3A_607 = arith.constant 0 : i32
      %cond3A_608 = arith.cmpi ne, %convert_element_type3A_606, %cond3A_607 : i32
      scf.if %cond3A_608 {
        %dma_wait3A_834 = arith.constant 2 : i32
        %dma_wait3A_835 = arith.constant 0 : i32
        %dma_wait3A_836 = arith.constant 0 : i32
        %dma_wait3A_837 = arith.constant 0 : i32
        %dma_wait3A_838 = arith.constant 0 : i32
        %dma_wait3A_839 = tpu.memref_slice %arg7[%dma_wait3A_834, %dma_wait3A_838] : memref<4x4096xf32, #tpu.memory_space<vmem>> -> memref<1x1024xf32, #tpu.memory_space<vmem>>
        %dma_wait3A_840 = tpu.memref_squeeze %dma_wait3A_839 : memref<1x1024xf32, #tpu.memory_space<vmem>> -> memref<1024xf32, #tpu.memory_space<vmem>>
        %dma_wait3A_841 = arith.constant 0 : i32
        %dma_wait3A_842 = tpu.memref_slice %arg4[%dma_wait3A_835, %dma_wait3A_836, %dma_wait3A_837, %dma_wait3A_841] : memref<26x4x128x1024xf32, #tpu.memory_space<hbm>> -> memref<1x1x1x1024xf32, #tpu.memory_space<hbm>>
        %dma_wait3A_843 = tpu.memref_squeeze %dma_wait3A_842 : memref<1x1x1x1024xf32, #tpu.memory_space<hbm>> -> memref<1024xf32, #tpu.memory_space<hbm>>
        %dma_wait3A_844 = arith.constant 0 : i32
        %dma_wait3A_845 = tpu.memref_slice %arg4[%dma_wait3A_835, %dma_wait3A_836, %dma_wait3A_837, %dma_wait3A_844] : memref<26x4x128x1024xf32, #tpu.memory_space<hbm>> -> memref<1x1x1x1024xf32, #tpu.memory_space<hbm>>
        %dma_wait3A_846 = tpu.memref_squeeze %dma_wait3A_845 : memref<1x1x1x1024xf32, #tpu.memory_space<hbm>> -> memref<1024xf32, #tpu.memory_space<hbm>>
        %dma_wait3A_847 = arith.constant 0 : i32
        %dma_wait3A_848 = tpu.memref_slice %arg7[%dma_wait3A_834, %dma_wait3A_847] : memref<4x4096xf32, #tpu.memory_space<vmem>> -> memref<1x1024xf32, #tpu.memory_space<vmem>>
        %dma_wait3A_849 = tpu.memref_squeeze %dma_wait3A_848 : memref<1x1024xf32, #tpu.memory_space<vmem>> -> memref<1024xf32, #tpu.memory_space<vmem>>
        tpu.wait_dma2 semaphore(%arg14 : memref<!tpu.dma_semaphore, #tpu.memory_space<semaphore_mem>>) src(%dma_wait3A_849 : memref<1024xf32, #tpu.memory_space<vmem>>) dst(%dma_wait3A_846 : memref<1024xf32, #tpu.memory_space<hbm>>)
        %dma_wait3A_850 = arith.constant 2 : i32
        %dma_wait3A_851 = arith.constant 0 : i32
        %dma_wait3A_852 = arith.constant 1 : i32
        %dma_wait3A_853 = arith.constant 0 : i32
        %dma_wait3A_854 = arith.constant 1024 : i32
        %dma_wait3A_855 = tpu.memref_slice %arg7[%dma_wait3A_850, %dma_wait3A_854] : memref<4x4096xf32, #tpu.memory_space<vmem>> -> memref<1x1024xf32, #tpu.memory_space<vmem>>
        %dma_wait3A_856 = tpu.memref_squeeze %dma_wait3A_855 : memref<1x1024xf32, #tpu.memory_space<vmem>> -> memref<1024xf32, #tpu.memory_space<vmem>>
        %dma_wait3A_857 = arith.constant 0 : i32
        %dma_wait3A_858 = tpu.memref_slice %arg4[%dma_wait3A_851, %dma_wait3A_852, %dma_wait3A_853, %dma_wait3A_857] : memref<26x4x128x1024xf32, #tpu.memory_space<hbm>> -> memref<1x1x1x1024xf32, #tpu.memory_space<hbm>>
        %dma_wait3A_859 = tpu.memref_squeeze %dma_wait3A_858 : memref<1x1x1x1024xf32, #tpu.memory_space<hbm>> -> memref<1024xf32, #tpu.memory_space<hbm>>
        %dma_wait3A_860 = arith.constant 0 : i32
        %dma_wait3A_861 = tpu.memref_slice %arg4[%dma_wait3A_851, %dma_wait3A_852, %dma_wait3A_853, %dma_wait3A_860] : memref<26x4x128x1024xf32, #tpu.memory_space<hbm>> -> memref<1x1x1x1024xf32, #tpu.memory_space<hbm>>
        %dma_wait3A_862 = tpu.memref_squeeze %dma_wait3A_861 : memref<1x1x1x1024xf32, #tpu.memory_space<hbm>> -> memref<1024xf32, #tpu.memory_space<hbm>>
        %dma_wait3A_863 = arith.constant 1024 : i32
        %dma_wait3A_864 = tpu.memref_slice %arg7[%dma_wait3A_850, %dma_wait3A_863] : memref<4x4096xf32, #tpu.memory_space<vmem>> -> memref<1x1024xf32, #tpu.memory_space<vmem>>
        %dma_wait3A_865 = tpu.memref_squeeze %dma_wait3A_864 : memref<1x1024xf32, #tpu.memory_space<vmem>> -> memref<1024xf32, #tpu.memory_space<vmem>>
        tpu.wait_dma2 semaphore(%arg14 : memref<!tpu.dma_semaphore, #tpu.memory_space<semaphore_mem>>) src(%dma_wait3A_865 : memref<1024xf32, #tpu.memory_space<vmem>>) dst(%dma_wait3A_862 : memref<1024xf32, #tpu.memory_space<hbm>>)
        %dma_wait3A_866 = arith.constant 2 : i32
        %dma_wait3A_867 = arith.constant 0 : i32
        %dma_wait3A_868 = arith.constant 2 : i32
        %dma_wait3A_869 = arith.constant 0 : i32
        %dma_wait3A_870 = arith.constant 2048 : i32
        %dma_wait3A_871 = tpu.memref_slice %arg7[%dma_wait3A_866, %dma_wait3A_870] : memref<4x4096xf32, #tpu.memory_space<vmem>> -> memref<1x1024xf32, #tpu.memory_space<vmem>>
        %dma_wait3A_872 = tpu.memref_squeeze %dma_wait3A_871 : memref<1x1024xf32, #tpu.memory_space<vmem>> -> memref<1024xf32, #tpu.memory_space<vmem>>
        %dma_wait3A_873 = arith.constant 0 : i32
        %dma_wait3A_874 = tpu.memref_slice %arg4[%dma_wait3A_867, %dma_wait3A_868, %dma_wait3A_869, %dma_wait3A_873] : memref<26x4x128x1024xf32, #tpu.memory_space<hbm>> -> memref<1x1x1x1024xf32, #tpu.memory_space<hbm>>
        %dma_wait3A_875 = tpu.memref_squeeze %dma_wait3A_874 : memref<1x1x1x1024xf32, #tpu.memory_space<hbm>> -> memref<1024xf32, #tpu.memory_space<hbm>>
        %dma_wait3A_876 = arith.constant 0 : i32
        %dma_wait3A_877 = tpu.memref_slice %arg4[%dma_wait3A_867, %dma_wait3A_868, %dma_wait3A_869, %dma_wait3A_876] : memref<26x4x128x1024xf32, #tpu.memory_space<hbm>> -> memref<1x1x1x1024xf32, #tpu.memory_space<hbm>>
        %dma_wait3A_878 = tpu.memref_squeeze %dma_wait3A_877 : memref<1x1x1x1024xf32, #tpu.memory_space<hbm>> -> memref<1024xf32, #tpu.memory_space<hbm>>
        %dma_wait3A_879 = arith.constant 2048 : i32
        %dma_wait3A_880 = tpu.memref_slice %arg7[%dma_wait3A_866, %dma_wait3A_879] : memref<4x4096xf32, #tpu.memory_space<vmem>> -> memref<1x1024xf32, #tpu.memory_space<vmem>>
        %dma_wait3A_881 = tpu.memref_squeeze %dma_wait3A_880 : memref<1x1024xf32, #tpu.memory_space<vmem>> -> memref<1024xf32, #tpu.memory_space<vmem>>
        tpu.wait_dma2 semaphore(%arg14 : memref<!tpu.dma_semaphore, #tpu.memory_space<semaphore_mem>>) src(%dma_wait3A_881 : memref<1024xf32, #tpu.memory_space<vmem>>) dst(%dma_wait3A_878 : memref<1024xf32, #tpu.memory_space<hbm>>)
        %dma_wait3A_882 = arith.constant 2 : i32
        %dma_wait3A_883 = arith.constant 0 : i32
        %dma_wait3A_884 = arith.constant 3 : i32
        %dma_wait3A_885 = arith.constant 0 : i32
        %dma_wait3A_886 = arith.constant 3072 : i32
        %dma_wait3A_887 = tpu.memref_slice %arg7[%dma_wait3A_882, %dma_wait3A_886] : memref<4x4096xf32, #tpu.memory_space<vmem>> -> memref<1x1024xf32, #tpu.memory_space<vmem>>
        %dma_wait3A_888 = tpu.memref_squeeze %dma_wait3A_887 : memref<1x1024xf32, #tpu.memory_space<vmem>> -> memref<1024xf32, #tpu.memory_space<vmem>>
        %dma_wait3A_889 = arith.constant 0 : i32
        %dma_wait3A_890 = tpu.memref_slice %arg4[%dma_wait3A_883, %dma_wait3A_884, %dma_wait3A_885, %dma_wait3A_889] : memref<26x4x128x1024xf32, #tpu.memory_space<hbm>> -> memref<1x1x1x1024xf32, #tpu.memory_space<hbm>>
        %dma_wait3A_891 = tpu.memref_squeeze %dma_wait3A_890 : memref<1x1x1x1024xf32, #tpu.memory_space<hbm>> -> memref<1024xf32, #tpu.memory_space<hbm>>
        %dma_wait3A_892 = arith.constant 0 : i32
        %dma_wait3A_893 = tpu.memref_slice %arg4[%dma_wait3A_883, %dma_wait3A_884, %dma_wait3A_885, %dma_wait3A_892] : memref<26x4x128x1024xf32, #tpu.memory_space<hbm>> -> memref<1x1x1x1024xf32, #tpu.memory_space<hbm>>
        %dma_wait3A_894 = tpu.memref_squeeze %dma_wait3A_893 : memref<1x1x1x1024xf32, #tpu.memory_space<hbm>> -> memref<1024xf32, #tpu.memory_space<hbm>>
        %dma_wait3A_895 = arith.constant 3072 : i32
        %dma_wait3A_896 = tpu.memref_slice %arg7[%dma_wait3A_882, %dma_wait3A_895] : memref<4x4096xf32, #tpu.memory_space<vmem>> -> memref<1x1024xf32, #tpu.memory_space<vmem>>
        %dma_wait3A_897 = tpu.memref_squeeze %dma_wait3A_896 : memref<1x1024xf32, #tpu.memory_space<vmem>> -> memref<1024xf32, #tpu.memory_space<vmem>>
        tpu.wait_dma2 semaphore(%arg14 : memref<!tpu.dma_semaphore, #tpu.memory_space<semaphore_mem>>) src(%dma_wait3A_897 : memref<1024xf32, #tpu.memory_space<vmem>>) dst(%dma_wait3A_894 : memref<1024xf32, #tpu.memory_space<hbm>>)
      } else {
      }
      %add3A_609 = arith.addi %mul3A_2, %add3A_581 : i32
      %jit3A_610 = arith.constant 128 : i32
      %div3A_611 = arith.divsi %add3A_609, %jit3A_610 : i32
      %sign3A_612 = arith.constant 0 : i32
      %sign3A_613 = arith.cmpi sgt, %add3A_609, %sign3A_612 : i32
      %sign3A_614 = arith.extui %sign3A_613 : i1 to i32
      %sign3A_615 = arith.constant 0 : i32
      %sign3A_616 = arith.cmpi slt, %add3A_609, %sign3A_615 : i32
      %sign3A_617 = arith.extui %sign3A_616 : i1 to i32
      %sign3A_618 = arith.subi %sign3A_614, %sign3A_617 : i32
      %sign3A_619 = arith.constant 0 : i32
      %sign3A_620 = arith.cmpi sgt, %jit3A_610, %sign3A_619 : i32
      %sign3A_621 = arith.extui %sign3A_620 : i1 to i32
      %sign3A_622 = arith.constant 0 : i32
      %sign3A_623 = arith.cmpi slt, %jit3A_610, %sign3A_622 : i32
      %sign3A_624 = arith.extui %sign3A_623 : i1 to i32
      %sign3A_625 = arith.subi %sign3A_621, %sign3A_624 : i32
      %ne3A_626 = arith.cmpi ne, %sign3A_618, %sign3A_625 : i32
      %rem3A_627 = arith.remsi %add3A_609, %jit3A_610 : i32
      %ne3A_628 = arith.constant 0 : i32
      %ne3A_629 = arith.cmpi ne, %rem3A_627, %ne3A_628 : i32
      %and3A_630 = arith.andi %ne3A_626, %ne3A_629 : i1
      %sub3A_631 = arith.constant 1 : i32
      %sub3A_632 = arith.subi %div3A_611, %sub3A_631 : i32
      %select_n3A_633 = arith.select %and3A_630, %sub3A_632, %div3A_611 : i32
      %jit3A_634 = arith.constant 128 : i32
      %eq3A_635 = arith.constant 0 : i32
      %eq3A_636 = arith.cmpi eq, %jit3A_634, %eq3A_635 : i32
      %jit3A_637 = arith.constant 1 : i32
      %select_n3A_638 = arith.select %eq3A_636, %jit3A_637, %jit3A_634 : i32
      %rem3A_639 = arith.remsi %add3A_609, %select_n3A_638 : i32
      %ne3A_640 = arith.constant 0 : i32
      %ne3A_641 = arith.cmpi ne, %rem3A_639, %ne3A_640 : i32
      %lt3A_642 = arith.constant 0 : i32
      %lt3A_643 = arith.cmpi slt, %rem3A_639, %lt3A_642 : i32
      %lt3A_644 = arith.constant 0 : i32
      %lt3A_645 = arith.cmpi slt, %select_n3A_638, %lt3A_644 : i32
      %ne3A_646 = arith.xori %lt3A_643, %lt3A_645 : i1
      %and3A_647 = arith.andi %ne3A_646, %ne3A_641 : i1
      %add3A_648 = arith.addi %rem3A_639, %select_n3A_638 : i32
      %select_n3A_649 = arith.select %and3A_647, %add3A_648, %rem3A_639 : i32
      %dma_start3A_650 = arith.constant 2 : i32
      %dma_start3A_651 = arith.constant 0 : i32
      %dma_start3A_652 = arith.constant 0 : i32
      %dma_start3A_653 = tpu.memref_slice %arg7[%dma_start3A_650, %dma_start3A_652] : memref<4x4096xf32, #tpu.memory_space<vmem>> -> memref<1x1024xf32, #tpu.memory_space<vmem>>
      %dma_start3A_654 = tpu.memref_squeeze %dma_start3A_653 : memref<1x1024xf32, #tpu.memory_space<vmem>> -> memref<1024xf32, #tpu.memory_space<vmem>>
      %dma_start3A_655 = arith.constant 0 : i32
      %dma_start3A_656 = tpu.memref_slice %arg4[%select_n3A_633, %dma_start3A_651, %select_n3A_649, %dma_start3A_655] : memref<26x4x128x1024xf32, #tpu.memory_space<hbm>> -> memref<1x1x1x1024xf32, #tpu.memory_space<hbm>>
      %dma_start3A_657 = tpu.memref_squeeze %dma_start3A_656 : memref<1x1x1x1024xf32, #tpu.memory_space<hbm>> -> memref<1024xf32, #tpu.memory_space<hbm>>
      %dma_start3A_658 = arith.constant 0 : i32
      %dma_start3A_659 = tpu.memref_slice %arg4[%select_n3A_633, %dma_start3A_651, %select_n3A_649, %dma_start3A_658] : memref<26x4x128x1024xf32, #tpu.memory_space<hbm>> -> memref<1x1x1x1024xf32, #tpu.memory_space<hbm>>
      %dma_start3A_660 = tpu.memref_squeeze %dma_start3A_659 : memref<1x1x1x1024xf32, #tpu.memory_space<hbm>> -> memref<1024xf32, #tpu.memory_space<hbm>>
      %dma_start3A_661 = arith.constant 0 : i32
      %dma_start3A_662 = tpu.memref_slice %arg7[%dma_start3A_650, %dma_start3A_661] : memref<4x4096xf32, #tpu.memory_space<vmem>> -> memref<1x1024xf32, #tpu.memory_space<vmem>>
      %dma_start3A_663 = tpu.memref_squeeze %dma_start3A_662 : memref<1x1024xf32, #tpu.memory_space<vmem>> -> memref<1024xf32, #tpu.memory_space<vmem>>
      tpu.enqueue_dma source(%dma_start3A_663 : memref<1024xf32, #tpu.memory_space<vmem>>) target(%dma_start3A_660 : memref<1024xf32, #tpu.memory_space<hbm>>) target_semaphore(%arg14 : memref<!tpu.dma_semaphore, #tpu.memory_space<semaphore_mem>>)
      %dma_start3A_664 = arith.constant 2 : i32
      %dma_start3A_665 = arith.constant 1 : i32
      %dma_start3A_666 = arith.constant 1024 : i32
      %dma_start3A_667 = tpu.memref_slice %arg7[%dma_start3A_664, %dma_start3A_666] : memref<4x4096xf32, #tpu.memory_space<vmem>> -> memref<1x1024xf32, #tpu.memory_space<vmem>>
      %dma_start3A_668 = tpu.memref_squeeze %dma_start3A_667 : memref<1x1024xf32, #tpu.memory_space<vmem>> -> memref<1024xf32, #tpu.memory_space<vmem>>
      %dma_start3A_669 = arith.constant 0 : i32
      %dma_start3A_670 = tpu.memref_slice %arg4[%select_n3A_633, %dma_start3A_665, %select_n3A_649, %dma_start3A_669] : memref<26x4x128x1024xf32, #tpu.memory_space<hbm>> -> memref<1x1x1x1024xf32, #tpu.memory_space<hbm>>
      %dma_start3A_671 = tpu.memref_squeeze %dma_start3A_670 : memref<1x1x1x1024xf32, #tpu.memory_space<hbm>> -> memref<1024xf32, #tpu.memory_space<hbm>>
      %dma_start3A_672 = arith.constant 0 : i32
      %dma_start3A_673 = tpu.memref_slice %arg4[%select_n3A_633, %dma_start3A_665, %select_n3A_649, %dma_start3A_672] : memref<26x4x128x1024xf32, #tpu.memory_space<hbm>> -> memref<1x1x1x1024xf32, #tpu.memory_space<hbm>>
      %dma_start3A_674 = tpu.memref_squeeze %dma_start3A_673 : memref<1x1x1x1024xf32, #tpu.memory_space<hbm>> -> memref<1024xf32, #tpu.memory_space<hbm>>
      %dma_start3A_675 = arith.constant 1024 : i32
      %dma_start3A_676 = tpu.memref_slice %arg7[%dma_start3A_664, %dma_start3A_675] : memref<4x4096xf32, #tpu.memory_space<vmem>> -> memref<1x1024xf32, #tpu.memory_space<vmem>>
      %dma_start3A_677 = tpu.memref_squeeze %dma_start3A_676 : memref<1x1024xf32, #tpu.memory_space<vmem>> -> memref<1024xf32, #tpu.memory_space<vmem>>
      tpu.enqueue_dma source(%dma_start3A_677 : memref<1024xf32, #tpu.memory_space<vmem>>) target(%dma_start3A_674 : memref<1024xf32, #tpu.memory_space<hbm>>) target_semaphore(%arg14 : memref<!tpu.dma_semaphore, #tpu.memory_space<semaphore_mem>>)
      %dma_start3A_678 = arith.constant 2 : i32
      %dma_start3A_679 = arith.constant 2 : i32
      %dma_start3A_680 = arith.constant 2048 : i32
      %dma_start3A_681 = tpu.memref_slice %arg7[%dma_start3A_678, %dma_start3A_680] : memref<4x4096xf32, #tpu.memory_space<vmem>> -> memref<1x1024xf32, #tpu.memory_space<vmem>>
      %dma_start3A_682 = tpu.memref_squeeze %dma_start3A_681 : memref<1x1024xf32, #tpu.memory_space<vmem>> -> memref<1024xf32, #tpu.memory_space<vmem>>
      %dma_start3A_683 = arith.constant 0 : i32
      %dma_start3A_684 = tpu.memref_slice %arg4[%select_n3A_633, %dma_start3A_679, %select_n3A_649, %dma_start3A_683] : memref<26x4x128x1024xf32, #tpu.memory_space<hbm>> -> memref<1x1x1x1024xf32, #tpu.memory_space<hbm>>
      %dma_start3A_685 = tpu.memref_squeeze %dma_start3A_684 : memref<1x1x1x1024xf32, #tpu.memory_space<hbm>> -> memref<1024xf32, #tpu.memory_space<hbm>>
      %dma_start3A_686 = arith.constant 0 : i32
      %dma_start3A_687 = tpu.memref_slice %arg4[%select_n3A_633, %dma_start3A_679, %select_n3A_649, %dma_start3A_686] : memref<26x4x128x1024xf32, #tpu.memory_space<hbm>> -> memref<1x1x1x1024xf32, #tpu.memory_space<hbm>>
      %dma_start3A_688 = tpu.memref_squeeze %dma_start3A_687 : memref<1x1x1x1024xf32, #tpu.memory_space<hbm>> -> memref<1024xf32, #tpu.memory_space<hbm>>
      %dma_start3A_689 = arith.constant 2048 : i32
      %dma_start3A_690 = tpu.memref_slice %arg7[%dma_start3A_678, %dma_start3A_689] : memref<4x4096xf32, #tpu.memory_space<vmem>> -> memref<1x1024xf32, #tpu.memory_space<vmem>>
      %dma_start3A_691 = tpu.memref_squeeze %dma_start3A_690 : memref<1x1024xf32, #tpu.memory_space<vmem>> -> memref<1024xf32, #tpu.memory_space<vmem>>
      tpu.enqueue_dma source(%dma_start3A_691 : memref<1024xf32, #tpu.memory_space<vmem>>) target(%dma_start3A_688 : memref<1024xf32, #tpu.memory_space<hbm>>) target_semaphore(%arg14 : memref<!tpu.dma_semaphore, #tpu.memory_space<semaphore_mem>>)
      %dma_start3A_692 = arith.constant 2 : i32
      %dma_start3A_693 = arith.constant 3 : i32
      %dma_start3A_694 = arith.constant 3072 : i32
      %dma_start3A_695 = tpu.memref_slice %arg7[%dma_start3A_692, %dma_start3A_694] : memref<4x4096xf32, #tpu.memory_space<vmem>> -> memref<1x1024xf32, #tpu.memory_space<vmem>>
      %dma_start3A_696 = tpu.memref_squeeze %dma_start3A_695 : memref<1x1024xf32, #tpu.memory_space<vmem>> -> memref<1024xf32, #tpu.memory_space<vmem>>
      %dma_start3A_697 = arith.constant 0 : i32
      %dma_start3A_698 = tpu.memref_slice %arg4[%select_n3A_633, %dma_start3A_693, %select_n3A_649, %dma_start3A_697] : memref<26x4x128x1024xf32, #tpu.memory_space<hbm>> -> memref<1x1x1x1024xf32, #tpu.memory_space<hbm>>
      %dma_start3A_699 = tpu.memref_squeeze %dma_start3A_698 : memref<1x1x1x1024xf32, #tpu.memory_space<hbm>> -> memref<1024xf32, #tpu.memory_space<hbm>>
      %dma_start3A_700 = arith.constant 0 : i32
      %dma_start3A_701 = tpu.memref_slice %arg4[%select_n3A_633, %dma_start3A_693, %select_n3A_649, %dma_start3A_700] : memref<26x4x128x1024xf32, #tpu.memory_space<hbm>> -> memref<1x1x1x1024xf32, #tpu.memory_space<hbm>>
      %dma_start3A_702 = tpu.memref_squeeze %dma_start3A_701 : memref<1x1x1x1024xf32, #tpu.memory_space<hbm>> -> memref<1024xf32, #tpu.memory_space<hbm>>
      %dma_start3A_703 = arith.constant 3072 : i32
      %dma_start3A_704 = tpu.memref_slice %arg7[%dma_start3A_692, %dma_start3A_703] : memref<4x4096xf32, #tpu.memory_space<vmem>> -> memref<1x1024xf32, #tpu.memory_space<vmem>>
      %dma_start3A_705 = tpu.memref_squeeze %dma_start3A_704 : memref<1x1024xf32, #tpu.memory_space<vmem>> -> memref<1024xf32, #tpu.memory_space<vmem>>
      tpu.enqueue_dma source(%dma_start3A_705 : memref<1024xf32, #tpu.memory_space<vmem>>) target(%dma_start3A_702 : memref<1024xf32, #tpu.memory_space<hbm>>) target_semaphore(%arg14 : memref<!tpu.dma_semaphore, #tpu.memory_space<semaphore_mem>>)
      %mul3A_706 = arith.constant 4 : i32
      %mul3A_707 = arith.muli %scan3A_334, %mul3A_706 : i32
      %add3A_708 = arith.constant 3 : i32
      %add3A_709 = arith.addi %mul3A_707, %add3A_708 : i32
      %dma_wait3A_710 = arith.constant 3 : i32
      %dma_wait3A_711 = arith.constant 0 : i32
      %dma_wait3A_712 = arith.constant 0 : i32
      %dma_wait3A_713 = tpu.memref_slice %arg6[%dma_wait3A_710, %dma_wait3A_711, %dma_wait3A_712] : memref<4x128x32xf32, #tpu.memory_space<vmem>> -> memref<1x128x32xf32, #tpu.memory_space<vmem>>
      %dma_wait3A_714 = tpu.memref_squeeze %dma_wait3A_713 : memref<1x128x32xf32, #tpu.memory_space<vmem>> -> memref<128x32xf32, #tpu.memory_space<vmem>>
      %dma_wait3A_715 = arith.constant 0 : i32
      %dma_wait3A_716 = tpu.memref_slice %arg5[%add3A_709, %dma_wait3A_715] : memref<104x128xi32, #tpu.memory_space<vmem>> -> memref<1x128xi32, #tpu.memory_space<vmem>>
      %dma_wait3A_717 = tpu.memref_squeeze %dma_wait3A_716 : memref<1x128xi32, #tpu.memory_space<vmem>> -> memref<128xi32, #tpu.memory_space<vmem>>
      %dma_wait3A_718 = arith.constant 0 : i32
      %dma_wait3A_719 = arith.constant 0 : i32
      %dma_wait3A_720 = tpu.memref_slice %arg3[%dma_wait3A_718, %dma_wait3A_719] : memref<1001472x32xf32, #tpu.memory_space<hbm>> -> memref<1001472x32xf32, #tpu.memory_space<hbm>>
      tpu.wait_indirect_dma semaphore(%arg11 : memref<!tpu.dma_semaphore, #tpu.memory_space<semaphore_mem>>) src(%dma_wait3A_720 : memref<1001472x32xf32, #tpu.memory_space<hbm>>) dst(%dma_wait3A_714 : memref<128x32xf32, #tpu.memory_space<vmem>>)
      %scan3A_721 = arith.constant 0 : i32
      %scan3A_722 = arith.constant 0 : i32
      %scan3A_723 = arith.constant 32 : i32
      %scan3A_724 = arith.addi %scan3A_722, %scan3A_723 : i32
      %scan3A_725 = arith.constant 1 : i32
      scf.for %scan3A_834 = %scan3A_722 to %scan3A_724 step %scan3A_725  : i32 {
        %add3A_835 = vector.broadcast %scan3A_834 : i32 to vector<16xi32>
        %add3A_836 = arith.addi %add3A_835, %iota3A : vector<16xi32>
        %and3A_837 = arith.constant 31 : i32
        %and3A_838 = vector.broadcast %and3A_837 : i32 to vector<16xi32>
        %and3A_839 = arith.andi %add3A_836, %and3A_838 : vector<16xi32>
        %shift_right_arithmetic3A = arith.constant 3 : i32
        %shift_right_arithmetic3A_840 = vector.broadcast %shift_right_arithmetic3A : i32 to vector<16xi32>
        %shift_right_arithmetic3A_841 = arith.shrsi %and3A_839, %shift_right_arithmetic3A_840 : vector<16xi32>
        %shift_left3A = arith.constant 10 : i32
        %shift_left3A_842 = vector.broadcast %shift_left3A : i32 to vector<16xi32>
        %shift_left3A_843 = arith.shli %shift_right_arithmetic3A_841, %shift_left3A_842 : vector<16xi32>
        %and3A_844 = arith.constant 7 : i32
        %and3A_845 = vector.broadcast %and3A_844 : i32 to vector<16xi32>
        %and3A_846 = arith.andi %and3A_839, %and3A_845 : vector<16xi32>
        %shift_left3A_847 = arith.constant 7 : i32
        %shift_left3A_848 = vector.broadcast %shift_left3A_847 : i32 to vector<16xi32>
        %shift_left3A_849 = arith.shli %and3A_846, %shift_left3A_848 : vector<16xi32>
        %add3A_850 = arith.addi %shift_left3A_843, %shift_left3A_849 : vector<16xi32>
        %gather3A = arith.constant 3 : i32
        %gather3A_851 = arith.constant 0 : i32
        %gather3A_852 = arith.constant 0 : i32
        %gather3A_853 = tpu.memref_slice %arg6[%gather3A, %gather3A_851, %gather3A_852] : memref<4x128x32xf32, #tpu.memory_space<vmem>> -> memref<1x128x32xf32, #tpu.memory_space<vmem>>
        %gather3A_854 = tpu.memref_squeeze %gather3A_853 : memref<1x128x32xf32, #tpu.memory_space<vmem>> -> memref<128x32xf32, #tpu.memory_space<vmem>>
        %gather3A_855 = tpu.vector_load_idx %gather3A_854[%add3A_5, %and3A_839] : memref<128x32xf32, #tpu.memory_space<vmem>>[vector<16xi32>, vector<16xi32>], vector<16xf32>,
        %add3A_856 = arith.addi %add3A_850, %add3A_5 : vector<16xi32>
        %scatter3A = arith.constant 3 : i32
        %scatter3A_857 = arith.constant 0 : i32
        %scatter3A_858 = tpu.memref_slice %arg7[%scatter3A, %scatter3A_857] : memref<4x4096xf32, #tpu.memory_space<vmem>> -> memref<1x4096xf32, #tpu.memory_space<vmem>>
        %scatter3A_859 = tpu.memref_squeeze %scatter3A_858 : memref<1x4096xf32, #tpu.memory_space<vmem>> -> memref<4096xf32, #tpu.memory_space<vmem>>
        tpu.vector_store_idx %scatter3A_859[%add3A_856], %gather3A_855 : memref<4096xf32, #tpu.memory_space<vmem>>[vector<16xi32>], vector<16xf32>,
        %gather3A_860 = arith.constant 3 : i32
        %gather3A_861 = arith.constant 0 : i32
        %gather3A_862 = arith.constant 0 : i32
        %gather3A_863 = tpu.memref_slice %arg6[%gather3A_860, %gather3A_861, %gather3A_862] : memref<4x128x32xf32, #tpu.memory_space<vmem>> -> memref<1x128x32xf32, #tpu.memory_space<vmem>>
        %gather3A_864 = tpu.memref_squeeze %gather3A_863 : memref<1x128x32xf32, #tpu.memory_space<vmem>> -> memref<128x32xf32, #tpu.memory_space<vmem>>
        %gather3A_865 = tpu.vector_load_idx %gather3A_864[%add3A_8, %and3A_839] : memref<128x32xf32, #tpu.memory_space<vmem>>[vector<16xi32>, vector<16xi32>], vector<16xf32>,
        %add3A_866 = arith.addi %add3A_850, %add3A_8 : vector<16xi32>
        %scatter3A_867 = arith.constant 3 : i32
        %scatter3A_868 = arith.constant 0 : i32
        %scatter3A_869 = tpu.memref_slice %arg7[%scatter3A_867, %scatter3A_868] : memref<4x4096xf32, #tpu.memory_space<vmem>> -> memref<1x4096xf32, #tpu.memory_space<vmem>>
        %scatter3A_870 = tpu.memref_squeeze %scatter3A_869 : memref<1x4096xf32, #tpu.memory_space<vmem>> -> memref<4096xf32, #tpu.memory_space<vmem>>
        tpu.vector_store_idx %scatter3A_870[%add3A_866], %gather3A_865 : memref<4096xf32, #tpu.memory_space<vmem>>[vector<16xi32>], vector<16xf32>,
        %gather3A_871 = arith.constant 3 : i32
        %gather3A_872 = arith.constant 0 : i32
        %gather3A_873 = arith.constant 0 : i32
        %gather3A_874 = tpu.memref_slice %arg6[%gather3A_871, %gather3A_872, %gather3A_873] : memref<4x128x32xf32, #tpu.memory_space<vmem>> -> memref<1x128x32xf32, #tpu.memory_space<vmem>>
        %gather3A_875 = tpu.memref_squeeze %gather3A_874 : memref<1x128x32xf32, #tpu.memory_space<vmem>> -> memref<128x32xf32, #tpu.memory_space<vmem>>
        %gather3A_876 = tpu.vector_load_idx %gather3A_875[%add3A_11, %and3A_839] : memref<128x32xf32, #tpu.memory_space<vmem>>[vector<16xi32>, vector<16xi32>], vector<16xf32>,
        %add3A_877 = arith.addi %add3A_850, %add3A_11 : vector<16xi32>
        %scatter3A_878 = arith.constant 3 : i32
        %scatter3A_879 = arith.constant 0 : i32
        %scatter3A_880 = tpu.memref_slice %arg7[%scatter3A_878, %scatter3A_879] : memref<4x4096xf32, #tpu.memory_space<vmem>> -> memref<1x4096xf32, #tpu.memory_space<vmem>>
        %scatter3A_881 = tpu.memref_squeeze %scatter3A_880 : memref<1x4096xf32, #tpu.memory_space<vmem>> -> memref<4096xf32, #tpu.memory_space<vmem>>
        tpu.vector_store_idx %scatter3A_881[%add3A_877], %gather3A_876 : memref<4096xf32, #tpu.memory_space<vmem>>[vector<16xi32>], vector<16xf32>,
        %gather3A_882 = arith.constant 3 : i32
        %gather3A_883 = arith.constant 0 : i32
        %gather3A_884 = arith.constant 0 : i32
        %gather3A_885 = tpu.memref_slice %arg6[%gather3A_882, %gather3A_883, %gather3A_884] : memref<4x128x32xf32, #tpu.memory_space<vmem>> -> memref<1x128x32xf32, #tpu.memory_space<vmem>>
        %gather3A_886 = tpu.memref_squeeze %gather3A_885 : memref<1x128x32xf32, #tpu.memory_space<vmem>> -> memref<128x32xf32, #tpu.memory_space<vmem>>
        %gather3A_887 = tpu.vector_load_idx %gather3A_886[%add3A_14, %and3A_839] : memref<128x32xf32, #tpu.memory_space<vmem>>[vector<16xi32>, vector<16xi32>], vector<16xf32>,
        %add3A_888 = arith.addi %add3A_850, %add3A_14 : vector<16xi32>
        %scatter3A_889 = arith.constant 3 : i32
        %scatter3A_890 = arith.constant 0 : i32
        %scatter3A_891 = tpu.memref_slice %arg7[%scatter3A_889, %scatter3A_890] : memref<4x4096xf32, #tpu.memory_space<vmem>> -> memref<1x4096xf32, #tpu.memory_space<vmem>>
        %scatter3A_892 = tpu.memref_squeeze %scatter3A_891 : memref<1x4096xf32, #tpu.memory_space<vmem>> -> memref<4096xf32, #tpu.memory_space<vmem>>
        tpu.vector_store_idx %scatter3A_892[%add3A_888], %gather3A_887 : memref<4096xf32, #tpu.memory_space<vmem>>[vector<16xi32>], vector<16xf32>,
        %gather3A_893 = arith.constant 3 : i32
        %gather3A_894 = arith.constant 0 : i32
        %gather3A_895 = arith.constant 0 : i32
        %gather3A_896 = tpu.memref_slice %arg6[%gather3A_893, %gather3A_894, %gather3A_895] : memref<4x128x32xf32, #tpu.memory_space<vmem>> -> memref<1x128x32xf32, #tpu.memory_space<vmem>>
        %gather3A_897 = tpu.memref_squeeze %gather3A_896 : memref<1x128x32xf32, #tpu.memory_space<vmem>> -> memref<128x32xf32, #tpu.memory_space<vmem>>
        %gather3A_898 = tpu.vector_load_idx %gather3A_897[%add3A_17, %and3A_839] : memref<128x32xf32, #tpu.memory_space<vmem>>[vector<16xi32>, vector<16xi32>], vector<16xf32>,
        %add3A_899 = arith.addi %add3A_850, %add3A_17 : vector<16xi32>
        %scatter3A_900 = arith.constant 3 : i32
        %scatter3A_901 = arith.constant 0 : i32
        %scatter3A_902 = tpu.memref_slice %arg7[%scatter3A_900, %scatter3A_901] : memref<4x4096xf32, #tpu.memory_space<vmem>> -> memref<1x4096xf32, #tpu.memory_space<vmem>>
        %scatter3A_903 = tpu.memref_squeeze %scatter3A_902 : memref<1x4096xf32, #tpu.memory_space<vmem>> -> memref<4096xf32, #tpu.memory_space<vmem>>
        tpu.vector_store_idx %scatter3A_903[%add3A_899], %gather3A_898 : memref<4096xf32, #tpu.memory_space<vmem>>[vector<16xi32>], vector<16xf32>,
        %gather3A_904 = arith.constant 3 : i32
        %gather3A_905 = arith.constant 0 : i32
        %gather3A_906 = arith.constant 0 : i32
        %gather3A_907 = tpu.memref_slice %arg6[%gather3A_904, %gather3A_905, %gather3A_906] : memref<4x128x32xf32, #tpu.memory_space<vmem>> -> memref<1x128x32xf32, #tpu.memory_space<vmem>>
        %gather3A_908 = tpu.memref_squeeze %gather3A_907 : memref<1x128x32xf32, #tpu.memory_space<vmem>> -> memref<128x32xf32, #tpu.memory_space<vmem>>
        %gather3A_909 = tpu.vector_load_idx %gather3A_908[%add3A_20, %and3A_839] : memref<128x32xf32, #tpu.memory_space<vmem>>[vector<16xi32>, vector<16xi32>], vector<16xf32>,
        %add3A_910 = arith.addi %add3A_850, %add3A_20 : vector<16xi32>
        %scatter3A_911 = arith.constant 3 : i32
        %scatter3A_912 = arith.constant 0 : i32
        %scatter3A_913 = tpu.memref_slice %arg7[%scatter3A_911, %scatter3A_912] : memref<4x4096xf32, #tpu.memory_space<vmem>> -> memref<1x4096xf32, #tpu.memory_space<vmem>>
        %scatter3A_914 = tpu.memref_squeeze %scatter3A_913 : memref<1x4096xf32, #tpu.memory_space<vmem>> -> memref<4096xf32, #tpu.memory_space<vmem>>
        tpu.vector_store_idx %scatter3A_914[%add3A_910], %gather3A_909 : memref<4096xf32, #tpu.memory_space<vmem>>[vector<16xi32>], vector<16xf32>,
        %gather3A_915 = arith.constant 3 : i32
        %gather3A_916 = arith.constant 0 : i32
        %gather3A_917 = arith.constant 0 : i32
        %gather3A_918 = tpu.memref_slice %arg6[%gather3A_915, %gather3A_916, %gather3A_917] : memref<4x128x32xf32, #tpu.memory_space<vmem>> -> memref<1x128x32xf32, #tpu.memory_space<vmem>>
        %gather3A_919 = tpu.memref_squeeze %gather3A_918 : memref<1x128x32xf32, #tpu.memory_space<vmem>> -> memref<128x32xf32, #tpu.memory_space<vmem>>
        %gather3A_920 = tpu.vector_load_idx %gather3A_919[%add3A_23, %and3A_839] : memref<128x32xf32, #tpu.memory_space<vmem>>[vector<16xi32>, vector<16xi32>], vector<16xf32>,
        %add3A_921 = arith.addi %add3A_850, %add3A_23 : vector<16xi32>
        %scatter3A_922 = arith.constant 3 : i32
        %scatter3A_923 = arith.constant 0 : i32
        %scatter3A_924 = tpu.memref_slice %arg7[%scatter3A_922, %scatter3A_923] : memref<4x4096xf32, #tpu.memory_space<vmem>> -> memref<1x4096xf32, #tpu.memory_space<vmem>>
        %scatter3A_925 = tpu.memref_squeeze %scatter3A_924 : memref<1x4096xf32, #tpu.memory_space<vmem>> -> memref<4096xf32, #tpu.memory_space<vmem>>
        tpu.vector_store_idx %scatter3A_925[%add3A_921], %gather3A_920 : memref<4096xf32, #tpu.memory_space<vmem>>[vector<16xi32>], vector<16xf32>,
        %gather3A_926 = arith.constant 3 : i32
        %gather3A_927 = arith.constant 0 : i32
        %gather3A_928 = arith.constant 0 : i32
        %gather3A_929 = tpu.memref_slice %arg6[%gather3A_926, %gather3A_927, %gather3A_928] : memref<4x128x32xf32, #tpu.memory_space<vmem>> -> memref<1x128x32xf32, #tpu.memory_space<vmem>>
        %gather3A_930 = tpu.memref_squeeze %gather3A_929 : memref<1x128x32xf32, #tpu.memory_space<vmem>> -> memref<128x32xf32, #tpu.memory_space<vmem>>
        %gather3A_931 = tpu.vector_load_idx %gather3A_930[%add3A_26, %and3A_839] : memref<128x32xf32, #tpu.memory_space<vmem>>[vector<16xi32>, vector<16xi32>], vector<16xf32>,
        %add3A_932 = arith.addi %add3A_850, %add3A_26 : vector<16xi32>
        %scatter3A_933 = arith.constant 3 : i32
        %scatter3A_934 = arith.constant 0 : i32
        %scatter3A_935 = tpu.memref_slice %arg7[%scatter3A_933, %scatter3A_934] : memref<4x4096xf32, #tpu.memory_space<vmem>> -> memref<1x4096xf32, #tpu.memory_space<vmem>>
        %scatter3A_936 = tpu.memref_squeeze %scatter3A_935 : memref<1x4096xf32, #tpu.memory_space<vmem>> -> memref<4096xf32, #tpu.memory_space<vmem>>
        tpu.vector_store_idx %scatter3A_936[%add3A_932], %gather3A_931 : memref<4096xf32, #tpu.memory_space<vmem>>[vector<16xi32>], vector<16xf32>,
      }
      %scan3A_726 = arith.constant 32 : i32
      %lt3A_727 = arith.constant 25 : i32
      %lt3A_728 = arith.cmpi slt, %scan3A_334, %lt3A_727 : i32
      %convert_element_type3A_729 = arith.extui %lt3A_728 : i1 to i32
      %cond3A_730 = arith.constant 0 : i32
      %cond3A_731 = arith.cmpi ne, %convert_element_type3A_729, %cond3A_730 : i32
      scf.if %cond3A_731 {
        %add3A_834 = arith.constant 4 : i32
        %add3A_835 = arith.addi %add3A_709, %add3A_834 : i32
        %dma_start3A_836 = arith.constant 3 : i32
        %dma_start3A_837 = arith.constant 0 : i32
        %dma_start3A_838 = arith.constant 0 : i32
        %dma_start3A_839 = tpu.memref_slice %arg6[%dma_start3A_836, %dma_start3A_837, %dma_start3A_838] : memref<4x128x32xf32, #tpu.memory_space<vmem>> -> memref<1x128x32xf32, #tpu.memory_space<vmem>>
        %dma_start3A_840 = tpu.memref_squeeze %dma_start3A_839 : memref<1x128x32xf32, #tpu.memory_space<vmem>> -> memref<128x32xf32, #tpu.memory_space<vmem>>
        %dma_start3A_841 = arith.constant 0 : i32
        %dma_start3A_842 = tpu.memref_slice %arg5[%add3A_835, %dma_start3A_841] : memref<104x128xi32, #tpu.memory_space<vmem>> -> memref<1x128xi32, #tpu.memory_space<vmem>>
        %dma_start3A_843 = tpu.memref_squeeze %dma_start3A_842 : memref<1x128xi32, #tpu.memory_space<vmem>> -> memref<128xi32, #tpu.memory_space<vmem>>
        %dma_start3A_844 = arith.constant 0 : i32
        %dma_start3A_845 = arith.constant 0 : i32
        %dma_start3A_846 = tpu.memref_slice %arg3[%dma_start3A_844, %dma_start3A_845] : memref<1001472x32xf32, #tpu.memory_space<hbm>> -> memref<1001472x32xf32, #tpu.memory_space<hbm>>
        tpu.enqueue_indirect_dma source(%dma_start3A_846 : memref<1001472x32xf32, #tpu.memory_space<hbm>>) target(%dma_start3A_840 : memref<128x32xf32, #tpu.memory_space<vmem>>) offsets(%dma_start3A_843 : memref<128xi32, #tpu.memory_space<vmem>>) semaphore(%arg11 : memref<!tpu.dma_semaphore, #tpu.memory_space<semaphore_mem>>)
      } else {
      }
      %gt3A_732 = arith.constant 0 : i32
      %gt3A_733 = arith.cmpi sgt, %scan3A_334, %gt3A_732 : i32
      %convert_element_type3A_734 = arith.extui %gt3A_733 : i1 to i32
      %cond3A_735 = arith.constant 0 : i32
      %cond3A_736 = arith.cmpi ne, %convert_element_type3A_734, %cond3A_735 : i32
      scf.if %cond3A_736 {
        %dma_wait3A_834 = arith.constant 3 : i32
        %dma_wait3A_835 = arith.constant 0 : i32
        %dma_wait3A_836 = arith.constant 0 : i32
        %dma_wait3A_837 = arith.constant 0 : i32
        %dma_wait3A_838 = arith.constant 0 : i32
        %dma_wait3A_839 = tpu.memref_slice %arg7[%dma_wait3A_834, %dma_wait3A_838] : memref<4x4096xf32, #tpu.memory_space<vmem>> -> memref<1x1024xf32, #tpu.memory_space<vmem>>
        %dma_wait3A_840 = tpu.memref_squeeze %dma_wait3A_839 : memref<1x1024xf32, #tpu.memory_space<vmem>> -> memref<1024xf32, #tpu.memory_space<vmem>>
        %dma_wait3A_841 = arith.constant 0 : i32
        %dma_wait3A_842 = tpu.memref_slice %arg4[%dma_wait3A_835, %dma_wait3A_836, %dma_wait3A_837, %dma_wait3A_841] : memref<26x4x128x1024xf32, #tpu.memory_space<hbm>> -> memref<1x1x1x1024xf32, #tpu.memory_space<hbm>>
        %dma_wait3A_843 = tpu.memref_squeeze %dma_wait3A_842 : memref<1x1x1x1024xf32, #tpu.memory_space<hbm>> -> memref<1024xf32, #tpu.memory_space<hbm>>
        %dma_wait3A_844 = arith.constant 0 : i32
        %dma_wait3A_845 = tpu.memref_slice %arg4[%dma_wait3A_835, %dma_wait3A_836, %dma_wait3A_837, %dma_wait3A_844] : memref<26x4x128x1024xf32, #tpu.memory_space<hbm>> -> memref<1x1x1x1024xf32, #tpu.memory_space<hbm>>
        %dma_wait3A_846 = tpu.memref_squeeze %dma_wait3A_845 : memref<1x1x1x1024xf32, #tpu.memory_space<hbm>> -> memref<1024xf32, #tpu.memory_space<hbm>>
        %dma_wait3A_847 = arith.constant 0 : i32
        %dma_wait3A_848 = tpu.memref_slice %arg7[%dma_wait3A_834, %dma_wait3A_847] : memref<4x4096xf32, #tpu.memory_space<vmem>> -> memref<1x1024xf32, #tpu.memory_space<vmem>>
        %dma_wait3A_849 = tpu.memref_squeeze %dma_wait3A_848 : memref<1x1024xf32, #tpu.memory_space<vmem>> -> memref<1024xf32, #tpu.memory_space<vmem>>
        tpu.wait_dma2 semaphore(%arg15 : memref<!tpu.dma_semaphore, #tpu.memory_space<semaphore_mem>>) src(%dma_wait3A_849 : memref<1024xf32, #tpu.memory_space<vmem>>) dst(%dma_wait3A_846 : memref<1024xf32, #tpu.memory_space<hbm>>)
        %dma_wait3A_850 = arith.constant 3 : i32
        %dma_wait3A_851 = arith.constant 0 : i32
        %dma_wait3A_852 = arith.constant 1 : i32
        %dma_wait3A_853 = arith.constant 0 : i32
        %dma_wait3A_854 = arith.constant 1024 : i32
        %dma_wait3A_855 = tpu.memref_slice %arg7[%dma_wait3A_850, %dma_wait3A_854] : memref<4x4096xf32, #tpu.memory_space<vmem>> -> memref<1x1024xf32, #tpu.memory_space<vmem>>
        %dma_wait3A_856 = tpu.memref_squeeze %dma_wait3A_855 : memref<1x1024xf32, #tpu.memory_space<vmem>> -> memref<1024xf32, #tpu.memory_space<vmem>>
        %dma_wait3A_857 = arith.constant 0 : i32
        %dma_wait3A_858 = tpu.memref_slice %arg4[%dma_wait3A_851, %dma_wait3A_852, %dma_wait3A_853, %dma_wait3A_857] : memref<26x4x128x1024xf32, #tpu.memory_space<hbm>> -> memref<1x1x1x1024xf32, #tpu.memory_space<hbm>>
        %dma_wait3A_859 = tpu.memref_squeeze %dma_wait3A_858 : memref<1x1x1x1024xf32, #tpu.memory_space<hbm>> -> memref<1024xf32, #tpu.memory_space<hbm>>
        %dma_wait3A_860 = arith.constant 0 : i32
        %dma_wait3A_861 = tpu.memref_slice %arg4[%dma_wait3A_851, %dma_wait3A_852, %dma_wait3A_853, %dma_wait3A_860] : memref<26x4x128x1024xf32, #tpu.memory_space<hbm>> -> memref<1x1x1x1024xf32, #tpu.memory_space<hbm>>
        %dma_wait3A_862 = tpu.memref_squeeze %dma_wait3A_861 : memref<1x1x1x1024xf32, #tpu.memory_space<hbm>> -> memref<1024xf32, #tpu.memory_space<hbm>>
        %dma_wait3A_863 = arith.constant 1024 : i32
        %dma_wait3A_864 = tpu.memref_slice %arg7[%dma_wait3A_850, %dma_wait3A_863] : memref<4x4096xf32, #tpu.memory_space<vmem>> -> memref<1x1024xf32, #tpu.memory_space<vmem>>
        %dma_wait3A_865 = tpu.memref_squeeze %dma_wait3A_864 : memref<1x1024xf32, #tpu.memory_space<vmem>> -> memref<1024xf32, #tpu.memory_space<vmem>>
        tpu.wait_dma2 semaphore(%arg15 : memref<!tpu.dma_semaphore, #tpu.memory_space<semaphore_mem>>) src(%dma_wait3A_865 : memref<1024xf32, #tpu.memory_space<vmem>>) dst(%dma_wait3A_862 : memref<1024xf32, #tpu.memory_space<hbm>>)
        %dma_wait3A_866 = arith.constant 3 : i32
        %dma_wait3A_867 = arith.constant 0 : i32
        %dma_wait3A_868 = arith.constant 2 : i32
        %dma_wait3A_869 = arith.constant 0 : i32
        %dma_wait3A_870 = arith.constant 2048 : i32
        %dma_wait3A_871 = tpu.memref_slice %arg7[%dma_wait3A_866, %dma_wait3A_870] : memref<4x4096xf32, #tpu.memory_space<vmem>> -> memref<1x1024xf32, #tpu.memory_space<vmem>>
        %dma_wait3A_872 = tpu.memref_squeeze %dma_wait3A_871 : memref<1x1024xf32, #tpu.memory_space<vmem>> -> memref<1024xf32, #tpu.memory_space<vmem>>
        %dma_wait3A_873 = arith.constant 0 : i32
        %dma_wait3A_874 = tpu.memref_slice %arg4[%dma_wait3A_867, %dma_wait3A_868, %dma_wait3A_869, %dma_wait3A_873] : memref<26x4x128x1024xf32, #tpu.memory_space<hbm>> -> memref<1x1x1x1024xf32, #tpu.memory_space<hbm>>
        %dma_wait3A_875 = tpu.memref_squeeze %dma_wait3A_874 : memref<1x1x1x1024xf32, #tpu.memory_space<hbm>> -> memref<1024xf32, #tpu.memory_space<hbm>>
        %dma_wait3A_876 = arith.constant 0 : i32
        %dma_wait3A_877 = tpu.memref_slice %arg4[%dma_wait3A_867, %dma_wait3A_868, %dma_wait3A_869, %dma_wait3A_876] : memref<26x4x128x1024xf32, #tpu.memory_space<hbm>> -> memref<1x1x1x1024xf32, #tpu.memory_space<hbm>>
        %dma_wait3A_878 = tpu.memref_squeeze %dma_wait3A_877 : memref<1x1x1x1024xf32, #tpu.memory_space<hbm>> -> memref<1024xf32, #tpu.memory_space<hbm>>
        %dma_wait3A_879 = arith.constant 2048 : i32
        %dma_wait3A_880 = tpu.memref_slice %arg7[%dma_wait3A_866, %dma_wait3A_879] : memref<4x4096xf32, #tpu.memory_space<vmem>> -> memref<1x1024xf32, #tpu.memory_space<vmem>>
        %dma_wait3A_881 = tpu.memref_squeeze %dma_wait3A_880 : memref<1x1024xf32, #tpu.memory_space<vmem>> -> memref<1024xf32, #tpu.memory_space<vmem>>
        tpu.wait_dma2 semaphore(%arg15 : memref<!tpu.dma_semaphore, #tpu.memory_space<semaphore_mem>>) src(%dma_wait3A_881 : memref<1024xf32, #tpu.memory_space<vmem>>) dst(%dma_wait3A_878 : memref<1024xf32, #tpu.memory_space<hbm>>)
        %dma_wait3A_882 = arith.constant 3 : i32
        %dma_wait3A_883 = arith.constant 0 : i32
        %dma_wait3A_884 = arith.constant 3 : i32
        %dma_wait3A_885 = arith.constant 0 : i32
        %dma_wait3A_886 = arith.constant 3072 : i32
        %dma_wait3A_887 = tpu.memref_slice %arg7[%dma_wait3A_882, %dma_wait3A_886] : memref<4x4096xf32, #tpu.memory_space<vmem>> -> memref<1x1024xf32, #tpu.memory_space<vmem>>
        %dma_wait3A_888 = tpu.memref_squeeze %dma_wait3A_887 : memref<1x1024xf32, #tpu.memory_space<vmem>> -> memref<1024xf32, #tpu.memory_space<vmem>>
        %dma_wait3A_889 = arith.constant 0 : i32
        %dma_wait3A_890 = tpu.memref_slice %arg4[%dma_wait3A_883, %dma_wait3A_884, %dma_wait3A_885, %dma_wait3A_889] : memref<26x4x128x1024xf32, #tpu.memory_space<hbm>> -> memref<1x1x1x1024xf32, #tpu.memory_space<hbm>>
        %dma_wait3A_891 = tpu.memref_squeeze %dma_wait3A_890 : memref<1x1x1x1024xf32, #tpu.memory_space<hbm>> -> memref<1024xf32, #tpu.memory_space<hbm>>
        %dma_wait3A_892 = arith.constant 0 : i32
        %dma_wait3A_893 = tpu.memref_slice %arg4[%dma_wait3A_883, %dma_wait3A_884, %dma_wait3A_885, %dma_wait3A_892] : memref<26x4x128x1024xf32, #tpu.memory_space<hbm>> -> memref<1x1x1x1024xf32, #tpu.memory_space<hbm>>
        %dma_wait3A_894 = tpu.memref_squeeze %dma_wait3A_893 : memref<1x1x1x1024xf32, #tpu.memory_space<hbm>> -> memref<1024xf32, #tpu.memory_space<hbm>>
        %dma_wait3A_895 = arith.constant 3072 : i32
        %dma_wait3A_896 = tpu.memref_slice %arg7[%dma_wait3A_882, %dma_wait3A_895] : memref<4x4096xf32, #tpu.memory_space<vmem>> -> memref<1x1024xf32, #tpu.memory_space<vmem>>
        %dma_wait3A_897 = tpu.memref_squeeze %dma_wait3A_896 : memref<1x1024xf32, #tpu.memory_space<vmem>> -> memref<1024xf32, #tpu.memory_space<vmem>>
        tpu.wait_dma2 semaphore(%arg15 : memref<!tpu.dma_semaphore, #tpu.memory_space<semaphore_mem>>) src(%dma_wait3A_897 : memref<1024xf32, #tpu.memory_space<vmem>>) dst(%dma_wait3A_894 : memref<1024xf32, #tpu.memory_space<hbm>>)
      } else {
      }
      %add3A_737 = arith.addi %mul3A_2, %add3A_709 : i32
      %jit3A_738 = arith.constant 128 : i32
      %div3A_739 = arith.divsi %add3A_737, %jit3A_738 : i32
      %sign3A_740 = arith.constant 0 : i32
      %sign3A_741 = arith.cmpi sgt, %add3A_737, %sign3A_740 : i32
      %sign3A_742 = arith.extui %sign3A_741 : i1 to i32
      %sign3A_743 = arith.constant 0 : i32
      %sign3A_744 = arith.cmpi slt, %add3A_737, %sign3A_743 : i32
      %sign3A_745 = arith.extui %sign3A_744 : i1 to i32
      %sign3A_746 = arith.subi %sign3A_742, %sign3A_745 : i32
      %sign3A_747 = arith.constant 0 : i32
      %sign3A_748 = arith.cmpi sgt, %jit3A_738, %sign3A_747 : i32
      %sign3A_749 = arith.extui %sign3A_748 : i1 to i32
      %sign3A_750 = arith.constant 0 : i32
      %sign3A_751 = arith.cmpi slt, %jit3A_738, %sign3A_750 : i32
      %sign3A_752 = arith.extui %sign3A_751 : i1 to i32
      %sign3A_753 = arith.subi %sign3A_749, %sign3A_752 : i32
      %ne3A_754 = arith.cmpi ne, %sign3A_746, %sign3A_753 : i32
      %rem3A_755 = arith.remsi %add3A_737, %jit3A_738 : i32
      %ne3A_756 = arith.constant 0 : i32
      %ne3A_757 = arith.cmpi ne, %rem3A_755, %ne3A_756 : i32
      %and3A_758 = arith.andi %ne3A_754, %ne3A_757 : i1
      %sub3A_759 = arith.constant 1 : i32
      %sub3A_760 = arith.subi %div3A_739, %sub3A_759 : i32
      %select_n3A_761 = arith.select %and3A_758, %sub3A_760, %div3A_739 : i32
      %jit3A_762 = arith.constant 128 : i32
      %eq3A_763 = arith.constant 0 : i32
      %eq3A_764 = arith.cmpi eq, %jit3A_762, %eq3A_763 : i32
      %jit3A_765 = arith.constant 1 : i32
      %select_n3A_766 = arith.select %eq3A_764, %jit3A_765, %jit3A_762 : i32
      %rem3A_767 = arith.remsi %add3A_737, %select_n3A_766 : i32
      %ne3A_768 = arith.constant 0 : i32
      %ne3A_769 = arith.cmpi ne, %rem3A_767, %ne3A_768 : i32
      %lt3A_770 = arith.constant 0 : i32
      %lt3A_771 = arith.cmpi slt, %rem3A_767, %lt3A_770 : i32
      %lt3A_772 = arith.constant 0 : i32
      %lt3A_773 = arith.cmpi slt, %select_n3A_766, %lt3A_772 : i32
      %ne3A_774 = arith.xori %lt3A_771, %lt3A_773 : i1
      %and3A_775 = arith.andi %ne3A_774, %ne3A_769 : i1
      %add3A_776 = arith.addi %rem3A_767, %select_n3A_766 : i32
      %select_n3A_777 = arith.select %and3A_775, %add3A_776, %rem3A_767 : i32
      %dma_start3A_778 = arith.constant 3 : i32
      %dma_start3A_779 = arith.constant 0 : i32
      %dma_start3A_780 = arith.constant 0 : i32
      %dma_start3A_781 = tpu.memref_slice %arg7[%dma_start3A_778, %dma_start3A_780] : memref<4x4096xf32, #tpu.memory_space<vmem>> -> memref<1x1024xf32, #tpu.memory_space<vmem>>
      %dma_start3A_782 = tpu.memref_squeeze %dma_start3A_781 : memref<1x1024xf32, #tpu.memory_space<vmem>> -> memref<1024xf32, #tpu.memory_space<vmem>>
      %dma_start3A_783 = arith.constant 0 : i32
      %dma_start3A_784 = tpu.memref_slice %arg4[%select_n3A_761, %dma_start3A_779, %select_n3A_777, %dma_start3A_783] : memref<26x4x128x1024xf32, #tpu.memory_space<hbm>> -> memref<1x1x1x1024xf32, #tpu.memory_space<hbm>>
      %dma_start3A_785 = tpu.memref_squeeze %dma_start3A_784 : memref<1x1x1x1024xf32, #tpu.memory_space<hbm>> -> memref<1024xf32, #tpu.memory_space<hbm>>
      %dma_start3A_786 = arith.constant 0 : i32
      %dma_start3A_787 = tpu.memref_slice %arg4[%select_n3A_761, %dma_start3A_779, %select_n3A_777, %dma_start3A_786] : memref<26x4x128x1024xf32, #tpu.memory_space<hbm>> -> memref<1x1x1x1024xf32, #tpu.memory_space<hbm>>
      %dma_start3A_788 = tpu.memref_squeeze %dma_start3A_787 : memref<1x1x1x1024xf32, #tpu.memory_space<hbm>> -> memref<1024xf32, #tpu.memory_space<hbm>>
      %dma_start3A_789 = arith.constant 0 : i32
      %dma_start3A_790 = tpu.memref_slice %arg7[%dma_start3A_778, %dma_start3A_789] : memref<4x4096xf32, #tpu.memory_space<vmem>> -> memref<1x1024xf32, #tpu.memory_space<vmem>>
      %dma_start3A_791 = tpu.memref_squeeze %dma_start3A_790 : memref<1x1024xf32, #tpu.memory_space<vmem>> -> memref<1024xf32, #tpu.memory_space<vmem>>
      tpu.enqueue_dma source(%dma_start3A_791 : memref<1024xf32, #tpu.memory_space<vmem>>) target(%dma_start3A_788 : memref<1024xf32, #tpu.memory_space<hbm>>) target_semaphore(%arg15 : memref<!tpu.dma_semaphore, #tpu.memory_space<semaphore_mem>>)
      %dma_start3A_792 = arith.constant 3 : i32
      %dma_start3A_793 = arith.constant 1 : i32
      %dma_start3A_794 = arith.constant 1024 : i32
      %dma_start3A_795 = tpu.memref_slice %arg7[%dma_start3A_792, %dma_start3A_794] : memref<4x4096xf32, #tpu.memory_space<vmem>> -> memref<1x1024xf32, #tpu.memory_space<vmem>>
      %dma_start3A_796 = tpu.memref_squeeze %dma_start3A_795 : memref<1x1024xf32, #tpu.memory_space<vmem>> -> memref<1024xf32, #tpu.memory_space<vmem>>
      %dma_start3A_797 = arith.constant 0 : i32
      %dma_start3A_798 = tpu.memref_slice %arg4[%select_n3A_761, %dma_start3A_793, %select_n3A_777, %dma_start3A_797] : memref<26x4x128x1024xf32, #tpu.memory_space<hbm>> -> memref<1x1x1x1024xf32, #tpu.memory_space<hbm>>
      %dma_start3A_799 = tpu.memref_squeeze %dma_start3A_798 : memref<1x1x1x1024xf32, #tpu.memory_space<hbm>> -> memref<1024xf32, #tpu.memory_space<hbm>>
      %dma_start3A_800 = arith.constant 0 : i32
      %dma_start3A_801 = tpu.memref_slice %arg4[%select_n3A_761, %dma_start3A_793, %select_n3A_777, %dma_start3A_800] : memref<26x4x128x1024xf32, #tpu.memory_space<hbm>> -> memref<1x1x1x1024xf32, #tpu.memory_space<hbm>>
      %dma_start3A_802 = tpu.memref_squeeze %dma_start3A_801 : memref<1x1x1x1024xf32, #tpu.memory_space<hbm>> -> memref<1024xf32, #tpu.memory_space<hbm>>
      %dma_start3A_803 = arith.constant 1024 : i32
      %dma_start3A_804 = tpu.memref_slice %arg7[%dma_start3A_792, %dma_start3A_803] : memref<4x4096xf32, #tpu.memory_space<vmem>> -> memref<1x1024xf32, #tpu.memory_space<vmem>>
      %dma_start3A_805 = tpu.memref_squeeze %dma_start3A_804 : memref<1x1024xf32, #tpu.memory_space<vmem>> -> memref<1024xf32, #tpu.memory_space<vmem>>
      tpu.enqueue_dma source(%dma_start3A_805 : memref<1024xf32, #tpu.memory_space<vmem>>) target(%dma_start3A_802 : memref<1024xf32, #tpu.memory_space<hbm>>) target_semaphore(%arg15 : memref<!tpu.dma_semaphore, #tpu.memory_space<semaphore_mem>>)
      %dma_start3A_806 = arith.constant 3 : i32
      %dma_start3A_807 = arith.constant 2 : i32
      %dma_start3A_808 = arith.constant 2048 : i32
      %dma_start3A_809 = tpu.memref_slice %arg7[%dma_start3A_806, %dma_start3A_808] : memref<4x4096xf32, #tpu.memory_space<vmem>> -> memref<1x1024xf32, #tpu.memory_space<vmem>>
      %dma_start3A_810 = tpu.memref_squeeze %dma_start3A_809 : memref<1x1024xf32, #tpu.memory_space<vmem>> -> memref<1024xf32, #tpu.memory_space<vmem>>
      %dma_start3A_811 = arith.constant 0 : i32
      %dma_start3A_812 = tpu.memref_slice %arg4[%select_n3A_761, %dma_start3A_807, %select_n3A_777, %dma_start3A_811] : memref<26x4x128x1024xf32, #tpu.memory_space<hbm>> -> memref<1x1x1x1024xf32, #tpu.memory_space<hbm>>
      %dma_start3A_813 = tpu.memref_squeeze %dma_start3A_812 : memref<1x1x1x1024xf32, #tpu.memory_space<hbm>> -> memref<1024xf32, #tpu.memory_space<hbm>>
      %dma_start3A_814 = arith.constant 0 : i32
      %dma_start3A_815 = tpu.memref_slice %arg4[%select_n3A_761, %dma_start3A_807, %select_n3A_777, %dma_start3A_814] : memref<26x4x128x1024xf32, #tpu.memory_space<hbm>> -> memref<1x1x1x1024xf32, #tpu.memory_space<hbm>>
      %dma_start3A_816 = tpu.memref_squeeze %dma_start3A_815 : memref<1x1x1x1024xf32, #tpu.memory_space<hbm>> -> memref<1024xf32, #tpu.memory_space<hbm>>
      %dma_start3A_817 = arith.constant 2048 : i32
      %dma_start3A_818 = tpu.memref_slice %arg7[%dma_start3A_806, %dma_start3A_817] : memref<4x4096xf32, #tpu.memory_space<vmem>> -> memref<1x1024xf32, #tpu.memory_space<vmem>>
      %dma_start3A_819 = tpu.memref_squeeze %dma_start3A_818 : memref<1x1024xf32, #tpu.memory_space<vmem>> -> memref<1024xf32, #tpu.memory_space<vmem>>
      tpu.enqueue_dma source(%dma_start3A_819 : memref<1024xf32, #tpu.memory_space<vmem>>) target(%dma_start3A_816 : memref<1024xf32, #tpu.memory_space<hbm>>) target_semaphore(%arg15 : memref<!tpu.dma_semaphore, #tpu.memory_space<semaphore_mem>>)
      %dma_start3A_820 = arith.constant 3 : i32
      %dma_start3A_821 = arith.constant 3 : i32
      %dma_start3A_822 = arith.constant 3072 : i32
      %dma_start3A_823 = tpu.memref_slice %arg7[%dma_start3A_820, %dma_start3A_822] : memref<4x4096xf32, #tpu.memory_space<vmem>> -> memref<1x1024xf32, #tpu.memory_space<vmem>>
      %dma_start3A_824 = tpu.memref_squeeze %dma_start3A_823 : memref<1x1024xf32, #tpu.memory_space<vmem>> -> memref<1024xf32, #tpu.memory_space<vmem>>
      %dma_start3A_825 = arith.constant 0 : i32
      %dma_start3A_826 = tpu.memref_slice %arg4[%select_n3A_761, %dma_start3A_821, %select_n3A_777, %dma_start3A_825] : memref<26x4x128x1024xf32, #tpu.memory_space<hbm>> -> memref<1x1x1x1024xf32, #tpu.memory_space<hbm>>
      %dma_start3A_827 = tpu.memref_squeeze %dma_start3A_826 : memref<1x1x1x1024xf32, #tpu.memory_space<hbm>> -> memref<1024xf32, #tpu.memory_space<hbm>>
      %dma_start3A_828 = arith.constant 0 : i32
      %dma_start3A_829 = tpu.memref_slice %arg4[%select_n3A_761, %dma_start3A_821, %select_n3A_777, %dma_start3A_828] : memref<26x4x128x1024xf32, #tpu.memory_space<hbm>> -> memref<1x1x1x1024xf32, #tpu.memory_space<hbm>>
      %dma_start3A_830 = tpu.memref_squeeze %dma_start3A_829 : memref<1x1x1x1024xf32, #tpu.memory_space<hbm>> -> memref<1024xf32, #tpu.memory_space<hbm>>
      %dma_start3A_831 = arith.constant 3072 : i32
      %dma_start3A_832 = tpu.memref_slice %arg7[%dma_start3A_820, %dma_start3A_831] : memref<4x4096xf32, #tpu.memory_space<vmem>> -> memref<1x1024xf32, #tpu.memory_space<vmem>>
      %dma_start3A_833 = tpu.memref_squeeze %dma_start3A_832 : memref<1x1024xf32, #tpu.memory_space<vmem>> -> memref<1024xf32, #tpu.memory_space<vmem>>
      tpu.enqueue_dma source(%dma_start3A_833 : memref<1024xf32, #tpu.memory_space<vmem>>) target(%dma_start3A_830 : memref<1024xf32, #tpu.memory_space<hbm>>) target_semaphore(%arg15 : memref<!tpu.dma_semaphore, #tpu.memory_space<semaphore_mem>>)
    }
    %scan3A_78 = arith.constant 26 : i32
    %dma_wait3A = arith.constant 0 : i32
    %dma_wait3A_79 = arith.constant 0 : i32
    %dma_wait3A_80 = arith.constant 0 : i32
    %dma_wait3A_81 = arith.constant 0 : i32
    %dma_wait3A_82 = arith.constant 0 : i32
    %dma_wait3A_83 = tpu.memref_slice %arg7[%dma_wait3A, %dma_wait3A_82] : memref<4x4096xf32, #tpu.memory_space<vmem>> -> memref<1x1024xf32, #tpu.memory_space<vmem>>
    %dma_wait3A_84 = tpu.memref_squeeze %dma_wait3A_83 : memref<1x1024xf32, #tpu.memory_space<vmem>> -> memref<1024xf32, #tpu.memory_space<vmem>>
    %dma_wait3A_85 = arith.constant 0 : i32
    %dma_wait3A_86 = tpu.memref_slice %arg4[%dma_wait3A_79, %dma_wait3A_80, %dma_wait3A_81, %dma_wait3A_85] : memref<26x4x128x1024xf32, #tpu.memory_space<hbm>> -> memref<1x1x1x1024xf32, #tpu.memory_space<hbm>>
    %dma_wait3A_87 = tpu.memref_squeeze %dma_wait3A_86 : memref<1x1x1x1024xf32, #tpu.memory_space<hbm>> -> memref<1024xf32, #tpu.memory_space<hbm>>
    %dma_wait3A_88 = arith.constant 0 : i32
    %dma_wait3A_89 = tpu.memref_slice %arg4[%dma_wait3A_79, %dma_wait3A_80, %dma_wait3A_81, %dma_wait3A_88] : memref<26x4x128x1024xf32, #tpu.memory_space<hbm>> -> memref<1x1x1x1024xf32, #tpu.memory_space<hbm>>
    %dma_wait3A_90 = tpu.memref_squeeze %dma_wait3A_89 : memref<1x1x1x1024xf32, #tpu.memory_space<hbm>> -> memref<1024xf32, #tpu.memory_space<hbm>>
    %dma_wait3A_91 = arith.constant 0 : i32
    %dma_wait3A_92 = tpu.memref_slice %arg7[%dma_wait3A, %dma_wait3A_91] : memref<4x4096xf32, #tpu.memory_space<vmem>> -> memref<1x1024xf32, #tpu.memory_space<vmem>>
    %dma_wait3A_93 = tpu.memref_squeeze %dma_wait3A_92 : memref<1x1024xf32, #tpu.memory_space<vmem>> -> memref<1024xf32, #tpu.memory_space<vmem>>
    tpu.wait_dma2 semaphore(%arg12 : memref<!tpu.dma_semaphore, #tpu.memory_space<semaphore_mem>>) src(%dma_wait3A_93 : memref<1024xf32, #tpu.memory_space<vmem>>) dst(%dma_wait3A_90 : memref<1024xf32, #tpu.memory_space<hbm>>)
    %dma_wait3A_94 = arith.constant 0 : i32
    %dma_wait3A_95 = arith.constant 0 : i32
    %dma_wait3A_96 = arith.constant 1 : i32
    %dma_wait3A_97 = arith.constant 0 : i32
    %dma_wait3A_98 = arith.constant 1024 : i32
    %dma_wait3A_99 = tpu.memref_slice %arg7[%dma_wait3A_94, %dma_wait3A_98] : memref<4x4096xf32, #tpu.memory_space<vmem>> -> memref<1x1024xf32, #tpu.memory_space<vmem>>
    %dma_wait3A_100 = tpu.memref_squeeze %dma_wait3A_99 : memref<1x1024xf32, #tpu.memory_space<vmem>> -> memref<1024xf32, #tpu.memory_space<vmem>>
    %dma_wait3A_101 = arith.constant 0 : i32
    %dma_wait3A_102 = tpu.memref_slice %arg4[%dma_wait3A_95, %dma_wait3A_96, %dma_wait3A_97, %dma_wait3A_101] : memref<26x4x128x1024xf32, #tpu.memory_space<hbm>> -> memref<1x1x1x1024xf32, #tpu.memory_space<hbm>>
    %dma_wait3A_103 = tpu.memref_squeeze %dma_wait3A_102 : memref<1x1x1x1024xf32, #tpu.memory_space<hbm>> -> memref<1024xf32, #tpu.memory_space<hbm>>
    %dma_wait3A_104 = arith.constant 0 : i32
    %dma_wait3A_105 = tpu.memref_slice %arg4[%dma_wait3A_95, %dma_wait3A_96, %dma_wait3A_97, %dma_wait3A_104] : memref<26x4x128x1024xf32, #tpu.memory_space<hbm>> -> memref<1x1x1x1024xf32, #tpu.memory_space<hbm>>
    %dma_wait3A_106 = tpu.memref_squeeze %dma_wait3A_105 : memref<1x1x1x1024xf32, #tpu.memory_space<hbm>> -> memref<1024xf32, #tpu.memory_space<hbm>>
    %dma_wait3A_107 = arith.constant 1024 : i32
    %dma_wait3A_108 = tpu.memref_slice %arg7[%dma_wait3A_94, %dma_wait3A_107] : memref<4x4096xf32, #tpu.memory_space<vmem>> -> memref<1x1024xf32, #tpu.memory_space<vmem>>
    %dma_wait3A_109 = tpu.memref_squeeze %dma_wait3A_108 : memref<1x1024xf32, #tpu.memory_space<vmem>> -> memref<1024xf32, #tpu.memory_space<vmem>>
    tpu.wait_dma2 semaphore(%arg12 : memref<!tpu.dma_semaphore, #tpu.memory_space<semaphore_mem>>) src(%dma_wait3A_109 : memref<1024xf32, #tpu.memory_space<vmem>>) dst(%dma_wait3A_106 : memref<1024xf32, #tpu.memory_space<hbm>>)
    %dma_wait3A_110 = arith.constant 0 : i32
    %dma_wait3A_111 = arith.constant 0 : i32
    %dma_wait3A_112 = arith.constant 2 : i32
    %dma_wait3A_113 = arith.constant 0 : i32
    %dma_wait3A_114 = arith.constant 2048 : i32
    %dma_wait3A_115 = tpu.memref_slice %arg7[%dma_wait3A_110, %dma_wait3A_114] : memref<4x4096xf32, #tpu.memory_space<vmem>> -> memref<1x1024xf32, #tpu.memory_space<vmem>>
    %dma_wait3A_116 = tpu.memref_squeeze %dma_wait3A_115 : memref<1x1024xf32, #tpu.memory_space<vmem>> -> memref<1024xf32, #tpu.memory_space<vmem>>
    %dma_wait3A_117 = arith.constant 0 : i32
    %dma_wait3A_118 = tpu.memref_slice %arg4[%dma_wait3A_111, %dma_wait3A_112, %dma_wait3A_113, %dma_wait3A_117] : memref<26x4x128x1024xf32, #tpu.memory_space<hbm>> -> memref<1x1x1x1024xf32, #tpu.memory_space<hbm>>
    %dma_wait3A_119 = tpu.memref_squeeze %dma_wait3A_118 : memref<1x1x1x1024xf32, #tpu.memory_space<hbm>> -> memref<1024xf32, #tpu.memory_space<hbm>>
    %dma_wait3A_120 = arith.constant 0 : i32
    %dma_wait3A_121 = tpu.memref_slice %arg4[%dma_wait3A_111, %dma_wait3A_112, %dma_wait3A_113, %dma_wait3A_120] : memref<26x4x128x1024xf32, #tpu.memory_space<hbm>> -> memref<1x1x1x1024xf32, #tpu.memory_space<hbm>>
    %dma_wait3A_122 = tpu.memref_squeeze %dma_wait3A_121 : memref<1x1x1x1024xf32, #tpu.memory_space<hbm>> -> memref<1024xf32, #tpu.memory_space<hbm>>
    %dma_wait3A_123 = arith.constant 2048 : i32
    %dma_wait3A_124 = tpu.memref_slice %arg7[%dma_wait3A_110, %dma_wait3A_123] : memref<4x4096xf32, #tpu.memory_space<vmem>> -> memref<1x1024xf32, #tpu.memory_space<vmem>>
    %dma_wait3A_125 = tpu.memref_squeeze %dma_wait3A_124 : memref<1x1024xf32, #tpu.memory_space<vmem>> -> memref<1024xf32, #tpu.memory_space<vmem>>
    tpu.wait_dma2 semaphore(%arg12 : memref<!tpu.dma_semaphore, #tpu.memory_space<semaphore_mem>>) src(%dma_wait3A_125 : memref<1024xf32, #tpu.memory_space<vmem>>) dst(%dma_wait3A_122 : memref<1024xf32, #tpu.memory_space<hbm>>)
    %dma_wait3A_126 = arith.constant 0 : i32
    %dma_wait3A_127 = arith.constant 0 : i32
    %dma_wait3A_128 = arith.constant 3 : i32
    %dma_wait3A_129 = arith.constant 0 : i32
    %dma_wait3A_130 = arith.constant 3072 : i32
    %dma_wait3A_131 = tpu.memref_slice %arg7[%dma_wait3A_126, %dma_wait3A_130] : memref<4x4096xf32, #tpu.memory_space<vmem>> -> memref<1x1024xf32, #tpu.memory_space<vmem>>
    %dma_wait3A_132 = tpu.memref_squeeze %dma_wait3A_131 : memref<1x1024xf32, #tpu.memory_space<vmem>> -> memref<1024xf32, #tpu.memory_space<vmem>>
    %dma_wait3A_133 = arith.constant 0 : i32
    %dma_wait3A_134 = tpu.memref_slice %arg4[%dma_wait3A_127, %dma_wait3A_128, %dma_wait3A_129, %dma_wait3A_133] : memref<26x4x128x1024xf32, #tpu.memory_space<hbm>> -> memref<1x1x1x1024xf32, #tpu.memory_space<hbm>>
    %dma_wait3A_135 = tpu.memref_squeeze %dma_wait3A_134 : memref<1x1x1x1024xf32, #tpu.memory_space<hbm>> -> memref<1024xf32, #tpu.memory_space<hbm>>
    %dma_wait3A_136 = arith.constant 0 : i32
    %dma_wait3A_137 = tpu.memref_slice %arg4[%dma_wait3A_127, %dma_wait3A_128, %dma_wait3A_129, %dma_wait3A_136] : memref<26x4x128x1024xf32, #tpu.memory_space<hbm>> -> memref<1x1x1x1024xf32, #tpu.memory_space<hbm>>
    %dma_wait3A_138 = tpu.memref_squeeze %dma_wait3A_137 : memref<1x1x1x1024xf32, #tpu.memory_space<hbm>> -> memref<1024xf32, #tpu.memory_space<hbm>>
    %dma_wait3A_139 = arith.constant 3072 : i32
    %dma_wait3A_140 = tpu.memref_slice %arg7[%dma_wait3A_126, %dma_wait3A_139] : memref<4x4096xf32, #tpu.memory_space<vmem>> -> memref<1x1024xf32, #tpu.memory_space<vmem>>
    %dma_wait3A_141 = tpu.memref_squeeze %dma_wait3A_140 : memref<1x1024xf32, #tpu.memory_space<vmem>> -> memref<1024xf32, #tpu.memory_space<vmem>>
    tpu.wait_dma2 semaphore(%arg12 : memref<!tpu.dma_semaphore, #tpu.memory_space<semaphore_mem>>) src(%dma_wait3A_141 : memref<1024xf32, #tpu.memory_space<vmem>>) dst(%dma_wait3A_138 : memref<1024xf32, #tpu.memory_space<hbm>>)
    %dma_wait3A_142 = arith.constant 1 : i32
    %dma_wait3A_143 = arith.constant 0 : i32
    %dma_wait3A_144 = arith.constant 0 : i32
    %dma_wait3A_145 = arith.constant 0 : i32
    %dma_wait3A_146 = arith.constant 0 : i32
    %dma_wait3A_147 = tpu.memref_slice %arg7[%dma_wait3A_142, %dma_wait3A_146] : memref<4x4096xf32, #tpu.memory_space<vmem>> -> memref<1x1024xf32, #tpu.memory_space<vmem>>
    %dma_wait3A_148 = tpu.memref_squeeze %dma_wait3A_147 : memref<1x1024xf32, #tpu.memory_space<vmem>> -> memref<1024xf32, #tpu.memory_space<vmem>>
    %dma_wait3A_149 = arith.constant 0 : i32
    %dma_wait3A_150 = tpu.memref_slice %arg4[%dma_wait3A_143, %dma_wait3A_144, %dma_wait3A_145, %dma_wait3A_149] : memref<26x4x128x1024xf32, #tpu.memory_space<hbm>> -> memref<1x1x1x1024xf32, #tpu.memory_space<hbm>>
    %dma_wait3A_151 = tpu.memref_squeeze %dma_wait3A_150 : memref<1x1x1x1024xf32, #tpu.memory_space<hbm>> -> memref<1024xf32, #tpu.memory_space<hbm>>
    %dma_wait3A_152 = arith.constant 0 : i32
    %dma_wait3A_153 = tpu.memref_slice %arg4[%dma_wait3A_143, %dma_wait3A_144, %dma_wait3A_145, %dma_wait3A_152] : memref<26x4x128x1024xf32, #tpu.memory_space<hbm>> -> memref<1x1x1x1024xf32, #tpu.memory_space<hbm>>
    %dma_wait3A_154 = tpu.memref_squeeze %dma_wait3A_153 : memref<1x1x1x1024xf32, #tpu.memory_space<hbm>> -> memref<1024xf32, #tpu.memory_space<hbm>>
    %dma_wait3A_155 = arith.constant 0 : i32
    %dma_wait3A_156 = tpu.memref_slice %arg7[%dma_wait3A_142, %dma_wait3A_155] : memref<4x4096xf32, #tpu.memory_space<vmem>> -> memref<1x1024xf32, #tpu.memory_space<vmem>>
    %dma_wait3A_157 = tpu.memref_squeeze %dma_wait3A_156 : memref<1x1024xf32, #tpu.memory_space<vmem>> -> memref<1024xf32, #tpu.memory_space<vmem>>
    tpu.wait_dma2 semaphore(%arg13 : memref<!tpu.dma_semaphore, #tpu.memory_space<semaphore_mem>>) src(%dma_wait3A_157 : memref<1024xf32, #tpu.memory_space<vmem>>) dst(%dma_wait3A_154 : memref<1024xf32, #tpu.memory_space<hbm>>)
    %dma_wait3A_158 = arith.constant 1 : i32
    %dma_wait3A_159 = arith.constant 0 : i32
    %dma_wait3A_160 = arith.constant 1 : i32
    %dma_wait3A_161 = arith.constant 0 : i32
    %dma_wait3A_162 = arith.constant 1024 : i32
    %dma_wait3A_163 = tpu.memref_slice %arg7[%dma_wait3A_158, %dma_wait3A_162] : memref<4x4096xf32, #tpu.memory_space<vmem>> -> memref<1x1024xf32, #tpu.memory_space<vmem>>
    %dma_wait3A_164 = tpu.memref_squeeze %dma_wait3A_163 : memref<1x1024xf32, #tpu.memory_space<vmem>> -> memref<1024xf32, #tpu.memory_space<vmem>>
    %dma_wait3A_165 = arith.constant 0 : i32
    %dma_wait3A_166 = tpu.memref_slice %arg4[%dma_wait3A_159, %dma_wait3A_160, %dma_wait3A_161, %dma_wait3A_165] : memref<26x4x128x1024xf32, #tpu.memory_space<hbm>> -> memref<1x1x1x1024xf32, #tpu.memory_space<hbm>>
    %dma_wait3A_167 = tpu.memref_squeeze %dma_wait3A_166 : memref<1x1x1x1024xf32, #tpu.memory_space<hbm>> -> memref<1024xf32, #tpu.memory_space<hbm>>
    %dma_wait3A_168 = arith.constant 0 : i32
    %dma_wait3A_169 = tpu.memref_slice %arg4[%dma_wait3A_159, %dma_wait3A_160, %dma_wait3A_161, %dma_wait3A_168] : memref<26x4x128x1024xf32, #tpu.memory_space<hbm>> -> memref<1x1x1x1024xf32, #tpu.memory_space<hbm>>
    %dma_wait3A_170 = tpu.memref_squeeze %dma_wait3A_169 : memref<1x1x1x1024xf32, #tpu.memory_space<hbm>> -> memref<1024xf32, #tpu.memory_space<hbm>>
    %dma_wait3A_171 = arith.constant 1024 : i32
    %dma_wait3A_172 = tpu.memref_slice %arg7[%dma_wait3A_158, %dma_wait3A_171] : memref<4x4096xf32, #tpu.memory_space<vmem>> -> memref<1x1024xf32, #tpu.memory_space<vmem>>
    %dma_wait3A_173 = tpu.memref_squeeze %dma_wait3A_172 : memref<1x1024xf32, #tpu.memory_space<vmem>> -> memref<1024xf32, #tpu.memory_space<vmem>>
    tpu.wait_dma2 semaphore(%arg13 : memref<!tpu.dma_semaphore, #tpu.memory_space<semaphore_mem>>) src(%dma_wait3A_173 : memref<1024xf32, #tpu.memory_space<vmem>>) dst(%dma_wait3A_170 : memref<1024xf32, #tpu.memory_space<hbm>>)
    %dma_wait3A_174 = arith.constant 1 : i32
    %dma_wait3A_175 = arith.constant 0 : i32
    %dma_wait3A_176 = arith.constant 2 : i32
    %dma_wait3A_177 = arith.constant 0 : i32
    %dma_wait3A_178 = arith.constant 2048 : i32
    %dma_wait3A_179 = tpu.memref_slice %arg7[%dma_wait3A_174, %dma_wait3A_178] : memref<4x4096xf32, #tpu.memory_space<vmem>> -> memref<1x1024xf32, #tpu.memory_space<vmem>>
    %dma_wait3A_180 = tpu.memref_squeeze %dma_wait3A_179 : memref<1x1024xf32, #tpu.memory_space<vmem>> -> memref<1024xf32, #tpu.memory_space<vmem>>
    %dma_wait3A_181 = arith.constant 0 : i32
    %dma_wait3A_182 = tpu.memref_slice %arg4[%dma_wait3A_175, %dma_wait3A_176, %dma_wait3A_177, %dma_wait3A_181] : memref<26x4x128x1024xf32, #tpu.memory_space<hbm>> -> memref<1x1x1x1024xf32, #tpu.memory_space<hbm>>
    %dma_wait3A_183 = tpu.memref_squeeze %dma_wait3A_182 : memref<1x1x1x1024xf32, #tpu.memory_space<hbm>> -> memref<1024xf32, #tpu.memory_space<hbm>>
    %dma_wait3A_184 = arith.constant 0 : i32
    %dma_wait3A_185 = tpu.memref_slice %arg4[%dma_wait3A_175, %dma_wait3A_176, %dma_wait3A_177, %dma_wait3A_184] : memref<26x4x128x1024xf32, #tpu.memory_space<hbm>> -> memref<1x1x1x1024xf32, #tpu.memory_space<hbm>>
    %dma_wait3A_186 = tpu.memref_squeeze %dma_wait3A_185 : memref<1x1x1x1024xf32, #tpu.memory_space<hbm>> -> memref<1024xf32, #tpu.memory_space<hbm>>
    %dma_wait3A_187 = arith.constant 2048 : i32
    %dma_wait3A_188 = tpu.memref_slice %arg7[%dma_wait3A_174, %dma_wait3A_187] : memref<4x4096xf32, #tpu.memory_space<vmem>> -> memref<1x1024xf32, #tpu.memory_space<vmem>>
    %dma_wait3A_189 = tpu.memref_squeeze %dma_wait3A_188 : memref<1x1024xf32, #tpu.memory_space<vmem>> -> memref<1024xf32, #tpu.memory_space<vmem>>
    tpu.wait_dma2 semaphore(%arg13 : memref<!tpu.dma_semaphore, #tpu.memory_space<semaphore_mem>>) src(%dma_wait3A_189 : memref<1024xf32, #tpu.memory_space<vmem>>) dst(%dma_wait3A_186 : memref<1024xf32, #tpu.memory_space<hbm>>)
    %dma_wait3A_190 = arith.constant 1 : i32
    %dma_wait3A_191 = arith.constant 0 : i32
    %dma_wait3A_192 = arith.constant 3 : i32
    %dma_wait3A_193 = arith.constant 0 : i32
    %dma_wait3A_194 = arith.constant 3072 : i32
    %dma_wait3A_195 = tpu.memref_slice %arg7[%dma_wait3A_190, %dma_wait3A_194] : memref<4x4096xf32, #tpu.memory_space<vmem>> -> memref<1x1024xf32, #tpu.memory_space<vmem>>
    %dma_wait3A_196 = tpu.memref_squeeze %dma_wait3A_195 : memref<1x1024xf32, #tpu.memory_space<vmem>> -> memref<1024xf32, #tpu.memory_space<vmem>>
    %dma_wait3A_197 = arith.constant 0 : i32
    %dma_wait3A_198 = tpu.memref_slice %arg4[%dma_wait3A_191, %dma_wait3A_192, %dma_wait3A_193, %dma_wait3A_197] : memref<26x4x128x1024xf32, #tpu.memory_space<hbm>> -> memref<1x1x1x1024xf32, #tpu.memory_space<hbm>>
    %dma_wait3A_199 = tpu.memref_squeeze %dma_wait3A_198 : memref<1x1x1x1024xf32, #tpu.memory_space<hbm>> -> memref<1024xf32, #tpu.memory_space<hbm>>
    %dma_wait3A_200 = arith.constant 0 : i32
    %dma_wait3A_201 = tpu.memref_slice %arg4[%dma_wait3A_191, %dma_wait3A_192, %dma_wait3A_193, %dma_wait3A_200] : memref<26x4x128x1024xf32, #tpu.memory_space<hbm>> -> memref<1x1x1x1024xf32, #tpu.memory_space<hbm>>
    %dma_wait3A_202 = tpu.memref_squeeze %dma_wait3A_201 : memref<1x1x1x1024xf32, #tpu.memory_space<hbm>> -> memref<1024xf32, #tpu.memory_space<hbm>>
    %dma_wait3A_203 = arith.constant 3072 : i32
    %dma_wait3A_204 = tpu.memref_slice %arg7[%dma_wait3A_190, %dma_wait3A_203] : memref<4x4096xf32, #tpu.memory_space<vmem>> -> memref<1x1024xf32, #tpu.memory_space<vmem>>
    %dma_wait3A_205 = tpu.memref_squeeze %dma_wait3A_204 : memref<1x1024xf32, #tpu.memory_space<vmem>> -> memref<1024xf32, #tpu.memory_space<vmem>>
    tpu.wait_dma2 semaphore(%arg13 : memref<!tpu.dma_semaphore, #tpu.memory_space<semaphore_mem>>) src(%dma_wait3A_205 : memref<1024xf32, #tpu.memory_space<vmem>>) dst(%dma_wait3A_202 : memref<1024xf32, #tpu.memory_space<hbm>>)
    %dma_wait3A_206 = arith.constant 2 : i32
    %dma_wait3A_207 = arith.constant 0 : i32
    %dma_wait3A_208 = arith.constant 0 : i32
    %dma_wait3A_209 = arith.constant 0 : i32
    %dma_wait3A_210 = arith.constant 0 : i32
    %dma_wait3A_211 = tpu.memref_slice %arg7[%dma_wait3A_206, %dma_wait3A_210] : memref<4x4096xf32, #tpu.memory_space<vmem>> -> memref<1x1024xf32, #tpu.memory_space<vmem>>
    %dma_wait3A_212 = tpu.memref_squeeze %dma_wait3A_211 : memref<1x1024xf32, #tpu.memory_space<vmem>> -> memref<1024xf32, #tpu.memory_space<vmem>>
    %dma_wait3A_213 = arith.constant 0 : i32
    %dma_wait3A_214 = tpu.memref_slice %arg4[%dma_wait3A_207, %dma_wait3A_208, %dma_wait3A_209, %dma_wait3A_213] : memref<26x4x128x1024xf32, #tpu.memory_space<hbm>> -> memref<1x1x1x1024xf32, #tpu.memory_space<hbm>>
    %dma_wait3A_215 = tpu.memref_squeeze %dma_wait3A_214 : memref<1x1x1x1024xf32, #tpu.memory_space<hbm>> -> memref<1024xf32, #tpu.memory_space<hbm>>
    %dma_wait3A_216 = arith.constant 0 : i32
    %dma_wait3A_217 = tpu.memref_slice %arg4[%dma_wait3A_207, %dma_wait3A_208, %dma_wait3A_209, %dma_wait3A_216] : memref<26x4x128x1024xf32, #tpu.memory_space<hbm>> -> memref<1x1x1x1024xf32, #tpu.memory_space<hbm>>
    %dma_wait3A_218 = tpu.memref_squeeze %dma_wait3A_217 : memref<1x1x1x1024xf32, #tpu.memory_space<hbm>> -> memref<1024xf32, #tpu.memory_space<hbm>>
    %dma_wait3A_219 = arith.constant 0 : i32
    %dma_wait3A_220 = tpu.memref_slice %arg7[%dma_wait3A_206, %dma_wait3A_219] : memref<4x4096xf32, #tpu.memory_space<vmem>> -> memref<1x1024xf32, #tpu.memory_space<vmem>>
    %dma_wait3A_221 = tpu.memref_squeeze %dma_wait3A_220 : memref<1x1024xf32, #tpu.memory_space<vmem>> -> memref<1024xf32, #tpu.memory_space<vmem>>
    tpu.wait_dma2 semaphore(%arg14 : memref<!tpu.dma_semaphore, #tpu.memory_space<semaphore_mem>>) src(%dma_wait3A_221 : memref<1024xf32, #tpu.memory_space<vmem>>) dst(%dma_wait3A_218 : memref<1024xf32, #tpu.memory_space<hbm>>)
    %dma_wait3A_222 = arith.constant 2 : i32
    %dma_wait3A_223 = arith.constant 0 : i32
    %dma_wait3A_224 = arith.constant 1 : i32
    %dma_wait3A_225 = arith.constant 0 : i32
    %dma_wait3A_226 = arith.constant 1024 : i32
    %dma_wait3A_227 = tpu.memref_slice %arg7[%dma_wait3A_222, %dma_wait3A_226] : memref<4x4096xf32, #tpu.memory_space<vmem>> -> memref<1x1024xf32, #tpu.memory_space<vmem>>
    %dma_wait3A_228 = tpu.memref_squeeze %dma_wait3A_227 : memref<1x1024xf32, #tpu.memory_space<vmem>> -> memref<1024xf32, #tpu.memory_space<vmem>>
    %dma_wait3A_229 = arith.constant 0 : i32
    %dma_wait3A_230 = tpu.memref_slice %arg4[%dma_wait3A_223, %dma_wait3A_224, %dma_wait3A_225, %dma_wait3A_229] : memref<26x4x128x1024xf32, #tpu.memory_space<hbm>> -> memref<1x1x1x1024xf32, #tpu.memory_space<hbm>>
    %dma_wait3A_231 = tpu.memref_squeeze %dma_wait3A_230 : memref<1x1x1x1024xf32, #tpu.memory_space<hbm>> -> memref<1024xf32, #tpu.memory_space<hbm>>
    %dma_wait3A_232 = arith.constant 0 : i32
    %dma_wait3A_233 = tpu.memref_slice %arg4[%dma_wait3A_223, %dma_wait3A_224, %dma_wait3A_225, %dma_wait3A_232] : memref<26x4x128x1024xf32, #tpu.memory_space<hbm>> -> memref<1x1x1x1024xf32, #tpu.memory_space<hbm>>
    %dma_wait3A_234 = tpu.memref_squeeze %dma_wait3A_233 : memref<1x1x1x1024xf32, #tpu.memory_space<hbm>> -> memref<1024xf32, #tpu.memory_space<hbm>>
    %dma_wait3A_235 = arith.constant 1024 : i32
    %dma_wait3A_236 = tpu.memref_slice %arg7[%dma_wait3A_222, %dma_wait3A_235] : memref<4x4096xf32, #tpu.memory_space<vmem>> -> memref<1x1024xf32, #tpu.memory_space<vmem>>
    %dma_wait3A_237 = tpu.memref_squeeze %dma_wait3A_236 : memref<1x1024xf32, #tpu.memory_space<vmem>> -> memref<1024xf32, #tpu.memory_space<vmem>>
    tpu.wait_dma2 semaphore(%arg14 : memref<!tpu.dma_semaphore, #tpu.memory_space<semaphore_mem>>) src(%dma_wait3A_237 : memref<1024xf32, #tpu.memory_space<vmem>>) dst(%dma_wait3A_234 : memref<1024xf32, #tpu.memory_space<hbm>>)
    %dma_wait3A_238 = arith.constant 2 : i32
    %dma_wait3A_239 = arith.constant 0 : i32
    %dma_wait3A_240 = arith.constant 2 : i32
    %dma_wait3A_241 = arith.constant 0 : i32
    %dma_wait3A_242 = arith.constant 2048 : i32
    %dma_wait3A_243 = tpu.memref_slice %arg7[%dma_wait3A_238, %dma_wait3A_242] : memref<4x4096xf32, #tpu.memory_space<vmem>> -> memref<1x1024xf32, #tpu.memory_space<vmem>>
    %dma_wait3A_244 = tpu.memref_squeeze %dma_wait3A_243 : memref<1x1024xf32, #tpu.memory_space<vmem>> -> memref<1024xf32, #tpu.memory_space<vmem>>
    %dma_wait3A_245 = arith.constant 0 : i32
    %dma_wait3A_246 = tpu.memref_slice %arg4[%dma_wait3A_239, %dma_wait3A_240, %dma_wait3A_241, %dma_wait3A_245] : memref<26x4x128x1024xf32, #tpu.memory_space<hbm>> -> memref<1x1x1x1024xf32, #tpu.memory_space<hbm>>
    %dma_wait3A_247 = tpu.memref_squeeze %dma_wait3A_246 : memref<1x1x1x1024xf32, #tpu.memory_space<hbm>> -> memref<1024xf32, #tpu.memory_space<hbm>>
    %dma_wait3A_248 = arith.constant 0 : i32
    %dma_wait3A_249 = tpu.memref_slice %arg4[%dma_wait3A_239, %dma_wait3A_240, %dma_wait3A_241, %dma_wait3A_248] : memref<26x4x128x1024xf32, #tpu.memory_space<hbm>> -> memref<1x1x1x1024xf32, #tpu.memory_space<hbm>>
    %dma_wait3A_250 = tpu.memref_squeeze %dma_wait3A_249 : memref<1x1x1x1024xf32, #tpu.memory_space<hbm>> -> memref<1024xf32, #tpu.memory_space<hbm>>
    %dma_wait3A_251 = arith.constant 2048 : i32
    %dma_wait3A_252 = tpu.memref_slice %arg7[%dma_wait3A_238, %dma_wait3A_251] : memref<4x4096xf32, #tpu.memory_space<vmem>> -> memref<1x1024xf32, #tpu.memory_space<vmem>>
    %dma_wait3A_253 = tpu.memref_squeeze %dma_wait3A_252 : memref<1x1024xf32, #tpu.memory_space<vmem>> -> memref<1024xf32, #tpu.memory_space<vmem>>
    tpu.wait_dma2 semaphore(%arg14 : memref<!tpu.dma_semaphore, #tpu.memory_space<semaphore_mem>>) src(%dma_wait3A_253 : memref<1024xf32, #tpu.memory_space<vmem>>) dst(%dma_wait3A_250 : memref<1024xf32, #tpu.memory_space<hbm>>)
    %dma_wait3A_254 = arith.constant 2 : i32
    %dma_wait3A_255 = arith.constant 0 : i32
    %dma_wait3A_256 = arith.constant 3 : i32
    %dma_wait3A_257 = arith.constant 0 : i32
    %dma_wait3A_258 = arith.constant 3072 : i32
    %dma_wait3A_259 = tpu.memref_slice %arg7[%dma_wait3A_254, %dma_wait3A_258] : memref<4x4096xf32, #tpu.memory_space<vmem>> -> memref<1x1024xf32, #tpu.memory_space<vmem>>
    %dma_wait3A_260 = tpu.memref_squeeze %dma_wait3A_259 : memref<1x1024xf32, #tpu.memory_space<vmem>> -> memref<1024xf32, #tpu.memory_space<vmem>>
    %dma_wait3A_261 = arith.constant 0 : i32
    %dma_wait3A_262 = tpu.memref_slice %arg4[%dma_wait3A_255, %dma_wait3A_256, %dma_wait3A_257, %dma_wait3A_261] : memref<26x4x128x1024xf32, #tpu.memory_space<hbm>> -> memref<1x1x1x1024xf32, #tpu.memory_space<hbm>>
    %dma_wait3A_263 = tpu.memref_squeeze %dma_wait3A_262 : memref<1x1x1x1024xf32, #tpu.memory_space<hbm>> -> memref<1024xf32, #tpu.memory_space<hbm>>
    %dma_wait3A_264 = arith.constant 0 : i32
    %dma_wait3A_265 = tpu.memref_slice %arg4[%dma_wait3A_255, %dma_wait3A_256, %dma_wait3A_257, %dma_wait3A_264] : memref<26x4x128x1024xf32, #tpu.memory_space<hbm>> -> memref<1x1x1x1024xf32, #tpu.memory_space<hbm>>
    %dma_wait3A_266 = tpu.memref_squeeze %dma_wait3A_265 : memref<1x1x1x1024xf32, #tpu.memory_space<hbm>> -> memref<1024xf32, #tpu.memory_space<hbm>>
    %dma_wait3A_267 = arith.constant 3072 : i32
    %dma_wait3A_268 = tpu.memref_slice %arg7[%dma_wait3A_254, %dma_wait3A_267] : memref<4x4096xf32, #tpu.memory_space<vmem>> -> memref<1x1024xf32, #tpu.memory_space<vmem>>
    %dma_wait3A_269 = tpu.memref_squeeze %dma_wait3A_268 : memref<1x1024xf32, #tpu.memory_space<vmem>> -> memref<1024xf32, #tpu.memory_space<vmem>>
    tpu.wait_dma2 semaphore(%arg14 : memref<!tpu.dma_semaphore, #tpu.memory_space<semaphore_mem>>) src(%dma_wait3A_269 : memref<1024xf32, #tpu.memory_space<vmem>>) dst(%dma_wait3A_266 : memref<1024xf32, #tpu.memory_space<hbm>>)
    %dma_wait3A_270 = arith.constant 3 : i32
    %dma_wait3A_271 = arith.constant 0 : i32
    %dma_wait3A_272 = arith.constant 0 : i32
    %dma_wait3A_273 = arith.constant 0 : i32
    %dma_wait3A_274 = arith.constant 0 : i32
    %dma_wait3A_275 = tpu.memref_slice %arg7[%dma_wait3A_270, %dma_wait3A_274] : memref<4x4096xf32, #tpu.memory_space<vmem>> -> memref<1x1024xf32, #tpu.memory_space<vmem>>
    %dma_wait3A_276 = tpu.memref_squeeze %dma_wait3A_275 : memref<1x1024xf32, #tpu.memory_space<vmem>> -> memref<1024xf32, #tpu.memory_space<vmem>>
    %dma_wait3A_277 = arith.constant 0 : i32
    %dma_wait3A_278 = tpu.memref_slice %arg4[%dma_wait3A_271, %dma_wait3A_272, %dma_wait3A_273, %dma_wait3A_277] : memref<26x4x128x1024xf32, #tpu.memory_space<hbm>> -> memref<1x1x1x1024xf32, #tpu.memory_space<hbm>>
    %dma_wait3A_279 = tpu.memref_squeeze %dma_wait3A_278 : memref<1x1x1x1024xf32, #tpu.memory_space<hbm>> -> memref<1024xf32, #tpu.memory_space<hbm>>
    %dma_wait3A_280 = arith.constant 0 : i32
    %dma_wait3A_281 = tpu.memref_slice %arg4[%dma_wait3A_271, %dma_wait3A_272, %dma_wait3A_273, %dma_wait3A_280] : memref<26x4x128x1024xf32, #tpu.memory_space<hbm>> -> memref<1x1x1x1024xf32, #tpu.memory_space<hbm>>
    %dma_wait3A_282 = tpu.memref_squeeze %dma_wait3A_281 : memref<1x1x1x1024xf32, #tpu.memory_space<hbm>> -> memref<1024xf32, #tpu.memory_space<hbm>>
    %dma_wait3A_283 = arith.constant 0 : i32
    %dma_wait3A_284 = tpu.memref_slice %arg7[%dma_wait3A_270, %dma_wait3A_283] : memref<4x4096xf32, #tpu.memory_space<vmem>> -> memref<1x1024xf32, #tpu.memory_space<vmem>>
    %dma_wait3A_285 = tpu.memref_squeeze %dma_wait3A_284 : memref<1x1024xf32, #tpu.memory_space<vmem>> -> memref<1024xf32, #tpu.memory_space<vmem>>
    tpu.wait_dma2 semaphore(%arg15 : memref<!tpu.dma_semaphore, #tpu.memory_space<semaphore_mem>>) src(%dma_wait3A_285 : memref<1024xf32, #tpu.memory_space<vmem>>) dst(%dma_wait3A_282 : memref<1024xf32, #tpu.memory_space<hbm>>)
    %dma_wait3A_286 = arith.constant 3 : i32
    %dma_wait3A_287 = arith.constant 0 : i32
    %dma_wait3A_288 = arith.constant 1 : i32
    %dma_wait3A_289 = arith.constant 0 : i32
    %dma_wait3A_290 = arith.constant 1024 : i32
    %dma_wait3A_291 = tpu.memref_slice %arg7[%dma_wait3A_286, %dma_wait3A_290] : memref<4x4096xf32, #tpu.memory_space<vmem>> -> memref<1x1024xf32, #tpu.memory_space<vmem>>
    %dma_wait3A_292 = tpu.memref_squeeze %dma_wait3A_291 : memref<1x1024xf32, #tpu.memory_space<vmem>> -> memref<1024xf32, #tpu.memory_space<vmem>>
    %dma_wait3A_293 = arith.constant 0 : i32
    %dma_wait3A_294 = tpu.memref_slice %arg4[%dma_wait3A_287, %dma_wait3A_288, %dma_wait3A_289, %dma_wait3A_293] : memref<26x4x128x1024xf32, #tpu.memory_space<hbm>> -> memref<1x1x1x1024xf32, #tpu.memory_space<hbm>>
    %dma_wait3A_295 = tpu.memref_squeeze %dma_wait3A_294 : memref<1x1x1x1024xf32, #tpu.memory_space<hbm>> -> memref<1024xf32, #tpu.memory_space<hbm>>
    %dma_wait3A_296 = arith.constant 0 : i32
    %dma_wait3A_297 = tpu.memref_slice %arg4[%dma_wait3A_287, %dma_wait3A_288, %dma_wait3A_289, %dma_wait3A_296] : memref<26x4x128x1024xf32, #tpu.memory_space<hbm>> -> memref<1x1x1x1024xf32, #tpu.memory_space<hbm>>
    %dma_wait3A_298 = tpu.memref_squeeze %dma_wait3A_297 : memref<1x1x1x1024xf32, #tpu.memory_space<hbm>> -> memref<1024xf32, #tpu.memory_space<hbm>>
    %dma_wait3A_299 = arith.constant 1024 : i32
    %dma_wait3A_300 = tpu.memref_slice %arg7[%dma_wait3A_286, %dma_wait3A_299] : memref<4x4096xf32, #tpu.memory_space<vmem>> -> memref<1x1024xf32, #tpu.memory_space<vmem>>
    %dma_wait3A_301 = tpu.memref_squeeze %dma_wait3A_300 : memref<1x1024xf32, #tpu.memory_space<vmem>> -> memref<1024xf32, #tpu.memory_space<vmem>>
    tpu.wait_dma2 semaphore(%arg15 : memref<!tpu.dma_semaphore, #tpu.memory_space<semaphore_mem>>) src(%dma_wait3A_301 : memref<1024xf32, #tpu.memory_space<vmem>>) dst(%dma_wait3A_298 : memref<1024xf32, #tpu.memory_space<hbm>>)
    %dma_wait3A_302 = arith.constant 3 : i32
    %dma_wait3A_303 = arith.constant 0 : i32
    %dma_wait3A_304 = arith.constant 2 : i32
    %dma_wait3A_305 = arith.constant 0 : i32
    %dma_wait3A_306 = arith.constant 2048 : i32
    %dma_wait3A_307 = tpu.memref_slice %arg7[%dma_wait3A_302, %dma_wait3A_306] : memref<4x4096xf32, #tpu.memory_space<vmem>> -> memref<1x1024xf32, #tpu.memory_space<vmem>>
    %dma_wait3A_308 = tpu.memref_squeeze %dma_wait3A_307 : memref<1x1024xf32, #tpu.memory_space<vmem>> -> memref<1024xf32, #tpu.memory_space<vmem>>
    %dma_wait3A_309 = arith.constant 0 : i32
    %dma_wait3A_310 = tpu.memref_slice %arg4[%dma_wait3A_303, %dma_wait3A_304, %dma_wait3A_305, %dma_wait3A_309] : memref<26x4x128x1024xf32, #tpu.memory_space<hbm>> -> memref<1x1x1x1024xf32, #tpu.memory_space<hbm>>
    %dma_wait3A_311 = tpu.memref_squeeze %dma_wait3A_310 : memref<1x1x1x1024xf32, #tpu.memory_space<hbm>> -> memref<1024xf32, #tpu.memory_space<hbm>>
    %dma_wait3A_312 = arith.constant 0 : i32
    %dma_wait3A_313 = tpu.memref_slice %arg4[%dma_wait3A_303, %dma_wait3A_304, %dma_wait3A_305, %dma_wait3A_312] : memref<26x4x128x1024xf32, #tpu.memory_space<hbm>> -> memref<1x1x1x1024xf32, #tpu.memory_space<hbm>>
    %dma_wait3A_314 = tpu.memref_squeeze %dma_wait3A_313 : memref<1x1x1x1024xf32, #tpu.memory_space<hbm>> -> memref<1024xf32, #tpu.memory_space<hbm>>
    %dma_wait3A_315 = arith.constant 2048 : i32
    %dma_wait3A_316 = tpu.memref_slice %arg7[%dma_wait3A_302, %dma_wait3A_315] : memref<4x4096xf32, #tpu.memory_space<vmem>> -> memref<1x1024xf32, #tpu.memory_space<vmem>>
    %dma_wait3A_317 = tpu.memref_squeeze %dma_wait3A_316 : memref<1x1024xf32, #tpu.memory_space<vmem>> -> memref<1024xf32, #tpu.memory_space<vmem>>
    tpu.wait_dma2 semaphore(%arg15 : memref<!tpu.dma_semaphore, #tpu.memory_space<semaphore_mem>>) src(%dma_wait3A_317 : memref<1024xf32, #tpu.memory_space<vmem>>) dst(%dma_wait3A_314 : memref<1024xf32, #tpu.memory_space<hbm>>)
    %dma_wait3A_318 = arith.constant 3 : i32
    %dma_wait3A_319 = arith.constant 0 : i32
    %dma_wait3A_320 = arith.constant 3 : i32
    %dma_wait3A_321 = arith.constant 0 : i32
    %dma_wait3A_322 = arith.constant 3072 : i32
    %dma_wait3A_323 = tpu.memref_slice %arg7[%dma_wait3A_318, %dma_wait3A_322] : memref<4x4096xf32, #tpu.memory_space<vmem>> -> memref<1x1024xf32, #tpu.memory_space<vmem>>
    %dma_wait3A_324 = tpu.memref_squeeze %dma_wait3A_323 : memref<1x1024xf32, #tpu.memory_space<vmem>> -> memref<1024xf32, #tpu.memory_space<vmem>>
    %dma_wait3A_325 = arith.constant 0 : i32
    %dma_wait3A_326 = tpu.memref_slice %arg4[%dma_wait3A_319, %dma_wait3A_320, %dma_wait3A_321, %dma_wait3A_325] : memref<26x4x128x1024xf32, #tpu.memory_space<hbm>> -> memref<1x1x1x1024xf32, #tpu.memory_space<hbm>>
    %dma_wait3A_327 = tpu.memref_squeeze %dma_wait3A_326 : memref<1x1x1x1024xf32, #tpu.memory_space<hbm>> -> memref<1024xf32, #tpu.memory_space<hbm>>
    %dma_wait3A_328 = arith.constant 0 : i32
    %dma_wait3A_329 = tpu.memref_slice %arg4[%dma_wait3A_319, %dma_wait3A_320, %dma_wait3A_321, %dma_wait3A_328] : memref<26x4x128x1024xf32, #tpu.memory_space<hbm>> -> memref<1x1x1x1024xf32, #tpu.memory_space<hbm>>
    %dma_wait3A_330 = tpu.memref_squeeze %dma_wait3A_329 : memref<1x1x1x1024xf32, #tpu.memory_space<hbm>> -> memref<1024xf32, #tpu.memory_space<hbm>>
    %dma_wait3A_331 = arith.constant 3072 : i32
    %dma_wait3A_332 = tpu.memref_slice %arg7[%dma_wait3A_318, %dma_wait3A_331] : memref<4x4096xf32, #tpu.memory_space<vmem>> -> memref<1x1024xf32, #tpu.memory_space<vmem>>
    %dma_wait3A_333 = tpu.memref_squeeze %dma_wait3A_332 : memref<1x1024xf32, #tpu.memory_space<vmem>> -> memref<1024xf32, #tpu.memory_space<vmem>>
    tpu.wait_dma2 semaphore(%arg15 : memref<!tpu.dma_semaphore, #tpu.memory_space<semaphore_mem>>) src(%dma_wait3A_333 : memref<1024xf32, #tpu.memory_space<vmem>>) dst(%dma_wait3A_330 : memref<1024xf32, #tpu.memory_space<hbm>>)
    return
  }
}

module attributes {stable_mosaic.version = 14 : i64} {
  func.func @body(%arg0: i32, %arg1: memref<32x2048xf32, #tpu.memory_space<vmem>>, %arg2: memref<32x2048xf32, #tpu.memory_space<vmem>>, %arg3: memref<512x128xf32, #tpu.memory_space<vmem>>) attributes {dimension_semantics = [#tpu.dimension_semantics<arbitrary>], iteration_bounds = array<i64: 489>, scalar_prefetch = 0 : i64, scratch_operands = 0 : i64, tpu.core_type = #tpu.core_type<tc>, window_params = [{transform_indices = @transform_0, window_bounds = array<i64: 32, 2048>}, {transform_indices = @transform_1, window_bounds = array<i64: 32, 2048>}, {transform_indices = @transform_2, window_bounds = array<i64: 512, 128>}]} {
    %get3A = arith.constant 0 : index
    %get3A_0 = arith.constant 0 : index
    %get3A_1 = vector.load %arg1[%get3A, %get3A_0] : memref<32x2048xf32, #tpu.memory_space<vmem>>, vector<32x2048xf32>
    %get3A_2 = arith.constant 0 : index
    %get3A_3 = arith.constant 0 : index
    %get3A_4 = vector.load %arg2[%get3A_2, %get3A_3] : memref<32x2048xf32, #tpu.memory_space<vmem>>, vector<32x2048xf32>
    %add3A = arith.addf %get3A_1, %get3A_4 : vector<32x2048xf32>
    %slice3A = vector.extract_strided_slice %add3A {offsets = [0, 0], sizes = [32, 512], strides = [1, 1]} : vector<32x2048xf32> to vector<32x512xf32>
    %transpose3A = tpu.transpose %slice3A, [1, 0] : vector<32x512xf32> -> vector<512x32xf32>
    %slice3A_5 = vector.extract_strided_slice %add3A {offsets = [0, 512], sizes = [32, 512], strides = [1, 1]} : vector<32x2048xf32> to vector<32x512xf32>
    %transpose3A_6 = tpu.transpose %slice3A_5, [1, 0] : vector<32x512xf32> -> vector<512x32xf32>
    %slice3A_7 = vector.extract_strided_slice %add3A {offsets = [0, 1024], sizes = [32, 512], strides = [1, 1]} : vector<32x2048xf32> to vector<32x512xf32>
    %transpose3A_8 = tpu.transpose %slice3A_7, [1, 0] : vector<32x512xf32> -> vector<512x32xf32>
    %slice3A_9 = vector.extract_strided_slice %add3A {offsets = [0, 1536], sizes = [32, 512], strides = [1, 1]} : vector<32x2048xf32> to vector<32x512xf32>
    %transpose3A_10 = tpu.transpose %slice3A_9, [1, 0] : vector<32x512xf32> -> vector<512x32xf32>
    %concatenate3A = tpu.concatenate %transpose3A, %transpose3A_6, %transpose3A_8, %transpose3A_10 in 1 : vector<512x32xf32>, vector<512x32xf32>, vector<512x32xf32>, vector<512x32xf32> -> vector<512x128xf32>
    %swap3A = arith.constant 0 : index
    %swap3A_11 = arith.constant 0 : index
    %swap3A_12 = vector.load %arg3[%swap3A, %swap3A_11] : memref<512x128xf32, #tpu.memory_space<vmem>>, vector<512x128xf32>
    tpu.vector_store %arg3[%swap3A, %swap3A_11], %concatenate3A {strides = array<i32>} : memref<512x128xf32, #tpu.memory_space<vmem>>, vector<512x128xf32>,
    return
  }
  func.func @transform_0(%arg0: i32) -> (i32, i32) {
    %c0_i32 = arith.constant 0 : i32
    %c0_i32_0 = arith.constant 0 : i32
    return %c0_i32, %arg0 : i32, i32
  }
  func.func @transform_1(%arg0: i32) -> (i32, i32) {
    %c0_i32 = arith.constant 0 : i32
    %c0_i32_0 = arith.constant 0 : i32
    return %c0_i32, %arg0 : i32, i32
  }
  func.func @transform_2(%arg0: i32) -> (i32, i32) {
    %c0_i32 = arith.constant 0 : i32
    %c0_i32_0 = arith.constant 0 : i32
    return %arg0, %c0_i32 : i32, i32
  }
}

</mosaic_0001>

<sc_bundles>
// kernel: kernel.4.cloned.1.call-start
scs
__scs_entry_jumppad:
0x0: {  	(pc) =	sbr.rel $0x88, $3  }
0x1: {  	(tag) =	ssettag $0x0;
	lr =	simm.s32 $0x1  }
0x2: {  	[smem:$0x3F9E] =	sst lr;
	_ =	strace $0xD0000000  }
0x3: {  	_ = 	snop  }
0x4: {  	_ = 	snop  }
0x5: {  	_ = 	snop  }
0x6: {  	_ = 	snop  }
0x7: {  	_ = 	snop  }
__scs_overlays_trampoline_lowered:
0x8: {  	[smem:$0x3FAD] =	sst s0  }
0x9: {  	[smem:$0x3FAE] =	sst s1  }
0xa: {  	[smem:$0x3FAF] =	sst s2  }
0xb: {  	[smem:$0x3FB0] =	sst s3  }
0xc: {  	[smem:$0x3FB1] =	sst s4  }
0xd: {  	[smem:$0x3FB2] =	sst s5  }
0xe: {  	[smem:$0x3FB3] =	sst s6  }
0xf: {  	[smem:$0x3FB4] =	sst s7  }
0x10: {  	[smem:$0x3FB5] =	sst s8  }
0x11: {  	[smem:$0x3FB6] =	sst s9;
	s0 =	simm.s32 @!p0 $0x0  }
0x12: {  	s1 =	sld [smem:$0x3F9C];
	s0 =	simm.s32 @p0 $0x1  }
0x13: {  	[smem:$0x3FB7] =	sst s0;
	s0 =	simm.s32 @!p1 $0x0  }
0x14: {  	s2 =	sld [smem:$0x3F9B];
	s0 =	simm.s32 @p1 $0x1  }
0x15: {  	[smem:$0x3FB8] =	sst s0;
	s0 =	simm.s32 @!p2 $0x0  }
0x16: {  	s3 =	sld [smem:$0x3FDB];
	s0 =	simm.s32 @p2 $0x1  }
0x17: {  	s4 =	simm.s32 $0x1BF5;
	[smem:$0x3FBA] =	sst s0  }
0x18: {  	s0 =	sld [smem:$0x3F9D];
	_ =	swait.ge [sflag:s4], $0x0  }
0x19: {  	s7 =	sld [smem:$0x3F9E]  }
0x1a: {  	s8 =	sadd.s32 $0xFFFFE003, lr  }
0x1b: {  	s9 =	sadd.s32 $0xFFFFFEF7, lr;
	s5 =	simm.s32 $0xFFFFFFFF;
	p2 =	slt.u32 s8, $0xFFFFF086  }
0x1c: {  	p1 =	slt.u32 s9, $0xF7A;
	s5 =	simm.s32 @!p2 $0x0  }
0x1d: {  	s5 =	simm.s32 @p1 $0x1;
	p0 =	seq.s32 s7, s2  }
0x1e: {  	s7 =	smul.u32 @!p0 $0xF7A, s2;
	p2 =	seq.s32 @!p0 s5, $0x0  }
0x1f: {  	s9 =	smul.u32 $0xF7A, s1;
	s8 =	simm.s32 @!p0 $0x1BF5;
	p2 =	por !p2, p0  }
0x20: {  	[sflag:s8] =	ssyncset.s32 @!p0 $0xFFFFF086;
	s6 =	sadd.s32 @!p0 s3, s7;
	s7 =	simm.s32 @!p0 $0x108  }
0x21: {  	s3 =	sadd.s32 s3, s9;
	s6 =	sadd.s32 @!p0 $0x88, s6;
	s7 =	simm.s32 @p2 $0x1082  }
0x22: {  	[simem:s7], [sflag:s8] =	dma.local @!p0 [hbm:s6], $0xF7A  }
0x23: {  	s9 =	sor.u32 $0xD0000000, s2;
	s6 =	simm.s32 $0x108;
	_ =	swait.ge @!p0 [sflag:s8], $0x0  }
0x24: {  	s3 =	sadd.s32 $0x88, s3;
	s6 =	simm.s32 @!p1 $0x1082;
	[sflag:s4] =	ssyncset.s32 $0xFFFFF086  }
0x25: {  	[simem:s6], [sflag:s4] =	dma.local [hbm:s3], $0xF7A  }
0x26: {  	[smem:$0x3F9E] =	sst s1;
	(tag) =	ssettag s2;
	_ =	strace s9  }
0x27: {  	s1 =	sld [smem:$0x3FAE]  }
0x28: {  	s2 =	sld [smem:$0x3FAF]  }
0x29: {  	s4 =	sld [smem:$0x3FB1]  }
0x2a: {  	p0 =	seq.s32 s5, $0x0;
	s5 =	sld [smem:$0x3FB2]  }
0x2b: {  	s6 =	sld [smem:$0x3FB3]  }
0x2c: {  	s7 =	sld [smem:$0x3FB4]  }
0x2d: {  	s3 =	simm.s32 $0x108;
	s8 =	sld [smem:$0x3FB5]  }
0x2e: {  	s3 =	simm.s32 @!p0 $0x1082;
	s9 =	sld [smem:$0x3FB6]  }
0x2f: {  	lr =	sadd.s32 s0, s3;
	s0 =	sld [smem:$0x3FAD]  }
0x30: {  	s3 =	sld [smem:$0x3FB0]  }
0x31: {  	[smem:$0x3FB9] =	sst s10  }
0x32: {  	s10 =	sld [smem:$0x3FB7];
	_ =	sdelay $0x3  }
0x33: {  	p0 =	seq.s32 s10, $0x1;
	s10 =	sld [smem:$0x3FB9];
	_ =	sdelay $0x3  }
0x34: {  	[smem:$0x3FB9] =	sst s10  }
0x35: {  	s10 =	sld [smem:$0x3FB8];
	_ =	sdelay $0x3  }
0x36: {  	p1 =	seq.s32 s10, $0x1;
	s10 =	sld [smem:$0x3FB9];
	_ =	sdelay $0x3  }
0x37: {  	[smem:$0x3FB9] =	sst s10  }
0x38: {  	s10 =	sld [smem:$0x3FBA]  }
0x39: {  	_ = 	snop;
	(pc) =	sbr.ind lr, $3  }
0x3a: {  	_ = 	snop  }
0x3b: {  	_ = 	snop  }
0x3c: {  	p2 =	seq.s32 s10, $0x1;
	s10 =	sld [smem:$0x3FB9]  }
0x3d: {  	_ =	shalt  }
0x3e: {  	_ =	shalt  }
0x3f: {  	_ =	shalt  }
0x40: {  	_ =	shalt  }
0x41: {  	_ =	shalt  }
0x42: {  	_ =	shalt  }
0x43: {  	_ =	shalt  }
0x44: {  	_ =	shalt  }
0x45: {  	_ =	shalt  }
0x46: {  	_ =	shalt  }
0x47: {  	_ =	shalt  }
0x48: {  	_ =	shalt  }
0x49: {  	_ =	shalt  }
0x4a: {  	_ =	shalt  }
0x4b: {  	_ =	shalt  }
0x4c: {  	_ =	shalt  }
0x4d: {  	_ =	shalt  }
0x4e: {  	_ =	shalt  }
0x4f: {  	_ =	shalt  }
0x50: {  	_ =	shalt  }
0x51: {  	_ =	shalt  }
0x52: {  	_ =	shalt  }
0x53: {  	_ =	shalt  }
0x54: {  	_ =	shalt  }
0x55: {  	_ =	shalt  }
0x56: {  	_ =	shalt  }
0x57: {  	_ =	shalt  }
0x58: {  	_ =	shalt  }
0x59: {  	_ =	shalt  }
0x5a: {  	_ =	shalt  }
0x5b: {  	_ =	shalt  }
0x5c: {  	_ =	shalt  }
0x5d: {  	_ =	shalt  }
0x5e: {  	_ =	shalt  }
0x5f: {  	_ =	shalt  }
0x60: {  	_ =	shalt  }
0x61: {  	_ =	shalt  }
0x62: {  	_ =	shalt  }
0x63: {  	_ =	shalt  }
0x64: {  	_ =	shalt  }
0x65: {  	_ =	shalt  }
0x66: {  	_ =	shalt  }
0x67: {  	_ =	shalt  }
0x68: {  	_ =	shalt  }
0x69: {  	_ =	shalt  }
0x6a: {  	_ =	shalt  }
0x6b: {  	_ =	shalt  }
0x6c: {  	_ =	shalt  }
0x6d: {  	_ =	shalt  }
0x6e: {  	_ =	shalt  }
0x6f: {  	_ =	shalt  }
0x70: {  	_ =	shalt  }
0x71: {  	_ =	shalt  }
0x72: {  	_ =	shalt  }
0x73: {  	_ =	shalt  }
0x74: {  	_ =	shalt  }
0x75: {  	_ =	shalt  }
0x76: {  	_ =	shalt  }
0x77: {  	_ =	shalt  }
0x78: {  	_ =	shalt  }
0x79: {  	_ =	shalt  }
0x7a: {  	_ =	shalt  }
0x7b: {  	_ =	shalt  }
0x7c: {  	_ =	shalt  }
0x7d: {  	_ =	shalt  }
0x7e: {  	_ =	shalt  }
0x7f: {  	_ =	shalt  }
0x80: {  	_ =	shalt  }
0x81: {  	_ =	shalt  }
0x82: {  	_ =	shalt  }
0x83: {  	_ =	shalt  }
0x84: {  	_ =	shalt  }
0x85: {  	_ =	shalt  }
0x86: {  	_ =	shalt  }
0x87: {  	_ =	shalt  }
.Lfunc_end0:
.L_simem_size_0:
called_computation_lowered:
.L_overlay_start_0:
0x88: {  	s2 =	sld [smem:$0x3FD9]  }
0x89: {  	s3 =	sld [smem:$0x3FFE];
	_ =	sdelay $0x1  }
0x8a: {  	s1 =	srdreg.scid  }
0x8b: {  	s0 =	sand.u32 $0x1, s1  }
0x8c: {  	s17 =	sshll.u32 s0, $0xA;
	s2 =	sadd.s32 s3, s2  }
0x8d: {  	s2 =	sadd.s32 s2, s17  }
0x8e: {  	[smem:$0x3FC5] =	sst s2  }
0x8f: {  	_ = 	snop  }
0x90: {  	s2 =	sld [smem:$0x3FD0];
	(tm) =	ssettm $0x1  }
0x91: {  	s18 =	sld [smem:$0x3FFB];
	_ =	sdelay $0x3  }
0x92: {  	_ =	strace s18  }
0x93: {  	s3 =	sld [smem:$0x3FFC];
	_ =	sdelay $0x3  }
0x94: {  	_ =	strace s3  }
0x95: {  	s3 =	sld [smem:$0x3FFD];
	_ =	sdelay $0x3  }
0x96: {  	_ =	strace s3  }
0x97: {  	_ =	strace $0x8FFFFFFF  }
0x98: {  	s19 =	sld [smem:$0x3FDB];
	_ =	sdelay $0x1  }
0x99: {  	s4 =	simm.s32 $_scs_section_size  }
0x9a: {  	s5 =	simm.s32 $_size__tile_overlayer_lowered;
	s6 =	simm.s32 $_tile_overlayer_lowered  }
0x9b: {  	s22 =	simm.s32 $0x1BFF;
	s21 =	sshll.u32 s6, $0x1;
	s3 =	sadd.s32 s4, s19  }
0x9c: {  	s7 =	simm.s32 $0x0;
	s20 =	sshll.u32 s5, $0x1;
	s5 =	sadd.s32 s21, s3  }
0x9d: {  	[timem:s7], [sflag:s22] =	dma.local [hbm:s5], s20  }
0x9e: {  	_ =	swait.ge [sflag:s22], s20  }
0x9f: {  	s4 =	ssub.s32 $0x0, s20;
	[sflag:s22] =	ssyncset.done $0x0  }
0xa0: {  	[sflag:s22] =	ssyncadd.s32 s4;
	_ =	sdelay $0x1  }
0xa1: {  	s23 =	simm.s32 $0x1B8B  }
0xa2: {  	_ =	swait.ge [sflag:s23], $0x1  }
0xa3: {  	[sflag:s23] =	ssyncset.done $0x0  }
0xa4: {  	s25 =	simm.s32 $0x1B8E;
	s24 =	sld [smem:$0x3FFE];
	[sflag:s23] =	ssyncadd.s32 $0xFFFFFFFF  }
0xa5: {  	s26 =	simm.s32 $execute0_lowered;
	[smem:$0x3FD2] =	sst s25  }
0xa6: {  	s5 =	sshll.u32 s26, $0x1;
	_ =	strace $0x80000046;
	[dreg:$0x1] =	wrdreg $0xFFFFFFFF  }
0xa7: {  	s28 =	simm.s32 $_size_execute0_lowered;
	s3 =	sadd.s32 s3, s5;
	[dreg:$0x0] =	wrdreg $0x0  }
0xa8: {  	s5 =	sshll.u32 s28, $0x1;
	[dreg:$0x2] =	wrdreg s3  }
0xa9: {  	[dreg:$0x3] =	wrdreg s5  }
0xaa: {  	[dreg:$0x4] =	wrdreg $0xC0  }
0xab: {  	_ =	task [dreg:s7], $0x5FFFF  }
0xac: {  	[dreg:$0x1] =	wrdreg $0xFFFFFFFF  }
0xad: {  	[dreg:$0x0] =	wrdreg $0x60  }
0xae: {  	[dreg:$0x2] =	wrdreg s24  }
0xaf: {  	[dreg:$0x3] =	wrdreg s2  }
0xb0: {  	[dreg:$0x4] =	wrdreg $0x9  }
0xb1: {  	_ =	task.clear_ibuf [dreg:s7], $0x5FFFF;
	_ =	strace $0x90000046  }
0xb2: {  	s29 =	simm.s32 $0x9;
	_ =	strace $0x80000048  }
0xb3: {  	_ =	swait.ge [sflag:s29], $0x1  }
0xb4: {  	[sflag:s29] =	ssyncadd.s32 $0xFFFFFFFF  }
0xb5: {  	_ =	strace $0x90000048  }
0xb6: {  	_ =	sfence  }
0xb7: {  	s30 =	sld [smem:$0x0];
	_ =	sdelay $0x2  }
0xb8: {  	s31 =	sshll.u32 s1, $0xD;
	s1 =	sshrl.u32 s1, $0x2  }
0xb9: {  	s3 =	sand.u32 $0x4000, s31;
	s1 =	sadd.s32 s1, s30  }
0xba: {  	s0 =	sor.u32 s3, s0;
	s1 =	sshll.u32 s1, $0x11  }
0xbb: {  	s0 =	sor.u32 s1, s0  }
0xbc: {  	s0 =	sadd.s32 $0x8F2B, s0  }
0xbd: {  	[sflag:s0] =	ssyncadd.remote.s32 $0x1  }
0xbe: {  	_ =	sfence.sel $0xFFFF  }
0xbf: {  	[dreg:$0x0] =	wrdreg $0xFFFFFFFF;
	(pc) =	sbr.abs _section_cstart, $3  }
0xc0: {  	[dreg:$0x1] =	wrdreg $0xFFFFFFFF  }
0xc1: {  	_ =	task.clear_ibuf [dreg:s7], $0x2FFFF;
	_ =	strace $0x9FFFFFFF  }
0xc2: {  	(tm) =	ssettm $0x7FFFFFFF  }
0xc3: {  	_ =	shalt  }
tec
execute0_lowered:
.L_overlay_start_1:
0x0: {  	(tag) =	ssettag $0x1  }
0x1: {  	s0 =	rddreg [dreg:$0x0]  }
0x2: {  	s1 =	srdreg.scid;
	s3 =	stileid.u32  }
0x3: {  	s2 =	rddreg [dreg:$0x1];
	s13 =	simm.s32 $0x3400;
	s14 =	simm.s32 $0x4400  }
0x4: {  	s16 =	simm.s32 $0x5400;
	s18 =	simm.s32 $0x6400;
	s19 =	simm.s32 $0x1  }
0x5: {  	s20 =	simm.s32 $0x7400;
	s24 =	simm.s32 $0x2;
	s25 =	simm.s32 $0x8400  }
0x6: {  	s30 =	simm.s32 $0x3;
	s31 =	simm.s32 $0x9400;
	s15 =	simm.s32 $0xA000  }
0x7: {  	s17 =	simm.s32 $0x4;
	s10 =	simm.s32 $0xA800;
	s11 =	simm.s32 $0xAC00  }
0x8: {  	s12 =	simm.s32 $0xB000;
	s21 =	simm.s32 $0x5;
	s22 =	simm.s32 $0x0  }
0x9: {  	s1 =	sand.u32 $0x1, s1;
	s4 =	sshll.u32 s3, $0x1;
	s3 =	simm.s32 $0x0  }
0xa: {  	v0 =	vlaneseq.u32;
	s8 =	sadd.s32 $0x8000, s2;
	s5 =	sor.u32 s1, s4;
	s1 =	ssub.s32 $0x2, s1  }
0xb: {  	v1 =	vmul.u32 $0x20, v0;
	v3 =	vor.u32 $0x10, v0;
	v5 =	vor.u32 $0x20, v0;
	[smem:$0x7FF] =	sst s3;
	s4 =	smul.u32 $0x680, s5;
	s6 =	sshrl.u32 s1, $0x1  }
0xc: {  	s9 =	sadd.s32 $0xC000, s2;
	v7 =	vor.u32 $0x30, v0;
	v9 =	vor.u32 $0x40, v0;
	v11 =	vor.u32 $0x50, v0;
	_ =	strace $0x80000047;
	s28 =	ssub.s32 s1, s6  }
0xd: {  	v13 =	vor.u32 $0x60, v0;
	v15 =	vor.u32 $0x70, v0;
	v2 =	vor.u32 $0x200, v1;
	s7 =	sadd.s32 s4, s0;
	s4 =	sadd.s32 $0xD400, s0;
	s0 =	smax.u32 s28, $0x1  }
0xe: {  	v4 =	vor.u32 $0x400, v1;
	v6 =	vor.u32 $0x600, v1;
	v8 =	vor.u32 $0x800, v1;
	s6 =	smul.u32 $0x68, s5;
	s29 =	sadd.s32 $0x400, s7;
	[dreg:$0x4] =	wrdreg s0  }
0xf: {  	v10 =	vor.u32 $0xA00, v1;
	v12 =	vor.u32 $0xC00, v1;
	v14 =	vor.u32 $0xE00, v1;
	s5 =	simm.s32 $0xA400;
	s7 =	sadd.s32 $0x4000, s2;
	[dreg:$0x3] =	wrdreg s29  }
.LBB2_1:
0x10: {  	[dreg:$0x5] =	wrdreg s22  }
0x11: {  	s1 =	rddreg [dreg:$0x3];
	s23 =	simm.s32 $0x9  }
0x12: {  	[tilespmem:s3], [sflag:$0x9] =	stream.linear.gather [hbm4b:s1+s3], $0x3400, $0x38;
	[tilespmem:$0xB400] =	vst v63  }
0x13: {  	_ =	swait.ge [sflag:s23], $0x3400  }
0x14: {  	[sflag:s23] =	ssyncset.done $0x0  }
0x15: {  	s26 =	simm.s32 $0x80;
	[sflag:s23] =	ssyncadd.s32 $0xFFFFCC00  }
0x16: {  	[tilespmem:s13], [sflag:$0x1] =	stream.indirect.gather [hbm4b:s4+s26], $0x20, s3, s26, $0xb8;
	[tilespmem:$0xB400] =	vst v63  }
0x17: {  	_ = 	snop  }
0x18: {  	[tilespmem:s14], [sflag:$0x2] =	stream.indirect.gather [hbm4b:s4+s26], $0x20, s26, s26, $0xb8;
	[tilespmem:$0xB400] =	vst v63  }
0x19: {  	s28 =	simm.s32 $0x100  }
0x1a: {  	[tilespmem:s16], [sflag:$0x3] =	stream.indirect.gather [hbm4b:s4+s26], $0x20, s28, s26, $0xb8;
	[tilespmem:$0xB400] =	vst v63  }
0x1b: {  	s29 =	simm.s32 $0x180;
	s22 =	simm.s32 $0x0  }
0x1c: {  	[tilespmem:s18], [sflag:$0x4] =	stream.indirect.gather [hbm4b:s4+s26], $0x20, s29, s26, $0xb8;
	[tilespmem:$0xB400] =	vst v63  }
.LBB2_2:
0x1d: {  	s23 =	simm.s32 $0x0  }
0x1e: {  	v16 =	vadd.s32 s23, v0  }
0x1f: {  	v17 =	vand.u32 $0x1F, v16  }
0x20: {  	v18 =	vor.u32 v1, v17;
	_ =	sdelay $0x1  }
0x21: {  	_ =	swait.ge [sflag:s19], $0x1000  }
0x22: {  	[sflag:s19] =	ssyncset.done $0x0;
	v16 =	vshll.u32 v16, $0x7  }
0x23: {  	[sflag:s19] =	ssyncadd.s32 $0xFFFFF000;
	v16 =	vand.u32 $0xF80, v16  }
0x24: {  	v19 =	vor.u32 v0, v16;
	v18 =	vld.idx.msk [tilespmem:v18+s13+$0x0], $0xffff  }
0x25: {  	v20 =	vor.u32 v2, v17;
	_ =	sdelay $0x3  }
0x26: {  	[tilespmem:v19+s20+$0x0] =	vst.idx.msk $0xffff, v18  }
0x27: {  	v19 =	vor.u32 v3, v16;
	v18 =	vld.idx.msk [tilespmem:v20+s13+$0x0], $0xffff  }
0x28: {  	v20 =	vor.u32 v4, v17;
	_ =	sdelay $0x3  }
0x29: {  	[tilespmem:v19+s20+$0x0] =	vst.idx.msk $0xffff, v18  }
0x2a: {  	v19 =	vor.u32 v5, v16;
	v18 =	vld.idx.msk [tilespmem:v20+s13+$0x0], $0xffff  }
0x2b: {  	v20 =	vor.u32 v6, v17;
	_ =	sdelay $0x3  }
0x2c: {  	[tilespmem:v19+s20+$0x0] =	vst.idx.msk $0xffff, v18  }
0x2d: {  	v19 =	vor.u32 v7, v16;
	v18 =	vld.idx.msk [tilespmem:v20+s13+$0x0], $0xffff  }
0x2e: {  	v20 =	vor.u32 v8, v17;
	_ =	sdelay $0x3  }
0x2f: {  	[tilespmem:v19+s20+$0x0] =	vst.idx.msk $0xffff, v18  }
0x30: {  	v19 =	vor.u32 v9, v16;
	v18 =	vld.idx.msk [tilespmem:v20+s13+$0x0], $0xffff  }
0x31: {  	v20 =	vor.u32 v10, v17;
	_ =	sdelay $0x3  }
0x32: {  	[tilespmem:v19+s20+$0x0] =	vst.idx.msk $0xffff, v18  }
0x33: {  	v19 =	vor.u32 v11, v16;
	v18 =	vld.idx.msk [tilespmem:v20+s13+$0x0], $0xffff  }
0x34: {  	v20 =	vor.u32 v12, v17;
	_ =	sdelay $0x3  }
0x35: {  	[tilespmem:v19+s20+$0x0] =	vst.idx.msk $0xffff, v18  }
0x36: {  	v19 =	vor.u32 v13, v16;
	v18 =	vld.idx.msk [tilespmem:v20+s13+$0x0], $0xffff  }
0x37: {  	v20 =	vor.u32 v14, v17;
	_ =	sdelay $0x3  }
0x38: {  	s29 =	simm.s32 $0x1;
	[tilespmem:v19+s20+$0x0] =	vst.idx.msk $0xffff, v18  }
0x39: {  	s23 =	simm.s32 $0x2;
	v17 =	vadd.s32 s29, v0;
	v18 =	vld.idx.msk [tilespmem:v20+s13+$0x0], $0xffff  }
.LBB2_3:
0x3a: {  	p0 =	sne.s32 s23, $0x1F;
	v19 =	vand.u32 $0x1F, v17;
	v16 =	vor.u32 v15, v16  }
0x3b: {  	v20 =	vor.u32 v1, v19;
	_ =	sdelay $0x3  }
0x3c: {  	v17 =	vshll.u32 v17, $0x7;
	[tilespmem:v16+s20+$0x0] =	vst.idx.msk $0xffff, v18  }
0x3d: {  	v16 =	vand.u32 $0xF80, v17;
	v17 =	vld.idx.msk [tilespmem:v20+s13+$0x0], $0xffff  }
0x3e: {  	v18 =	vor.u32 v0, v16  }
0x3f: {  	v20 =	vor.u32 v2, v19;
	_ =	sdelay $0x3  }
0x40: {  	[tilespmem:v18+s20+$0x0] =	vst.idx.msk $0xffff, v17  }
0x41: {  	v17 =	vld.idx.msk [tilespmem:v20+s13+$0x0], $0xffff  }
0x42: {  	v18 =	vor.u32 v3, v16  }
0x43: {  	v20 =	vor.u32 v4, v19;
	_ =	sdelay $0x3  }
0x44: {  	[tilespmem:v18+s20+$0x0] =	vst.idx.msk $0xffff, v17  }
0x45: {  	v17 =	vld.idx.msk [tilespmem:v20+s13+$0x0], $0xffff  }
0x46: {  	v18 =	vor.u32 v5, v16  }
0x47: {  	v20 =	vor.u32 v6, v19;
	_ =	sdelay $0x3  }
0x48: {  	[tilespmem:v18+s20+$0x0] =	vst.idx.msk $0xffff, v17  }
0x49: {  	v17 =	vld.idx.msk [tilespmem:v20+s13+$0x0], $0xffff  }
0x4a: {  	v18 =	vor.u32 v7, v16  }
0x4b: {  	v20 =	vor.u32 v8, v19;
	_ =	sdelay $0x3  }
0x4c: {  	[tilespmem:v18+s20+$0x0] =	vst.idx.msk $0xffff, v17  }
0x4d: {  	v17 =	vld.idx.msk [tilespmem:v20+s13+$0x0], $0xffff  }
0x4e: {  	v18 =	vor.u32 v9, v16  }
0x4f: {  	v20 =	vor.u32 v10, v19;
	_ =	sdelay $0x3  }
0x50: {  	[tilespmem:v18+s20+$0x0] =	vst.idx.msk $0xffff, v17  }
0x51: {  	v17 =	vld.idx.msk [tilespmem:v20+s13+$0x0], $0xffff  }
0x52: {  	v18 =	vor.u32 v11, v16  }
0x53: {  	v20 =	vor.u32 v12, v19;
	_ =	sdelay $0x3  }
0x54: {  	[tilespmem:v18+s20+$0x0] =	vst.idx.msk $0xffff, v17  }
0x55: {  	v17 =	vld.idx.msk [tilespmem:v20+s13+$0x0], $0xffff  }
0x56: {  	v18 =	vor.u32 v13, v16  }
0x57: {  	v19 =	vor.u32 v14, v19  }
.Ltmp0:
0x58: {  	(pc) =	sbr.rel @p0 .LBB2_3-.Ltmp0, $3  }
0x59: {  	_ =	sdelay $0x1  }
0x5a: {  	[tilespmem:v18+s20+$0x0] =	vst.idx.msk $0xffff, v17  }
0x5b: {  	v17 =	vadd.s32 s23, v0;
	s23 =	sadd.s32 $0x1, s23;
	v18 =	vld.idx.msk [tilespmem:v19+s13+$0x0], $0xffff  }
0x5c: {  	v19 =	vand.u32 $0x1F, v17;
	v16 =	vor.u32 v15, v16  }
0x5d: {  	v20 =	vor.u32 v1, v19;
	_ =	sdelay $0x2  }
0x5e: {  	v17 =	vshll.u32 v17, $0x7  }
0x5f: {  	[tilespmem:v16+s20+$0x0] =	vst.idx.msk $0xffff, v18;
	v16 =	vand.u32 $0xF80, v17  }
0x60: {  	v17 =	vld.idx.msk [tilespmem:v20+s13+$0x0], $0xffff;
	v51 =	vor.u32 v0, v16  }
0x61: {  	v52 =	vor.u32 v2, v19;
	_ =	sdelay $0x3  }
0x62: {  	[tilespmem:v51+s20+$0x0] =	vst.idx.msk $0xffff, v17  }
0x63: {  	v53 =	vor.u32 v3, v16;
	v17 =	vld.idx.msk [tilespmem:v52+s13+$0x0], $0xffff  }
0x64: {  	v54 =	vor.u32 v4, v19;
	_ =	sdelay $0x3  }
0x65: {  	[tilespmem:v53+s20+$0x0] =	vst.idx.msk $0xffff, v17  }
0x66: {  	v55 =	vor.u32 v5, v16;
	v17 =	vld.idx.msk [tilespmem:v54+s13+$0x0], $0xffff  }
0x67: {  	v56 =	vor.u32 v6, v19;
	_ =	sdelay $0x3  }
0x68: {  	[tilespmem:v55+s20+$0x0] =	vst.idx.msk $0xffff, v17  }
0x69: {  	v57 =	vor.u32 v7, v16;
	v17 =	vld.idx.msk [tilespmem:v56+s13+$0x0], $0xffff  }
0x6a: {  	v58 =	vor.u32 v8, v19;
	_ =	sdelay $0x3  }
0x6b: {  	[tilespmem:v57+s20+$0x0] =	vst.idx.msk $0xffff, v17  }
0x6c: {  	v59 =	vor.u32 v9, v16;
	v17 =	vld.idx.msk [tilespmem:v58+s13+$0x0], $0xffff  }
0x6d: {  	v60 =	vor.u32 v10, v19;
	_ =	sdelay $0x3  }
0x6e: {  	[tilespmem:v59+s20+$0x0] =	vst.idx.msk $0xffff, v17  }
0x6f: {  	v61 =	vor.u32 v11, v16;
	v17 =	vld.idx.msk [tilespmem:v60+s13+$0x0], $0xffff  }
0x70: {  	v62 =	vor.u32 v12, v19;
	_ =	sdelay $0x3  }
0x71: {  	[tilespmem:v61+s20+$0x0] =	vst.idx.msk $0xffff, v17  }
0x72: {  	v63 =	vor.u32 v13, v16;
	v17 =	vld.idx.msk [tilespmem:v62+s13+$0x0], $0xffff  }
0x73: {  	v19 =	vor.u32 v14, v19;
	_ =	sdelay $0x3  }
0x74: {  	p0 =	seq.s32 s22, $0x19;
	[tilespmem:v63+s20+$0x0] =	vst.idx.msk $0xffff, v17  }
0x75: {  	p1 =	seq.s32 @!p0 s22, $0x0;
	v16 =	vor.u32 v15, v16;
	v17 =	vld.idx.msk [tilespmem:v19+s13+$0x0], $0xffff  }
0x76: {  	p1 =	por p0, !p1  }
.Ltmp1:
0x77: {  	_ = 	snop;
	(pc) =	sbr.rel @!p1 .LBB2_5-.Ltmp1, $4  }
0x78: {  	s23 =	sshll.u32 @!p0 s22, $0x9  }
0x79: {  	s23 =	sand.u32 @!p0 $0x3FFFFE00, s23  }
0x7a: {  	s28 =	simm.s32 @!p0 $0x80;
	s29 =	simm.s32 @!p0 $0x3400;
	s26 =	sadd.s32 @!p0 $0x200, s23;
	[tilespmem:v16+s20+$0x0] =	vst.idx.msk $0xffff, v17  }
0x7b: {  	[tilespmem:s29], [sflag:$0x1] =	stream.indirect.gather @!p0 [hbm4b:s4+s28], $0x20, s26, s28, $0xb8;
	[tilespmem:$0xB400] =	vst v63  }
0x7c: {  	_ =	swait.ge [sflag:s21], $0x400  }
0x7d: {  	[sflag:s21] =	ssyncset.done $0x0  }
0x7e: {  	[sflag:s21] =	ssyncadd.s32 $0xFFFFFC00  }
0x7f: {  	_ =	swait.ge [sflag:s21], $0x400  }
0x80: {  	[sflag:s21] =	ssyncset.done $0x0  }
0x81: {  	[sflag:s21] =	ssyncadd.s32 $0xFFFFFC00  }
0x82: {  	_ =	swait.ge [sflag:s21], $0x400  }
.Ltmp2:
0x83: {  	[sflag:s21] =	ssyncset.done $0x0;
	(pc) =	sbr.rel .LBB2_7-.Ltmp2, $4  }
0x84: {  	[sflag:s21] =	ssyncadd.s32 $0xFFFFFC00  }
0x85: {  	_ =	swait.ge [sflag:s21], $0x400  }
0x86: {  	[sflag:s21] =	ssyncset.done $0x0  }
0x87: {  	p1 =	por $0x0, $0x0;
	[sflag:s21] =	ssyncadd.s32 $0xFFFFFC00  }
.LBB2_5:
0x88: {  	p1 =	por @!p0 $0x1, $0x1  }
.LBB2_7:
0x89: {  	s26 =	sshll.u32 s22, $0x2  }
0x8a: {  	s28 =	sadd.s32 s6, s26  }
0x8b: {  	s29 =	sshll.u32 s28, $0x9;
	s28 =	sshll.u32 s28, $0x7  }
0x8c: {  	s29 =	sand.u32 $0xFFF0000, s29;
	s28 =	sand.u32 $0x3E00, s28  }
0x8d: {  	s28 =	sor.u32 s28, s29  }
0x8e: {  	s1 =	simm.s32 $0x0;
	s29 =	sadd.s32 s2, s28  }
0x8f: {  	[hbm4b:s29+s1] =	stream.linear.scatter [tilespmem:s20], [sflag:$0x5], $0x400, $0x38;
	[tilespmem:$0xB400] =	vst v63  }
0x90: {  	s0 =	simm.s32 $0x7800;
	s29 =	sadd.s32 s28, s7  }
0x91: {  	[hbm4b:s29+s1] =	stream.linear.scatter [tilespmem:s0], [sflag:$0x5], $0x400, $0x38;
	[tilespmem:$0xB400] =	vst v63  }
0x92: {  	v16 =	vadd.s32 s1, v0;
	s29 =	sadd.s32 s28, s8;
	s0 =	simm.s32 $0x7C00  }
0x93: {  	v17 =	vand.u32 $0x1F, v16;
	[hbm4b:s29+s1] =	stream.linear.scatter [tilespmem:s0], [sflag:$0x5], $0x400, $0x38;
	[tilespmem:$0xB400] =	vst v63  }
0x94: {  	v18 =	vor.u32 v1, v17;
	s28 =	sadd.s32 s28, s9;
	s29 =	simm.s32 $0x8000  }
0x95: {  	[hbm4b:s28+s1] =	stream.linear.scatter [tilespmem:s29], [sflag:$0x5], $0x400, $0x38;
	[tilespmem:$0xB400] =	vst v63  }
0x96: {  	_ =	swait.ge [sflag:s24], $0x1000  }
0x97: {  	v16 =	vshll.u32 v16, $0x7;
	[sflag:s24] =	ssyncset.done $0x0  }
0x98: {  	v16 =	vand.u32 $0xF80, v16;
	[sflag:s24] =	ssyncadd.s32 $0xFFFFF000  }
0x99: {  	v19 =	vor.u32 v0, v16;
	v18 =	vld.idx.msk [tilespmem:v18+s14+$0x0], $0xffff  }
0x9a: {  	v20 =	vor.u32 v2, v17;
	_ =	sdelay $0x3  }
0x9b: {  	[tilespmem:v19+s25+$0x0] =	vst.idx.msk $0xffff, v18  }
0x9c: {  	v19 =	vor.u32 v3, v16;
	v18 =	vld.idx.msk [tilespmem:v20+s14+$0x0], $0xffff  }
0x9d: {  	v20 =	vor.u32 v4, v17;
	_ =	sdelay $0x3  }
0x9e: {  	[tilespmem:v19+s25+$0x0] =	vst.idx.msk $0xffff, v18  }
0x9f: {  	v19 =	vor.u32 v5, v16;
	v18 =	vld.idx.msk [tilespmem:v20+s14+$0x0], $0xffff  }
0xa0: {  	v20 =	vor.u32 v6, v17;
	_ =	sdelay $0x3  }
0xa1: {  	[tilespmem:v19+s25+$0x0] =	vst.idx.msk $0xffff, v18  }
0xa2: {  	v19 =	vor.u32 v7, v16;
	v18 =	vld.idx.msk [tilespmem:v20+s14+$0x0], $0xffff  }
0xa3: {  	v20 =	vor.u32 v8, v17;
	_ =	sdelay $0x3  }
0xa4: {  	[tilespmem:v19+s25+$0x0] =	vst.idx.msk $0xffff, v18  }
0xa5: {  	v19 =	vor.u32 v9, v16;
	v18 =	vld.idx.msk [tilespmem:v20+s14+$0x0], $0xffff  }
0xa6: {  	v20 =	vor.u32 v10, v17;
	_ =	sdelay $0x3  }
0xa7: {  	[tilespmem:v19+s25+$0x0] =	vst.idx.msk $0xffff, v18  }
0xa8: {  	v19 =	vor.u32 v11, v16;
	v18 =	vld.idx.msk [tilespmem:v20+s14+$0x0], $0xffff  }
0xa9: {  	v20 =	vor.u32 v12, v17;
	_ =	sdelay $0x3  }
0xaa: {  	[tilespmem:v19+s25+$0x0] =	vst.idx.msk $0xffff, v18  }
0xab: {  	v19 =	vor.u32 v13, v16;
	v18 =	vld.idx.msk [tilespmem:v20+s14+$0x0], $0xffff  }
0xac: {  	v20 =	vor.u32 v14, v17;
	_ =	sdelay $0x3  }
0xad: {  	s29 =	simm.s32 $0x1;
	[tilespmem:v19+s25+$0x0] =	vst.idx.msk $0xffff, v18  }
0xae: {  	s28 =	simm.s32 $0x2;
	v17 =	vadd.s32 s29, v0;
	v18 =	vld.idx.msk [tilespmem:v20+s14+$0x0], $0xffff  }
.LBB2_8:
0xaf: {  	p2 =	sne.s32 s28, $0x1F;
	v19 =	vand.u32 $0x1F, v17;
	v16 =	vor.u32 v15, v16  }
0xb0: {  	v20 =	vor.u32 v1, v19;
	_ =	sdelay $0x3  }
0xb1: {  	v17 =	vshll.u32 v17, $0x7;
	[tilespmem:v16+s25+$0x0] =	vst.idx.msk $0xffff, v18  }
0xb2: {  	v16 =	vand.u32 $0xF80, v17;
	v17 =	vld.idx.msk [tilespmem:v20+s14+$0x0], $0xffff  }
0xb3: {  	v18 =	vor.u32 v0, v16  }
0xb4: {  	v20 =	vor.u32 v2, v19;
	_ =	sdelay $0x3  }
0xb5: {  	[tilespmem:v18+s25+$0x0] =	vst.idx.msk $0xffff, v17  }
0xb6: {  	v17 =	vld.idx.msk [tilespmem:v20+s14+$0x0], $0xffff  }
0xb7: {  	v18 =	vor.u32 v3, v16  }
0xb8: {  	v20 =	vor.u32 v4, v19;
	_ =	sdelay $0x3  }
0xb9: {  	[tilespmem:v18+s25+$0x0] =	vst.idx.msk $0xffff, v17  }
0xba: {  	v17 =	vld.idx.msk [tilespmem:v20+s14+$0x0], $0xffff  }
0xbb: {  	v18 =	vor.u32 v5, v16  }
0xbc: {  	v20 =	vor.u32 v6, v19;
	_ =	sdelay $0x3  }
0xbd: {  	[tilespmem:v18+s25+$0x0] =	vst.idx.msk $0xffff, v17  }
0xbe: {  	v17 =	vld.idx.msk [tilespmem:v20+s14+$0x0], $0xffff  }
0xbf: {  	v18 =	vor.u32 v7, v16  }
0xc0: {  	v20 =	vor.u32 v8, v19;
	_ =	sdelay $0x3  }
0xc1: {  	[tilespmem:v18+s25+$0x0] =	vst.idx.msk $0xffff, v17  }
0xc2: {  	v17 =	vld.idx.msk [tilespmem:v20+s14+$0x0], $0xffff  }
0xc3: {  	v18 =	vor.u32 v9, v16  }
0xc4: {  	v20 =	vor.u32 v10, v19;
	_ =	sdelay $0x3  }
0xc5: {  	[tilespmem:v18+s25+$0x0] =	vst.idx.msk $0xffff, v17  }
0xc6: {  	v17 =	vld.idx.msk [tilespmem:v20+s14+$0x0], $0xffff  }
0xc7: {  	v18 =	vor.u32 v11, v16  }
0xc8: {  	v20 =	vor.u32 v12, v19;
	_ =	sdelay $0x3  }
0xc9: {  	[tilespmem:v18+s25+$0x0] =	vst.idx.msk $0xffff, v17  }
0xca: {  	v17 =	vld.idx.msk [tilespmem:v20+s14+$0x0], $0xffff  }
0xcb: {  	v18 =	vor.u32 v13, v16  }
0xcc: {  	v19 =	vor.u32 v14, v19  }
.Ltmp3:
0xcd: {  	(pc) =	sbr.rel @p2 .LBB2_8-.Ltmp3, $3  }
0xce: {  	_ =	sdelay $0x1  }
0xcf: {  	[tilespmem:v18+s25+$0x0] =	vst.idx.msk $0xffff, v17  }
0xd0: {  	v17 =	vadd.s32 s28, v0;
	s28 =	sadd.s32 $0x1, s28;
	v18 =	vld.idx.msk [tilespmem:v19+s14+$0x0], $0xffff  }
0xd1: {  	v19 =	vand.u32 $0x1F, v17;
	v16 =	vor.u32 v15, v16  }
0xd2: {  	v20 =	vor.u32 v1, v19;
	_ =	sdelay $0x2  }
0xd3: {  	v17 =	vshll.u32 v17, $0x7  }
0xd4: {  	[tilespmem:v16+s25+$0x0] =	vst.idx.msk $0xffff, v18;
	v16 =	vand.u32 $0xF80, v17  }
0xd5: {  	v17 =	vld.idx.msk [tilespmem:v20+s14+$0x0], $0xffff;
	v18 =	vor.u32 v0, v16  }
0xd6: {  	v20 =	vor.u32 v2, v19;
	_ =	sdelay $0x3  }
0xd7: {  	[tilespmem:v18+s25+$0x0] =	vst.idx.msk $0xffff, v17  }
0xd8: {  	v18 =	vor.u32 v3, v16;
	v17 =	vld.idx.msk [tilespmem:v20+s14+$0x0], $0xffff  }
0xd9: {  	v20 =	vor.u32 v4, v19;
	_ =	sdelay $0x3  }
0xda: {  	[tilespmem:v18+s25+$0x0] =	vst.idx.msk $0xffff, v17  }
0xdb: {  	v18 =	vor.u32 v5, v16;
	v17 =	vld.idx.msk [tilespmem:v20+s14+$0x0], $0xffff  }
0xdc: {  	v20 =	vor.u32 v6, v19;
	_ =	sdelay $0x3  }
0xdd: {  	[tilespmem:v18+s25+$0x0] =	vst.idx.msk $0xffff, v17  }
0xde: {  	v18 =	vor.u32 v7, v16;
	v17 =	vld.idx.msk [tilespmem:v20+s14+$0x0], $0xffff  }
0xdf: {  	v20 =	vor.u32 v8, v19;
	_ =	sdelay $0x3  }
0xe0: {  	[tilespmem:v18+s25+$0x0] =	vst.idx.msk $0xffff, v17  }
0xe1: {  	v18 =	vor.u32 v9, v16;
	v17 =	vld.idx.msk [tilespmem:v20+s14+$0x0], $0xffff  }
0xe2: {  	v20 =	vor.u32 v10, v19;
	_ =	sdelay $0x3  }
0xe3: {  	[tilespmem:v18+s25+$0x0] =	vst.idx.msk $0xffff, v17  }
0xe4: {  	v18 =	vor.u32 v11, v16;
	v17 =	vld.idx.msk [tilespmem:v20+s14+$0x0], $0xffff  }
0xe5: {  	v20 =	vor.u32 v12, v19;
	_ =	sdelay $0x3  }
0xe6: {  	[tilespmem:v18+s25+$0x0] =	vst.idx.msk $0xffff, v17  }
0xe7: {  	v18 =	vor.u32 v13, v16;
	v17 =	vld.idx.msk [tilespmem:v20+s14+$0x0], $0xffff  }
0xe8: {  	v19 =	vor.u32 v14, v19;
	_ =	sdelay $0x3  }
0xe9: {  	[tilespmem:v18+s25+$0x0] =	vst.idx.msk $0xffff, v17  }
0xea: {  	v16 =	vor.u32 v15, v16;
	v17 =	vld.idx.msk [tilespmem:v19+s14+$0x0], $0xffff;
	_ =	sdelay $0x4  }
0xeb: {  	s1 =	sadd.s32 @!p0 $0x280, s23;
	s28 =	simm.s32 @!p0 $0x80;
	s29 =	simm.s32 @!p0 $0x4400;
	[tilespmem:v16+s25+$0x0] =	vst.idx.msk $0xffff, v17  }
0xec: {  	[tilespmem:s29], [sflag:$0x2] =	stream.indirect.gather @!p0 [hbm4b:s4+s28], $0x20, s1, s28, $0xb8;
	[tilespmem:$0xB400] =	vst v63  }
0xed: {  	s1 =	simm.s32 @!p1 $0x6  }
0xee: {  	_ =	swait.ge @!p1 [sflag:s1], $0x400  }
0xef: {  	[sflag:s1] =	ssyncset.done @!p1 $0x0  }
0xf0: {  	[sflag:s1] =	ssyncadd.s32 @!p1 $0xFFFFFC00  }
0xf1: {  	_ =	swait.ge @!p1 [sflag:s1], $0x400  }
0xf2: {  	[sflag:s1] =	ssyncset.done @!p1 $0x0  }
0xf3: {  	[sflag:s1] =	ssyncadd.s32 @!p1 $0xFFFFFC00  }
0xf4: {  	s28 =	sor.u32 $0x1, s26;
	_ =	swait.ge @!p1 [sflag:s1], $0x400  }
0xf5: {  	s28 =	sadd.s32 s6, s28;
	[sflag:s1] =	ssyncset.done @!p1 $0x0  }
0xf6: {  	s0 =	sshll.u32 s28, $0x9;
	s28 =	sshll.u32 s28, $0x7;
	[sflag:s1] =	ssyncadd.s32 @!p1 $0xFFFFFC00  }
0xf7: {  	s29 =	sand.u32 $0xFFF0000, s0;
	s28 =	sand.u32 $0x3E80, s28;
	_ =	swait.ge @!p1 [sflag:s1], $0x400  }
0xf8: {  	s28 =	sor.u32 s28, s29;
	[sflag:s1] =	ssyncset.done @!p1 $0x0  }
0xf9: {  	s29 =	simm.s32 $0x0;
	s0 =	sadd.s32 s2, s28;
	[sflag:s1] =	ssyncadd.s32 @!p1 $0xFFFFFC00  }
0xfa: {  	[hbm4b:s0+s29] =	stream.linear.scatter [tilespmem:s25], [sflag:$0x6], $0x400, $0x38;
	[tilespmem:$0xB400] =	vst v63  }
0xfb: {  	s1 =	sadd.s32 s28, s7;
	s0 =	simm.s32 $0x8800  }
0xfc: {  	[hbm4b:s1+s29] =	stream.linear.scatter [tilespmem:s0], [sflag:$0x6], $0x400, $0x38;
	[tilespmem:$0xB400] =	vst v63  }
0xfd: {  	v16 =	vadd.s32 s29, v0;
	s1 =	sadd.s32 s28, s8;
	s0 =	simm.s32 $0x8C00  }
0xfe: {  	v17 =	vand.u32 $0x1F, v16;
	[hbm4b:s1+s29] =	stream.linear.scatter [tilespmem:s0], [sflag:$0x6], $0x400, $0x38;
	[tilespmem:$0xB400] =	vst v63  }
0xff: {  	v18 =	vor.u32 v1, v17;
	s1 =	sadd.s32 s28, s9;
	s0 =	simm.s32 $0x9000  }
0x100: {  	[hbm4b:s1+s29] =	stream.linear.scatter [tilespmem:s0], [sflag:$0x6], $0x400, $0x38;
	[tilespmem:$0xB400] =	vst v63  }
0x101: {  	_ =	swait.ge [sflag:s30], $0x1000  }
0x102: {  	v16 =	vshll.u32 v16, $0x7;
	[sflag:s30] =	ssyncset.done $0x0  }
0x103: {  	v16 =	vand.u32 $0xF80, v16;
	[sflag:s30] =	ssyncadd.s32 $0xFFFFF000  }
0x104: {  	v19 =	vor.u32 v0, v16;
	v18 =	vld.idx.msk [tilespmem:v18+s16+$0x0], $0xffff  }
0x105: {  	v20 =	vor.u32 v2, v17;
	_ =	sdelay $0x3  }
0x106: {  	[tilespmem:v19+s31+$0x0] =	vst.idx.msk $0xffff, v18  }
0x107: {  	v19 =	vor.u32 v3, v16;
	v18 =	vld.idx.msk [tilespmem:v20+s16+$0x0], $0xffff  }
0x108: {  	v20 =	vor.u32 v4, v17;
	_ =	sdelay $0x3  }
0x109: {  	[tilespmem:v19+s31+$0x0] =	vst.idx.msk $0xffff, v18  }
0x10a: {  	v19 =	vor.u32 v5, v16;
	v18 =	vld.idx.msk [tilespmem:v20+s16+$0x0], $0xffff  }
0x10b: {  	v20 =	vor.u32 v6, v17;
	_ =	sdelay $0x3  }
0x10c: {  	[tilespmem:v19+s31+$0x0] =	vst.idx.msk $0xffff, v18  }
0x10d: {  	v19 =	vor.u32 v7, v16;
	v18 =	vld.idx.msk [tilespmem:v20+s16+$0x0], $0xffff  }
0x10e: {  	v20 =	vor.u32 v8, v17;
	_ =	sdelay $0x3  }
0x10f: {  	[tilespmem:v19+s31+$0x0] =	vst.idx.msk $0xffff, v18  }
0x110: {  	v19 =	vor.u32 v9, v16;
	v18 =	vld.idx.msk [tilespmem:v20+s16+$0x0], $0xffff  }
0x111: {  	v20 =	vor.u32 v10, v17;
	_ =	sdelay $0x3  }
0x112: {  	[tilespmem:v19+s31+$0x0] =	vst.idx.msk $0xffff, v18  }
0x113: {  	v19 =	vor.u32 v11, v16;
	v18 =	vld.idx.msk [tilespmem:v20+s16+$0x0], $0xffff  }
0x114: {  	v20 =	vor.u32 v12, v17;
	_ =	sdelay $0x3  }
0x115: {  	[tilespmem:v19+s31+$0x0] =	vst.idx.msk $0xffff, v18  }
0x116: {  	v19 =	vor.u32 v13, v16;
	v18 =	vld.idx.msk [tilespmem:v20+s16+$0x0], $0xffff  }
0x117: {  	v20 =	vor.u32 v14, v17;
	_ =	sdelay $0x3  }
0x118: {  	s29 =	simm.s32 $0x1;
	[tilespmem:v19+s31+$0x0] =	vst.idx.msk $0xffff, v18  }
0x119: {  	s28 =	simm.s32 $0x2;
	v17 =	vadd.s32 s29, v0;
	v18 =	vld.idx.msk [tilespmem:v20+s16+$0x0], $0xffff  }
.LBB2_10:
0x11a: {  	p2 =	sne.s32 s28, $0x1F;
	v19 =	vand.u32 $0x1F, v17;
	v16 =	vor.u32 v15, v16  }
0x11b: {  	v20 =	vor.u32 v1, v19;
	_ =	sdelay $0x3  }
0x11c: {  	v17 =	vshll.u32 v17, $0x7;
	[tilespmem:v16+s31+$0x0] =	vst.idx.msk $0xffff, v18  }
0x11d: {  	v16 =	vand.u32 $0xF80, v17;
	v17 =	vld.idx.msk [tilespmem:v20+s16+$0x0], $0xffff  }
0x11e: {  	v18 =	vor.u32 v0, v16  }
0x11f: {  	v20 =	vor.u32 v2, v19;
	_ =	sdelay $0x3  }
0x120: {  	[tilespmem:v18+s31+$0x0] =	vst.idx.msk $0xffff, v17  }
0x121: {  	v17 =	vld.idx.msk [tilespmem:v20+s16+$0x0], $0xffff  }
0x122: {  	v18 =	vor.u32 v3, v16  }
0x123: {  	v20 =	vor.u32 v4, v19;
	_ =	sdelay $0x3  }
0x124: {  	[tilespmem:v18+s31+$0x0] =	vst.idx.msk $0xffff, v17  }
0x125: {  	v17 =	vld.idx.msk [tilespmem:v20+s16+$0x0], $0xffff  }
0x126: {  	v18 =	vor.u32 v5, v16  }
0x127: {  	v20 =	vor.u32 v6, v19;
	_ =	sdelay $0x3  }
0x128: {  	[tilespmem:v18+s31+$0x0] =	vst.idx.msk $0xffff, v17  }
0x129: {  	v17 =	vld.idx.msk [tilespmem:v20+s16+$0x0], $0xffff  }
0x12a: {  	v18 =	vor.u32 v7, v16  }
0x12b: {  	v20 =	vor.u32 v8, v19;
	_ =	sdelay $0x3  }
0x12c: {  	[tilespmem:v18+s31+$0x0] =	vst.idx.msk $0xffff, v17  }
0x12d: {  	v17 =	vld.idx.msk [tilespmem:v20+s16+$0x0], $0xffff  }
0x12e: {  	v18 =	vor.u32 v9, v16  }
0x12f: {  	v20 =	vor.u32 v10, v19;
	_ =	sdelay $0x3  }
0x130: {  	[tilespmem:v18+s31+$0x0] =	vst.idx.msk $0xffff, v17  }
0x131: {  	v17 =	vld.idx.msk [tilespmem:v20+s16+$0x0], $0xffff  }
0x132: {  	v18 =	vor.u32 v11, v16  }
0x133: {  	v20 =	vor.u32 v12, v19;
	_ =	sdelay $0x3  }
0x134: {  	[tilespmem:v18+s31+$0x0] =	vst.idx.msk $0xffff, v17  }
0x135: {  	v17 =	vld.idx.msk [tilespmem:v20+s16+$0x0], $0xffff  }
0x136: {  	v18 =	vor.u32 v13, v16  }
0x137: {  	v19 =	vor.u32 v14, v19  }
.Ltmp4:
0x138: {  	(pc) =	sbr.rel @p2 .LBB2_10-.Ltmp4, $3  }
0x139: {  	_ =	sdelay $0x1  }
0x13a: {  	[tilespmem:v18+s31+$0x0] =	vst.idx.msk $0xffff, v17  }
0x13b: {  	v17 =	vadd.s32 s28, v0;
	s28 =	sadd.s32 $0x1, s28;
	v18 =	vld.idx.msk [tilespmem:v19+s16+$0x0], $0xffff  }
0x13c: {  	v19 =	vand.u32 $0x1F, v17;
	v16 =	vor.u32 v15, v16  }
0x13d: {  	v20 =	vor.u32 v1, v19;
	_ =	sdelay $0x2  }
0x13e: {  	v17 =	vshll.u32 v17, $0x7  }
0x13f: {  	[tilespmem:v16+s31+$0x0] =	vst.idx.msk $0xffff, v18;
	v16 =	vand.u32 $0xF80, v17  }
0x140: {  	v17 =	vld.idx.msk [tilespmem:v20+s16+$0x0], $0xffff;
	v18 =	vor.u32 v0, v16  }
0x141: {  	v20 =	vor.u32 v2, v19;
	_ =	sdelay $0x3  }
0x142: {  	[tilespmem:v18+s31+$0x0] =	vst.idx.msk $0xffff, v17  }
0x143: {  	v18 =	vor.u32 v3, v16;
	v17 =	vld.idx.msk [tilespmem:v20+s16+$0x0], $0xffff  }
0x144: {  	v20 =	vor.u32 v4, v19;
	_ =	sdelay $0x3  }
0x145: {  	[tilespmem:v18+s31+$0x0] =	vst.idx.msk $0xffff, v17  }
0x146: {  	v18 =	vor.u32 v5, v16;
	v17 =	vld.idx.msk [tilespmem:v20+s16+$0x0], $0xffff  }
0x147: {  	v20 =	vor.u32 v6, v19;
	_ =	sdelay $0x3  }
0x148: {  	[tilespmem:v18+s31+$0x0] =	vst.idx.msk $0xffff, v17  }
0x149: {  	v18 =	vor.u32 v7, v16;
	v17 =	vld.idx.msk [tilespmem:v20+s16+$0x0], $0xffff  }
0x14a: {  	v20 =	vor.u32 v8, v19;
	_ =	sdelay $0x3  }
0x14b: {  	[tilespmem:v18+s31+$0x0] =	vst.idx.msk $0xffff, v17  }
0x14c: {  	v18 =	vor.u32 v9, v16;
	v17 =	vld.idx.msk [tilespmem:v20+s16+$0x0], $0xffff  }
0x14d: {  	v20 =	vor.u32 v10, v19;
	_ =	sdelay $0x3  }
0x14e: {  	[tilespmem:v18+s31+$0x0] =	vst.idx.msk $0xffff, v17  }
0x14f: {  	v18 =	vor.u32 v11, v16;
	v17 =	vld.idx.msk [tilespmem:v20+s16+$0x0], $0xffff  }
0x150: {  	v20 =	vor.u32 v12, v19;
	_ =	sdelay $0x3  }
0x151: {  	[tilespmem:v18+s31+$0x0] =	vst.idx.msk $0xffff, v17  }
0x152: {  	v18 =	vor.u32 v13, v16;
	v17 =	vld.idx.msk [tilespmem:v20+s16+$0x0], $0xffff  }
0x153: {  	v19 =	vor.u32 v14, v19;
	_ =	sdelay $0x3  }
0x154: {  	[tilespmem:v18+s31+$0x0] =	vst.idx.msk $0xffff, v17  }
0x155: {  	v16 =	vor.u32 v15, v16;
	v17 =	vld.idx.msk [tilespmem:v19+s16+$0x0], $0xffff;
	_ =	sdelay $0x4  }
0x156: {  	s1 =	sadd.s32 @!p0 $0x300, s23;
	s28 =	simm.s32 @!p0 $0x80;
	s29 =	simm.s32 @!p0 $0x5400;
	[tilespmem:v16+s31+$0x0] =	vst.idx.msk $0xffff, v17  }
0x157: {  	[tilespmem:s29], [sflag:$0x3] =	stream.indirect.gather @!p0 [hbm4b:s4+s28], $0x20, s1, s28, $0xb8;
	[tilespmem:$0xB400] =	vst v63  }
0x158: {  	s1 =	simm.s32 @!p1 $0x7  }
0x159: {  	_ =	swait.ge @!p1 [sflag:s1], $0x400  }
0x15a: {  	[sflag:s1] =	ssyncset.done @!p1 $0x0  }
0x15b: {  	[sflag:s1] =	ssyncadd.s32 @!p1 $0xFFFFFC00  }
0x15c: {  	_ =	swait.ge @!p1 [sflag:s1], $0x400  }
0x15d: {  	[sflag:s1] =	ssyncset.done @!p1 $0x0  }
0x15e: {  	[sflag:s1] =	ssyncadd.s32 @!p1 $0xFFFFFC00  }
0x15f: {  	s28 =	sor.u32 $0x2, s26;
	_ =	swait.ge @!p1 [sflag:s1], $0x400  }
0x160: {  	s28 =	sadd.s32 s6, s28;
	[sflag:s1] =	ssyncset.done @!p1 $0x0  }
0x161: {  	s0 =	sshll.u32 s28, $0x9;
	s28 =	sshll.u32 s28, $0x7;
	[sflag:s1] =	ssyncadd.s32 @!p1 $0xFFFFFC00  }
0x162: {  	s29 =	sand.u32 $0xFFF0000, s0;
	s28 =	sand.u32 $0x3F00, s28;
	_ =	swait.ge @!p1 [sflag:s1], $0x400  }
0x163: {  	s28 =	sor.u32 s28, s29;
	[sflag:s1] =	ssyncset.done @!p1 $0x0  }
0x164: {  	s29 =	simm.s32 $0x0;
	s0 =	sadd.s32 s2, s28;
	[sflag:s1] =	ssyncadd.s32 @!p1 $0xFFFFFC00  }
0x165: {  	[hbm4b:s0+s29] =	stream.linear.scatter [tilespmem:s31], [sflag:$0x7], $0x400, $0x38;
	[tilespmem:$0xB400] =	vst v63  }
0x166: {  	s1 =	sadd.s32 s28, s7;
	s0 =	simm.s32 $0x9800  }
0x167: {  	[hbm4b:s1+s29] =	stream.linear.scatter [tilespmem:s0], [sflag:$0x7], $0x400, $0x38;
	[tilespmem:$0xB400] =	vst v63  }
0x168: {  	v16 =	vadd.s32 s29, v0;
	s1 =	sadd.s32 s28, s8;
	s0 =	simm.s32 $0x9C00  }
0x169: {  	v17 =	vand.u32 $0x1F, v16;
	[hbm4b:s1+s29] =	stream.linear.scatter [tilespmem:s0], [sflag:$0x7], $0x400, $0x38;
	[tilespmem:$0xB400] =	vst v63  }
0x16a: {  	v18 =	vor.u32 v1, v17;
	s0 =	sadd.s32 s28, s9  }
0x16b: {  	[hbm4b:s0+s29] =	stream.linear.scatter [tilespmem:s15], [sflag:$0x7], $0x400, $0x38;
	[tilespmem:$0xB400] =	vst v63  }
0x16c: {  	_ =	swait.ge [sflag:s17], $0x1000  }
0x16d: {  	v16 =	vshll.u32 v16, $0x7;
	[sflag:s17] =	ssyncset.done $0x0  }
0x16e: {  	v16 =	vand.u32 $0xF80, v16;
	[sflag:s17] =	ssyncadd.s32 $0xFFFFF000  }
0x16f: {  	v19 =	vor.u32 v0, v16;
	v18 =	vld.idx.msk [tilespmem:v18+s18+$0x0], $0xffff  }
0x170: {  	v20 =	vor.u32 v2, v17;
	_ =	sdelay $0x3  }
0x171: {  	[tilespmem:v19+s5+$0x0] =	vst.idx.msk $0xffff, v18  }
0x172: {  	v19 =	vor.u32 v3, v16;
	v18 =	vld.idx.msk [tilespmem:v20+s18+$0x0], $0xffff  }
0x173: {  	v20 =	vor.u32 v4, v17;
	_ =	sdelay $0x3  }
0x174: {  	[tilespmem:v19+s5+$0x0] =	vst.idx.msk $0xffff, v18  }
0x175: {  	v19 =	vor.u32 v5, v16;
	v18 =	vld.idx.msk [tilespmem:v20+s18+$0x0], $0xffff  }
0x176: {  	v20 =	vor.u32 v6, v17;
	_ =	sdelay $0x3  }
0x177: {  	[tilespmem:v19+s5+$0x0] =	vst.idx.msk $0xffff, v18  }
0x178: {  	v19 =	vor.u32 v7, v16;
	v18 =	vld.idx.msk [tilespmem:v20+s18+$0x0], $0xffff  }
0x179: {  	v20 =	vor.u32 v8, v17;
	_ =	sdelay $0x3  }
0x17a: {  	[tilespmem:v19+s5+$0x0] =	vst.idx.msk $0xffff, v18  }
0x17b: {  	v19 =	vor.u32 v9, v16;
	v18 =	vld.idx.msk [tilespmem:v20+s18+$0x0], $0xffff  }
0x17c: {  	v20 =	vor.u32 v10, v17;
	_ =	sdelay $0x3  }
0x17d: {  	[tilespmem:v19+s5+$0x0] =	vst.idx.msk $0xffff, v18  }
0x17e: {  	v19 =	vor.u32 v11, v16;
	v18 =	vld.idx.msk [tilespmem:v20+s18+$0x0], $0xffff  }
0x17f: {  	v20 =	vor.u32 v12, v17;
	_ =	sdelay $0x3  }
0x180: {  	[tilespmem:v19+s5+$0x0] =	vst.idx.msk $0xffff, v18  }
0x181: {  	v19 =	vor.u32 v13, v16;
	v18 =	vld.idx.msk [tilespmem:v20+s18+$0x0], $0xffff  }
0x182: {  	v20 =	vor.u32 v14, v17;
	_ =	sdelay $0x3  }
0x183: {  	s29 =	simm.s32 $0x1;
	[tilespmem:v19+s5+$0x0] =	vst.idx.msk $0xffff, v18  }
0x184: {  	s28 =	simm.s32 $0x2;
	v17 =	vadd.s32 s29, v0;
	v18 =	vld.idx.msk [tilespmem:v20+s18+$0x0], $0xffff  }
.LBB2_12:
0x185: {  	p2 =	sne.s32 s28, $0x1F;
	v19 =	vand.u32 $0x1F, v17;
	v16 =	vor.u32 v15, v16  }
0x186: {  	v20 =	vor.u32 v1, v19;
	_ =	sdelay $0x3  }
0x187: {  	v17 =	vshll.u32 v17, $0x7;
	[tilespmem:v16+s5+$0x0] =	vst.idx.msk $0xffff, v18  }
0x188: {  	v16 =	vand.u32 $0xF80, v17;
	v17 =	vld.idx.msk [tilespmem:v20+s18+$0x0], $0xffff  }
0x189: {  	v18 =	vor.u32 v0, v16  }
0x18a: {  	v20 =	vor.u32 v2, v19;
	_ =	sdelay $0x3  }
0x18b: {  	[tilespmem:v18+s5+$0x0] =	vst.idx.msk $0xffff, v17  }
0x18c: {  	v17 =	vld.idx.msk [tilespmem:v20+s18+$0x0], $0xffff  }
0x18d: {  	v18 =	vor.u32 v3, v16  }
0x18e: {  	v20 =	vor.u32 v4, v19;
	_ =	sdelay $0x3  }
0x18f: {  	[tilespmem:v18+s5+$0x0] =	vst.idx.msk $0xffff, v17  }
0x190: {  	v17 =	vld.idx.msk [tilespmem:v20+s18+$0x0], $0xffff  }
0x191: {  	v18 =	vor.u32 v5, v16  }
0x192: {  	v20 =	vor.u32 v6, v19;
	_ =	sdelay $0x3  }
0x193: {  	[tilespmem:v18+s5+$0x0] =	vst.idx.msk $0xffff, v17  }
0x194: {  	v17 =	vld.idx.msk [tilespmem:v20+s18+$0x0], $0xffff  }
0x195: {  	v18 =	vor.u32 v7, v16  }
0x196: {  	v20 =	vor.u32 v8, v19;
	_ =	sdelay $0x3  }
0x197: {  	[tilespmem:v18+s5+$0x0] =	vst.idx.msk $0xffff, v17  }
0x198: {  	v17 =	vld.idx.msk [tilespmem:v20+s18+$0x0], $0xffff  }
0x199: {  	v18 =	vor.u32 v9, v16  }
0x19a: {  	v20 =	vor.u32 v10, v19;
	_ =	sdelay $0x3  }
0x19b: {  	[tilespmem:v18+s5+$0x0] =	vst.idx.msk $0xffff, v17  }
0x19c: {  	v17 =	vld.idx.msk [tilespmem:v20+s18+$0x0], $0xffff  }
0x19d: {  	v18 =	vor.u32 v11, v16  }
0x19e: {  	v20 =	vor.u32 v12, v19;
	_ =	sdelay $0x3  }
0x19f: {  	[tilespmem:v18+s5+$0x0] =	vst.idx.msk $0xffff, v17  }
0x1a0: {  	v17 =	vld.idx.msk [tilespmem:v20+s18+$0x0], $0xffff  }
0x1a1: {  	v18 =	vor.u32 v13, v16  }
0x1a2: {  	v19 =	vor.u32 v14, v19  }
.Ltmp5:
0x1a3: {  	(pc) =	sbr.rel @p2 .LBB2_12-.Ltmp5, $3  }
0x1a4: {  	_ =	sdelay $0x1  }
0x1a5: {  	[tilespmem:v18+s5+$0x0] =	vst.idx.msk $0xffff, v17  }
0x1a6: {  	v17 =	vadd.s32 s28, v0;
	s28 =	sadd.s32 $0x1, s28;
	v18 =	vld.idx.msk [tilespmem:v19+s18+$0x0], $0xffff  }
0x1a7: {  	v19 =	vand.u32 $0x1F, v17;
	v16 =	vor.u32 v15, v16  }
0x1a8: {  	v20 =	vor.u32 v1, v19;
	_ =	sdelay $0x2  }
0x1a9: {  	v17 =	vshll.u32 v17, $0x7  }
0x1aa: {  	[tilespmem:v16+s5+$0x0] =	vst.idx.msk $0xffff, v18;
	v16 =	vand.u32 $0xF80, v17  }
0x1ab: {  	v17 =	vld.idx.msk [tilespmem:v20+s18+$0x0], $0xffff;
	v51 =	vor.u32 v0, v16  }
0x1ac: {  	v52 =	vor.u32 v2, v19;
	_ =	sdelay $0x3  }
0x1ad: {  	[tilespmem:v51+s5+$0x0] =	vst.idx.msk $0xffff, v17  }
0x1ae: {  	v53 =	vor.u32 v3, v16;
	v17 =	vld.idx.msk [tilespmem:v52+s18+$0x0], $0xffff  }
0x1af: {  	v54 =	vor.u32 v4, v19;
	_ =	sdelay $0x3  }
0x1b0: {  	[tilespmem:v53+s5+$0x0] =	vst.idx.msk $0xffff, v17  }
0x1b1: {  	v55 =	vor.u32 v5, v16;
	v17 =	vld.idx.msk [tilespmem:v54+s18+$0x0], $0xffff  }
0x1b2: {  	v56 =	vor.u32 v6, v19;
	_ =	sdelay $0x3  }
0x1b3: {  	[tilespmem:v55+s5+$0x0] =	vst.idx.msk $0xffff, v17  }
0x1b4: {  	v57 =	vor.u32 v7, v16;
	v17 =	vld.idx.msk [tilespmem:v56+s18+$0x0], $0xffff  }
0x1b5: {  	v58 =	vor.u32 v8, v19;
	_ =	sdelay $0x3  }
0x1b6: {  	[tilespmem:v57+s5+$0x0] =	vst.idx.msk $0xffff, v17  }
0x1b7: {  	v59 =	vor.u32 v9, v16;
	v17 =	vld.idx.msk [tilespmem:v58+s18+$0x0], $0xffff  }
0x1b8: {  	v60 =	vor.u32 v10, v19;
	_ =	sdelay $0x3  }
0x1b9: {  	[tilespmem:v59+s5+$0x0] =	vst.idx.msk $0xffff, v17  }
0x1ba: {  	v61 =	vor.u32 v11, v16;
	v17 =	vld.idx.msk [tilespmem:v60+s18+$0x0], $0xffff  }
0x1bb: {  	v62 =	vor.u32 v12, v19;
	_ =	sdelay $0x3  }
0x1bc: {  	[tilespmem:v61+s5+$0x0] =	vst.idx.msk $0xffff, v17  }
0x1bd: {  	v63 =	vor.u32 v13, v16;
	v17 =	vld.idx.msk [tilespmem:v62+s18+$0x0], $0xffff  }
0x1be: {  	v19 =	vor.u32 v14, v19;
	_ =	sdelay $0x3  }
0x1bf: {  	[tilespmem:v63+s5+$0x0] =	vst.idx.msk $0xffff, v17  }
0x1c0: {  	v16 =	vor.u32 v15, v16;
	v17 =	vld.idx.msk [tilespmem:v19+s18+$0x0], $0xffff;
	_ =	sdelay $0x4  }
0x1c1: {  	s1 =	sadd.s32 @!p0 $0x380, s23;
	s23 =	simm.s32 @!p0 $0x80;
	s28 =	simm.s32 @!p0 $0x6400;
	[tilespmem:v16+s5+$0x0] =	vst.idx.msk $0xffff, v17  }
0x1c2: {  	[tilespmem:s28], [sflag:$0x4] =	stream.indirect.gather @!p0 [hbm4b:s4+s23], $0x20, s1, s23, $0xb8;
	[tilespmem:$0xB400] =	vst v63  }
0x1c3: {  	s1 =	simm.s32 @!p1 $0x8  }
0x1c4: {  	_ =	swait.ge @!p1 [sflag:s1], $0x400  }
0x1c5: {  	[sflag:s1] =	ssyncset.done @!p1 $0x0  }
0x1c6: {  	[sflag:s1] =	ssyncadd.s32 @!p1 $0xFFFFFC00  }
0x1c7: {  	_ =	swait.ge @!p1 [sflag:s1], $0x400  }
0x1c8: {  	[sflag:s1] =	ssyncset.done @!p1 $0x0  }
0x1c9: {  	[sflag:s1] =	ssyncadd.s32 @!p1 $0xFFFFFC00  }
0x1ca: {  	s28 =	sor.u32 $0x3, s26;
	_ =	swait.ge @!p1 [sflag:s1], $0x400  }
0x1cb: {  	s23 =	sadd.s32 s6, s28;
	[sflag:s1] =	ssyncset.done @!p1 $0x0  }
0x1cc: {  	s29 =	sshll.u32 s23, $0x9;
	s23 =	sshll.u32 s23, $0x7;
	[sflag:s1] =	ssyncadd.s32 @!p1 $0xFFFFFC00  }
0x1cd: {  	s26 =	sand.u32 $0xFFF0000, s29;
	s23 =	sand.u32 $0x3F80, s23;
	_ =	swait.ge @!p1 [sflag:s1], $0x400  }
0x1ce: {  	s23 =	sor.u32 s23, s26;
	[sflag:s1] =	ssyncset.done @!p1 $0x0  }
0x1cf: {  	s22 =	sadd.s32 $0x1, s22;
	s0 =	sadd.s32 s2, s23;
	[sflag:s1] =	ssyncadd.s32 @!p1 $0xFFFFFC00  }
0x1d0: {  	[hbm4b:s0+s3] =	stream.linear.scatter [tilespmem:s5], [sflag:$0x8], $0x400, $0x38;
	[tilespmem:$0xB400] =	vst v63  }
0x1d1: {  	p0 =	sne.s32 s22, $0x1A;
	s26 =	sadd.s32 s23, s7  }
0x1d2: {  	[hbm4b:s26+s3] =	stream.linear.scatter [tilespmem:s10], [sflag:$0x8], $0x400, $0x38;
	[tilespmem:$0xB400] =	vst v63  }
.Ltmp6:
0x1d3: {  	_ = 	snop;
	(pc) =	sbr.rel @p0 .LBB2_2-.Ltmp6, $4  }
0x1d4: {  	s28 =	sadd.s32 s23, s8  }
0x1d5: {  	[hbm4b:s28+s3] =	stream.linear.scatter [tilespmem:s11], [sflag:$0x8], $0x400, $0x38;
	[tilespmem:$0xB400] =	vst v63  }
0x1d6: {  	s29 =	sadd.s32 s23, s9  }
0x1d7: {  	[hbm4b:s29+s3] =	stream.linear.scatter [tilespmem:s12], [sflag:$0x8], $0x400, $0x38;
	[tilespmem:$0xB400] =	vst v63  }
0x1d8: {  	_ =	swait.ge [sflag:s21], $0x400  }
0x1d9: {  	[sflag:s21] =	ssyncset.done $0x0  }
0x1da: {  	[sflag:s21] =	ssyncadd.s32 $0xFFFFFC00  }
0x1db: {  	_ =	swait.ge [sflag:s21], $0x400  }
0x1dc: {  	[sflag:s21] =	ssyncset.done $0x0  }
0x1dd: {  	[sflag:s21] =	ssyncadd.s32 $0xFFFFFC00  }
0x1de: {  	_ =	swait.ge [sflag:s21], $0x400  }
0x1df: {  	[sflag:s21] =	ssyncset.done $0x0  }
0x1e0: {  	[sflag:s21] =	ssyncadd.s32 $0xFFFFFC00  }
0x1e1: {  	_ =	swait.ge [sflag:s21], $0x400  }
0x1e2: {  	[sflag:s21] =	ssyncset.done $0x0  }
0x1e3: {  	s0 =	simm.s32 $0x6;
	[sflag:s21] =	ssyncadd.s32 $0xFFFFFC00  }
0x1e4: {  	_ =	swait.ge [sflag:s0], $0x400  }
0x1e5: {  	[sflag:s0] =	ssyncset.done $0x0  }
0x1e6: {  	[sflag:s0] =	ssyncadd.s32 $0xFFFFFC00  }
0x1e7: {  	_ =	swait.ge [sflag:s0], $0x400  }
0x1e8: {  	[sflag:s0] =	ssyncset.done $0x0  }
0x1e9: {  	[sflag:s0] =	ssyncadd.s32 $0xFFFFFC00  }
0x1ea: {  	_ =	swait.ge [sflag:s0], $0x400  }
0x1eb: {  	[sflag:s0] =	ssyncset.done $0x0  }
0x1ec: {  	[sflag:s0] =	ssyncadd.s32 $0xFFFFFC00  }
0x1ed: {  	_ =	swait.ge [sflag:s0], $0x400  }
0x1ee: {  	[sflag:s0] =	ssyncset.done $0x0  }
0x1ef: {  	s28 =	simm.s32 $0x7;
	[sflag:s0] =	ssyncadd.s32 $0xFFFFFC00  }
0x1f0: {  	_ =	swait.ge [sflag:s28], $0x400  }
0x1f1: {  	[sflag:s28] =	ssyncset.done $0x0  }
0x1f2: {  	[sflag:s28] =	ssyncadd.s32 $0xFFFFFC00  }
0x1f3: {  	_ =	swait.ge [sflag:s28], $0x400  }
0x1f4: {  	[sflag:s28] =	ssyncset.done $0x0  }
0x1f5: {  	[sflag:s28] =	ssyncadd.s32 $0xFFFFFC00  }
0x1f6: {  	_ =	swait.ge [sflag:s28], $0x400  }
0x1f7: {  	[sflag:s28] =	ssyncset.done $0x0  }
0x1f8: {  	[sflag:s28] =	ssyncadd.s32 $0xFFFFFC00  }
0x1f9: {  	_ =	swait.ge [sflag:s28], $0x400  }
0x1fa: {  	[sflag:s28] =	ssyncset.done $0x0  }
0x1fb: {  	s29 =	simm.s32 $0x8;
	[sflag:s28] =	ssyncadd.s32 $0xFFFFFC00  }
0x1fc: {  	_ =	swait.ge [sflag:s29], $0x400  }
0x1fd: {  	[sflag:s29] =	ssyncset.done $0x0  }
0x1fe: {  	[sflag:s29] =	ssyncadd.s32 $0xFFFFFC00  }
0x1ff: {  	_ =	swait.ge [sflag:s29], $0x400  }
0x200: {  	[sflag:s29] =	ssyncset.done $0x0  }
0x201: {  	[sflag:s29] =	ssyncadd.s32 $0xFFFFFC00  }
0x202: {  	_ =	swait.ge [sflag:s29], $0x400  }
0x203: {  	[sflag:s29] =	ssyncset.done $0x0  }
0x204: {  	[sflag:s29] =	ssyncadd.s32 $0xFFFFFC00  }
0x205: {  	_ =	swait.ge [sflag:s29], $0x400  }
0x206: {  	s22 =	rddreg [dreg:$0x5]  }
0x207: {  	s1 =	rddreg [dreg:$0x4];
	s22 =	sadd.s32 $0x1, s22  }
0x208: {  	p0 =	sne.s32 s22, s1  }
.Ltmp7:
0x209: {  	_ = 	snop;
	(pc) =	sbr.rel @p0 .LBB2_1-.Ltmp7, $3  }
0x20a: {  	_ =	sdelay $0x1  }
0x20b: {  	[sflag:s29] =	ssyncset.done $0x0  }
0x20c: {  	[sflag:s29] =	ssyncadd.s32 $0xFFFFFC00  }
0x20d: {  	_ =	sfence.sel $0x180000  }
0x20e: {  	[bflag:$0x0] =	sbarrier.arrive $0xFFFF  }
0x20f: {  	_ =	strace $0x90000047  }
0x210: {  	s0 =	stileid.u32;
	[bflag:$0x2] =	sbarrier.arrive $0xFFFF  }
0x211: {  	p0 =	sne.s32 s0, $0x0;
	s0 =	rddreg [dreg:$0x2]  }
0x212: {  	s0 =	sadd.s32 @!p0 $0x100000, s0  }
0x213: {  	[sflag:s0] =	ssyncadd.tile.s32 @!p0 $0x1;
	_ =	shalt  }
.Lfunc_end2:
_tile_overlayer_lowered:
.L_overlay_start_2:
0x214: {  	(tag) =	ssettag $0x2  }
0x215: {  	s0 =	rddreg [dreg:$0x0];
	s2 =	stileid.u32  }
0x216: {  	s1 =	rddreg [dreg:$0x1];
	p0 =	sne.s32 s2, $0x0  }
0x217: {  	s3 =	rddreg [dreg:$0x2];
	[bflag:$0x3] =	sbarrier.arrive $0xFFFF;
	s2 =	simm.s32 @!p0 $0x1C09  }
0x218: {  	[timem:s3], [sflag:s2] =	dma.local @!p0 [hbm:s0], s1  }
0x219: {  	s0 =	simm.s32 @!p0 $0x9  }
0x21a: {  	_ =	swait.ge @!p0 [sflag:s0], s1  }
0x21b: {  	s1 =	ssub.s32 @!p0 $0x0, s1;
	[sflag:s0] =	ssyncset.done @!p0 $0x0  }
0x21c: {  	[sflag:s0] =	ssyncadd.s32 @!p0 s1  }
0x21d: {  	[bflag:$0x3] =	sbarrier.arrive $0xFFFF  }
0x21e: {  	_ =	shalt  }

</sc_bundles>
